<compile_context>
chip_gen: v7x
topology: tpu7x:2x2x1
jax: 0.10.2.dev20260603
libtpu: 0.0.44.dev20260713+nightly
codegen_flags: <defaults>
</compile_context>

<pallas_src>
import jax
import jax.numpy as jnp
from jax import lax
from jax.experimental import pallas as pl
from jax.experimental.pallas import tpu as pltpu
from jax.experimental.pallas import tpu_sc as plsc

N = 10000
E = 320000
D = 128
NC = 2
NS = 16
NW = NC * NS
EPW = E // NW
CHK = 80
NCH = EPW // CHK
RPT = N // NS
L = 16

_mesh = plsc.VectorSubcoreMesh(
    core_axis_name="c", subcore_axis_name="s", num_cores=NC, num_subcores=NS
)


NPAD = 10240
HPT = NPAD // NS


def _deg_body(ei_hbm, out_hbm, src_b, dst_b, ones_v, zbuf, acc_o, acc_i, hsem):
    c = lax.axis_index("c")
    s = lax.axis_index("s")
    wid = s * NC + c

    zeros16 = jnp.zeros((L,), jnp.float32)
    ones16 = jnp.ones((L,), jnp.float32)

    def fill_body(i, carry):
        ones_v[pl.ds(i * L, L)] = ones16
        return carry

    lax.fori_loop(0, 128 // L, fill_body, 0)

    def zero_body(i, carry):
        zbuf[pl.ds(i * L, L)] = zeros16
        return carry

    lax.fori_loop(0, HPT // L, zero_body, 0)
    pltpu.sync_copy(zbuf, acc_o.at[pl.ds(s * HPT, HPT)])
    pltpu.sync_copy(zbuf, acc_i.at[pl.ds(s * HPT, HPT)])
    plsc.subcore_barrier()

    pltpu.sync_copy(ei_hbm.at[0, wid], src_b)
    pltpu.sync_copy(ei_hbm.at[1, wid], dst_b)

    ones = ones_v.at[pl.ds(0, CHK)]

    def hist_fire(j, slot):
        pltpu.async_copy(ones, acc_o.at[src_b.at[j]], hsem.at[2 * slot], add=True)
        pltpu.async_copy(ones, acc_i.at[dst_b.at[j]], hsem.at[2 * slot + 1], add=True)

    def hist_wait(j, slot):
        pltpu.make_async_copy(ones, acc_o.at[src_b.at[j]], hsem.at[2 * slot]).wait()
        pltpu.make_async_copy(ones, acc_i.at[dst_b.at[j]], hsem.at[2 * slot + 1]).wait()

    hist_fire(0, 0)
    hist_fire(1, 1)

    def hist_body(jj, carry):
        j0 = jj * 2
        hist_wait(j0, 0)

        @pl.when(j0 + 2 < NCH)
        def _():
            hist_fire(j0 + 2, 0)

        hist_wait(j0 + 1, 1)

        @pl.when(j0 + 3 < NCH)
        def _():
            hist_fire(j0 + 3, 1)

        return carry

    lax.fori_loop(0, NCH // 2, hist_body, 0)
    hist_wait(NCH - 1, 0)
    plsc.subcore_barrier()

    @pl.when(s == 0)
    def _():
        pltpu.sync_copy(acc_o, out_hbm.at[c, 0, 0])
        pltpu.sync_copy(acc_i, out_hbm.at[c, 1, 0])


_deg_call = pl.kernel(
    _deg_body,
    out_type=jax.ShapeDtypeStruct((NC, 2, 1, NPAD), jnp.float32),
    mesh=_mesh,
    scratch_types=[
        pltpu.VMEM((NCH, CHK), jnp.int32),
        pltpu.VMEM((NCH, CHK), jnp.int32),
        pltpu.VMEM((128,), jnp.float32),
        pltpu.VMEM((HPT,), jnp.float32),
        pltpu.VMEM_SHARED((NPAD,), jnp.float32),
        pltpu.VMEM_SHARED((NPAD,), jnp.float32),
        pltpu.SemaphoreType.DMA((4,)),
    ],
)


DPT = 624
TAIL = N - NS * DPT
ZR = 48
PH0 = 64
NB = 3


def _edge_body(ei4_hbm, ei_hbm, y_hbm, out_hbm, src_f, dst_b, rows, acc, gsem, ssem):
    c = lax.axis_index("c")
    s = lax.axis_index("s")
    wid = s * NC + c

    zeros16 = jnp.zeros((L,), jnp.float32)

    def zrow(i, carry):
        def zcol(k, carry2):
            rows[0, i, pl.ds(k * L, L)] = zeros16
            return carry2

        return lax.fori_loop(0, D // L, zcol, carry)

    lax.fori_loop(0, ZR, zrow, 0)

    base = s * DPT
    for r in range(DPT // ZR):
        pltpu.sync_copy(rows.at[0].at[pl.ds(0, ZR)], acc.at[pl.ds(base + r * ZR, ZR)])

    @pl.when(s == 0)
    def _():
        pltpu.sync_copy(rows.at[0].at[pl.ds(0, TAIL)], acc.at[pl.ds(NS * DPT, TAIL)])

    plsc.subcore_barrier()

    pltpu.sync_copy(ei4_hbm.at[0, wid, 0], src_f)

    def src_sl(j):
        return src_f.at[pl.ds(pl.multiple_of(j * CHK, CHK), CHK)]

    def g_start(j, bn):
        pltpu.async_copy(y_hbm.at[src_sl(j)], rows.at[bn], gsem.at[bn])

    def g_wait(j, bn):
        pltpu.make_async_copy(y_hbm.at[src_sl(j)], rows.at[bn], gsem.at[bn]).wait()

    def s_start(lj, bn):
        pltpu.async_copy(rows.at[bn], acc.at[dst_b.at[lj]], ssem.at[bn], add=True)

    def s_wait(lj, bn):
        pltpu.make_async_copy(rows.at[bn], acc.at[dst_b.at[lj]], ssem.at[bn]).wait()

    for ph, (B, M) in enumerate([(0, PH0), (PH0, NCH - PH0)]):
        nrows = min(PH0, M)
        pltpu.sync_copy(
            ei_hbm.at[1, wid].at[pl.ds(B, nrows)], dst_b.at[pl.ds(0, nrows)]
        )
        g_start(B + 0, 0)
        g_start(B + 1, 1)

        def lane(l, t):
            g_wait(B + l, t)
            s_start(l, t)

            @pl.when(jnp.logical_and(l + 2 < M, l >= 1))
            def _():
                s_wait(l - 1, (t + 2) % NB)

            @pl.when(l + 2 < M)
            def _():
                g_start(B + l + 2, (t + 2) % NB)

        def group_body(gi, carry):
            for t in range(NB):
                lane(gi * NB + t, t)
            return carry

        ngroups = (M - 1) // NB
        lax.fori_loop(0, ngroups, group_body, 0)
        lp = M - 1
        lane(lp, lp % NB)
        for l in (M - 3, M - 2, M - 1):
            s_wait(l, l % NB)

    plsc.subcore_barrier()

    pltpu.sync_copy(acc.at[pl.ds(base, DPT)], out_hbm.at[c, pl.ds(base, DPT)])

    @pl.when(s == 0)
    def _():
        pltpu.sync_copy(acc.at[pl.ds(NS * DPT, TAIL)], out_hbm.at[c, pl.ds(NS * DPT, TAIL)])


_edge_call = pl.kernel(
    _edge_body,
    out_type=jax.ShapeDtypeStruct((NC, N, D), jnp.float32),
    mesh=_mesh,
    scratch_types=[
        pltpu.VMEM((EPW,), jnp.int32),
        pltpu.VMEM((PH0, CHK), jnp.int32),
        pltpu.VMEM((NB, CHK, D), jnp.float32),
        pltpu.VMEM_SHARED((N, D), jnp.float32),
        pltpu.SemaphoreType.DMA((NB,)),
        pltpu.SemaphoreType.DMA((NB,)),
    ],
)


def _mm_body(x_ref, w_ref, deg_ref, y_ref):
    deg = (deg_ref[0, 0, 0] + deg_ref[1, 0, 0])[:N]
    nrm = lax.rsqrt(jnp.maximum(deg, 1.0))
    z = jnp.dot(x_ref[...], w_ref[...], preferred_element_type=jnp.float32)
    y_ref[...] = z * nrm[:, None]


def _ep_body(s_ref, deg_ref, b_ref, o_ref):
    agg = s_ref[0] + s_ref[1]
    deg = (deg_ref[0, 1, 0] + deg_ref[1, 1, 0])[:N]
    nrm = lax.rsqrt(jnp.maximum(deg, 1.0))
    o_ref[...] = jnp.maximum(agg * nrm[:, None] + b_ref[...], 0.0)


def kernel(x, edge_index, W, b):
    ei_blk = edge_index.reshape(2, NW, NCH, CHK)
    ei4 = edge_index.reshape(2, NW, 1, EPW)

    degs = _deg_call(ei_blk)
    y = pl.pallas_call(
        _mm_body, out_shape=jax.ShapeDtypeStruct((N, D), jnp.float32)
    )(x, W, degs)
    parts = _edge_call(ei4, ei_blk, y)
    out = pl.pallas_call(
        _ep_body, out_shape=jax.ShapeDtypeStruct((N, D), jnp.float32)
    )(parts, degs, b.reshape(1, D))
    return out

# --- scband reference (transcript-rebuilt; emitter-appended) ---
"""Pipeline reference for scband-gnn-multi-dim-spatial-block-38328288149511 (READ-ONLY COPY).

The authoritative reference and input builder live on the scoring server;
editing this copy changes nothing except your own understanding.
"""

import jax, jax.numpy as jnp
import numpy as np

N = 10000
E = 320000
D_IN = 128
D_OUT = 128


def setup_inputs(seed: int = 0) -> dict:
    key = jax.random.key(seed)
    k1, k2, k3, k4 = jax.random.split(key, 4)
    x = jax.random.normal(k1, (N, D_IN), dtype=jnp.float32)
    edge_index = jax.random.randint(k2, (2, E), 0, N, dtype=jnp.int32)
    # learned params for the graph-conv block (symmetric-normalized GraphConv)
    W = jax.random.normal(k3, (D_IN, D_OUT), dtype=jnp.float32) * (1.0 / np.sqrt(D_IN))
    b = jnp.zeros((D_OUT,), dtype=jnp.float32)
    return {"x": x, "edge_index": edge_index, "W": W, "b": b}


def reference(x, edge_index, W, b):
    src = edge_index[0]
    dst = edge_index[1]
    ones = jnp.ones((E,), dtype=jnp.float32)
    deg_out = jnp.zeros((N,), dtype=jnp.float32).at[src].add(ones)
    deg_in = jnp.zeros((N,), dtype=jnp.float32).at[dst].add(ones)
    norm_src = jax.lax.rsqrt(jnp.clip(deg_out, 1.0, None))
    norm_dst = jax.lax.rsqrt(jnp.clip(deg_in, 1.0, None))
    # gather source features, scale by src norm (memory-bound gather)
    msg = x[src] * norm_src[src][:, None]
    # scatter-add aggregation to destination nodes
    agg = jnp.zeros((N, D_IN), dtype=jnp.float32).at[dst].add(msg)
    agg = agg * norm_dst[:, None]
    out = agg @ W + b
    return jax.nn.relu(out)

if __name__ == "__main__":
    import jax
    _d = setup_inputs()
    print(jax.jit(kernel)(*tuple(_d.values())))

</pallas_src>

<mosaic_0001>
#map = affine_map<(d0, d1) -> (0, 0, 0, 0)>
module attributes {stable_mosaic.version = 14 : i64} {
  func.func @_deg_body(%arg0: i32, %arg1: i32, %arg2: memref<2x32x125x80xi32, #tpu.memory_space<hbm>>, %arg3: memref<2x2x1x10240xf32, #tpu.memory_space<hbm>>, %arg4: memref<125x80xi32, #tpu.memory_space<vmem>>, %arg5: memref<125x80xi32, #tpu.memory_space<vmem>>, %arg6: memref<128xf32, #tpu.memory_space<vmem>>, %arg7: memref<640xf32, #tpu.memory_space<vmem>>, %arg8: memref<10240xf32, #tpu.memory_space<vmem_shared>>, %arg9: memref<10240xf32, #tpu.memory_space<vmem_shared>>, %arg10: memref<4x!tpu.dma_semaphore, #tpu.memory_space<semaphore_mem>>) attributes {dimension_semantics = [#tpu.dimension_semantics<core_parallel>, #tpu.dimension_semantics<subcore_parallel>], iteration_bounds = array<i64: 2, 16>, scalar_prefetch = 0 : i64, scratch_operands = 7 : i64, tpu.core_type = #tpu.core_type<sc_vector_subcore>, window_params = [{transform_indices = #map}, {transform_indices = #map}]} {
    %mul3A = arith.constant 2 : i32
    %mul3A_0 = arith.muli %arg1, %mul3A : i32
    %add3A = arith.addi %mul3A_0, %arg0 : i32
    %broadcast_in_dim3A = arith.constant 0.000000e+00 : f32
    %broadcast_in_dim3A_1 = vector.broadcast %broadcast_in_dim3A : f32 to vector<16xf32>
    %broadcast_in_dim3A_2 = arith.constant 1.000000e+00 : f32
    %broadcast_in_dim3A_3 = vector.broadcast %broadcast_in_dim3A_2 : f32 to vector<16xf32>
    %scan3A = arith.constant 0 : i32
    %scan3A_4 = arith.constant 0 : i32
    %scan3A_5 = arith.constant 8 : i32
    %scan3A_6 = arith.addi %scan3A_4, %scan3A_5 : i32
    %scan3A_7 = arith.constant 1 : i32
    scf.for %scan3A_93 = %scan3A_4 to %scan3A_6 step %scan3A_7  : i32 {
      %mul3A_94 = arith.constant 16 : i32
      %mul3A_95 = arith.muli %scan3A_93, %mul3A_94 : i32
      %swap3A = arith.index_cast %mul3A_95 : i32 to index
      %swap3A_96 = tpu.vector_load %arg6[%swap3A] {strides = array<i32>} : memref<128xf32, #tpu.memory_space<vmem>>, vector<16xf32>,
      %swap3A_97 = vector.shape_cast %swap3A_96 : vector<16xf32> to vector<16xf32>
      %swap3A_98 = vector.shape_cast %broadcast_in_dim3A_3 : vector<16xf32> to vector<16xf32>
      tpu.vector_store %arg6[%swap3A], %swap3A_98 {strides = array<i32>} : memref<128xf32, #tpu.memory_space<vmem>>, vector<16xf32>,
    }
    %scan3A_8 = arith.constant 8 : i32
    %scan3A_9 = arith.constant 0 : i32
    %scan3A_10 = arith.constant 0 : i32
    %scan3A_11 = arith.constant 40 : i32
    %scan3A_12 = arith.addi %scan3A_10, %scan3A_11 : i32
    %scan3A_13 = arith.constant 1 : i32
    scf.for %scan3A_93 = %scan3A_10 to %scan3A_12 step %scan3A_13  : i32 {
      %mul3A_94 = arith.constant 16 : i32
      %mul3A_95 = arith.muli %scan3A_93, %mul3A_94 : i32
      %swap3A = arith.index_cast %mul3A_95 : i32 to index
      %swap3A_96 = tpu.vector_load %arg7[%swap3A] {strides = array<i32>} : memref<640xf32, #tpu.memory_space<vmem>>, vector<16xf32>,
      %swap3A_97 = vector.shape_cast %swap3A_96 : vector<16xf32> to vector<16xf32>
      %swap3A_98 = vector.shape_cast %broadcast_in_dim3A_1 : vector<16xf32> to vector<16xf32>
      tpu.vector_store %arg7[%swap3A], %swap3A_98 {strides = array<i32>} : memref<640xf32, #tpu.memory_space<vmem>>, vector<16xf32>,
    }
    %scan3A_14 = arith.constant 40 : i32
    %mul3A_15 = arith.constant 640 : i32
    %mul3A_16 = arith.muli %arg1, %mul3A_15 : i32
    "tpu.region"() ({
      %run_scoped3A_93 = tpu.sem_alloc : memref<!tpu.dma_semaphore, #tpu.memory_space<semaphore_mem>>
      %dma_start3A_94 = tpu.memref_slice %arg8[%mul3A_16] : memref<10240xf32, #tpu.memory_space<vmem_shared>> -> memref<640xf32, #tpu.memory_space<vmem_shared>>
      %dma_start3A_95 = tpu.memref_slice %arg8[%mul3A_16] : memref<10240xf32, #tpu.memory_space<vmem_shared>> -> memref<640xf32, #tpu.memory_space<vmem_shared>>
      tpu.enqueue_dma source(%arg7 : memref<640xf32, #tpu.memory_space<vmem>>) target(%dma_start3A_95 : memref<640xf32, #tpu.memory_space<vmem_shared>>) target_semaphore(%run_scoped3A_93 : memref<!tpu.dma_semaphore, #tpu.memory_space<semaphore_mem>>)
      %dma_wait3A_96 = tpu.memref_slice %arg8[%mul3A_16] : memref<10240xf32, #tpu.memory_space<vmem_shared>> -> memref<640xf32, #tpu.memory_space<vmem_shared>>
      %dma_wait3A_97 = tpu.memref_slice %arg8[%mul3A_16] : memref<10240xf32, #tpu.memory_space<vmem_shared>> -> memref<640xf32, #tpu.memory_space<vmem_shared>>
      tpu.wait_dma2 semaphore(%run_scoped3A_93 : memref<!tpu.dma_semaphore, #tpu.memory_space<semaphore_mem>>) src(%arg7 : memref<640xf32, #tpu.memory_space<vmem>>) dst(%dma_wait3A_97 : memref<640xf32, #tpu.memory_space<vmem_shared>>)
      tpu.yield
    }) : () -> ()
    %mul3A_17 = arith.constant 640 : i32
    %mul3A_18 = arith.muli %arg1, %mul3A_17 : i32
    "tpu.region"() ({
      %run_scoped3A_93 = tpu.sem_alloc : memref<!tpu.dma_semaphore, #tpu.memory_space<semaphore_mem>>
      %dma_start3A_94 = tpu.memref_slice %arg9[%mul3A_18] : memref<10240xf32, #tpu.memory_space<vmem_shared>> -> memref<640xf32, #tpu.memory_space<vmem_shared>>
      %dma_start3A_95 = tpu.memref_slice %arg9[%mul3A_18] : memref<10240xf32, #tpu.memory_space<vmem_shared>> -> memref<640xf32, #tpu.memory_space<vmem_shared>>
      tpu.enqueue_dma source(%arg7 : memref<640xf32, #tpu.memory_space<vmem>>) target(%dma_start3A_95 : memref<640xf32, #tpu.memory_space<vmem_shared>>) target_semaphore(%run_scoped3A_93 : memref<!tpu.dma_semaphore, #tpu.memory_space<semaphore_mem>>)
      %dma_wait3A_96 = tpu.memref_slice %arg9[%mul3A_18] : memref<10240xf32, #tpu.memory_space<vmem_shared>> -> memref<640xf32, #tpu.memory_space<vmem_shared>>
      %dma_wait3A_97 = tpu.memref_slice %arg9[%mul3A_18] : memref<10240xf32, #tpu.memory_space<vmem_shared>> -> memref<640xf32, #tpu.memory_space<vmem_shared>>
      tpu.wait_dma2 semaphore(%run_scoped3A_93 : memref<!tpu.dma_semaphore, #tpu.memory_space<semaphore_mem>>) src(%arg7 : memref<640xf32, #tpu.memory_space<vmem>>) dst(%dma_wait3A_97 : memref<640xf32, #tpu.memory_space<vmem_shared>>)
      tpu.yield
    }) : () -> ()
    %barrier3A = arith.constant 0 : index
    tpu.barrier barrier_id(%barrier3A)
    %run_scoped3A = arith.constant 0 : i32
    "tpu.region"() ({
      %run_scoped3A_93 = tpu.sem_alloc : memref<!tpu.dma_semaphore, #tpu.memory_space<semaphore_mem>>
      %dma_start3A_94 = arith.constant 0 : i32
      %dma_start3A_95 = arith.constant 0 : i32
      %dma_start3A_96 = tpu.memref_slice %arg2[%run_scoped3A, %add3A, %dma_start3A_94, %dma_start3A_95] : memref<2x32x125x80xi32, #tpu.memory_space<hbm>> -> memref<1x1x125x80xi32, #tpu.memory_space<hbm>>
      %dma_start3A_97 = tpu.memref_squeeze %dma_start3A_96 : memref<1x1x125x80xi32, #tpu.memory_space<hbm>> -> memref<125x80xi32, #tpu.memory_space<hbm>>
      %dma_start3A_98 = arith.constant 0 : i32
      %dma_start3A_99 = arith.constant 0 : i32
      %dma_start3A_100 = tpu.memref_slice %arg2[%run_scoped3A, %add3A, %dma_start3A_98, %dma_start3A_99] : memref<2x32x125x80xi32, #tpu.memory_space<hbm>> -> memref<1x1x125x80xi32, #tpu.memory_space<hbm>>
      %dma_start3A_101 = tpu.memref_squeeze %dma_start3A_100 : memref<1x1x125x80xi32, #tpu.memory_space<hbm>> -> memref<125x80xi32, #tpu.memory_space<hbm>>
      tpu.enqueue_dma source(%dma_start3A_101 : memref<125x80xi32, #tpu.memory_space<hbm>>) target(%arg4 : memref<125x80xi32, #tpu.memory_space<vmem>>) target_semaphore(%run_scoped3A_93 : memref<!tpu.dma_semaphore, #tpu.memory_space<semaphore_mem>>)
      %dma_wait3A_102 = arith.constant 0 : i32
      %dma_wait3A_103 = arith.constant 0 : i32
      %dma_wait3A_104 = tpu.memref_slice %arg2[%run_scoped3A, %add3A, %dma_wait3A_102, %dma_wait3A_103] : memref<2x32x125x80xi32, #tpu.memory_space<hbm>> -> memref<1x1x125x80xi32, #tpu.memory_space<hbm>>
      %dma_wait3A_105 = tpu.memref_squeeze %dma_wait3A_104 : memref<1x1x125x80xi32, #tpu.memory_space<hbm>> -> memref<125x80xi32, #tpu.memory_space<hbm>>
      %dma_wait3A_106 = arith.constant 0 : i32
      %dma_wait3A_107 = arith.constant 0 : i32
      %dma_wait3A_108 = tpu.memref_slice %arg2[%run_scoped3A, %add3A, %dma_wait3A_106, %dma_wait3A_107] : memref<2x32x125x80xi32, #tpu.memory_space<hbm>> -> memref<1x1x125x80xi32, #tpu.memory_space<hbm>>
      %dma_wait3A_109 = tpu.memref_squeeze %dma_wait3A_108 : memref<1x1x125x80xi32, #tpu.memory_space<hbm>> -> memref<125x80xi32, #tpu.memory_space<hbm>>
      tpu.wait_dma2 semaphore(%run_scoped3A_93 : memref<!tpu.dma_semaphore, #tpu.memory_space<semaphore_mem>>) src(%dma_wait3A_109 : memref<125x80xi32, #tpu.memory_space<hbm>>) dst(%arg4 : memref<125x80xi32, #tpu.memory_space<vmem>>)
      tpu.yield
    }) : () -> ()
    %run_scoped3A_19 = arith.constant 1 : i32
    "tpu.region"() ({
      %run_scoped3A_93 = tpu.sem_alloc : memref<!tpu.dma_semaphore, #tpu.memory_space<semaphore_mem>>
      %dma_start3A_94 = arith.constant 0 : i32
      %dma_start3A_95 = arith.constant 0 : i32
      %dma_start3A_96 = tpu.memref_slice %arg2[%run_scoped3A_19, %add3A, %dma_start3A_94, %dma_start3A_95] : memref<2x32x125x80xi32, #tpu.memory_space<hbm>> -> memref<1x1x125x80xi32, #tpu.memory_space<hbm>>
      %dma_start3A_97 = tpu.memref_squeeze %dma_start3A_96 : memref<1x1x125x80xi32, #tpu.memory_space<hbm>> -> memref<125x80xi32, #tpu.memory_space<hbm>>
      %dma_start3A_98 = arith.constant 0 : i32
      %dma_start3A_99 = arith.constant 0 : i32
      %dma_start3A_100 = tpu.memref_slice %arg2[%run_scoped3A_19, %add3A, %dma_start3A_98, %dma_start3A_99] : memref<2x32x125x80xi32, #tpu.memory_space<hbm>> -> memref<1x1x125x80xi32, #tpu.memory_space<hbm>>
      %dma_start3A_101 = tpu.memref_squeeze %dma_start3A_100 : memref<1x1x125x80xi32, #tpu.memory_space<hbm>> -> memref<125x80xi32, #tpu.memory_space<hbm>>
      tpu.enqueue_dma source(%dma_start3A_101 : memref<125x80xi32, #tpu.memory_space<hbm>>) target(%arg5 : memref<125x80xi32, #tpu.memory_space<vmem>>) target_semaphore(%run_scoped3A_93 : memref<!tpu.dma_semaphore, #tpu.memory_space<semaphore_mem>>)
      %dma_wait3A_102 = arith.constant 0 : i32
      %dma_wait3A_103 = arith.constant 0 : i32
      %dma_wait3A_104 = tpu.memref_slice %arg2[%run_scoped3A_19, %add3A, %dma_wait3A_102, %dma_wait3A_103] : memref<2x32x125x80xi32, #tpu.memory_space<hbm>> -> memref<1x1x125x80xi32, #tpu.memory_space<hbm>>
      %dma_wait3A_105 = tpu.memref_squeeze %dma_wait3A_104 : memref<1x1x125x80xi32, #tpu.memory_space<hbm>> -> memref<125x80xi32, #tpu.memory_space<hbm>>
      %dma_wait3A_106 = arith.constant 0 : i32
      %dma_wait3A_107 = arith.constant 0 : i32
      %dma_wait3A_108 = tpu.memref_slice %arg2[%run_scoped3A_19, %add3A, %dma_wait3A_106, %dma_wait3A_107] : memref<2x32x125x80xi32, #tpu.memory_space<hbm>> -> memref<1x1x125x80xi32, #tpu.memory_space<hbm>>
      %dma_wait3A_109 = tpu.memref_squeeze %dma_wait3A_108 : memref<1x1x125x80xi32, #tpu.memory_space<hbm>> -> memref<125x80xi32, #tpu.memory_space<hbm>>
      tpu.wait_dma2 semaphore(%run_scoped3A_93 : memref<!tpu.dma_semaphore, #tpu.memory_space<semaphore_mem>>) src(%dma_wait3A_109 : memref<125x80xi32, #tpu.memory_space<hbm>>) dst(%arg5 : memref<125x80xi32, #tpu.memory_space<vmem>>)
      tpu.yield
    }) : () -> ()
    %dma_start3A = arith.constant 0 : i32
    %dma_start3A_20 = arith.constant 0 : i32
    %dma_start3A_21 = arith.constant 0 : i32
    %dma_start3A_22 = tpu.memref_slice %arg6[%dma_start3A_21] : memref<128xf32, #tpu.memory_space<vmem>> -> memref<80xf32, #tpu.memory_space<vmem>>
    %dma_start3A_23 = arith.constant 0 : i32
    %dma_start3A_24 = tpu.memref_slice %arg4[%dma_start3A, %dma_start3A_23] : memref<125x80xi32, #tpu.memory_space<vmem>> -> memref<1x80xi32, #tpu.memory_space<vmem>>
    %dma_start3A_25 = tpu.memref_squeeze %dma_start3A_24 : memref<1x80xi32, #tpu.memory_space<vmem>> -> memref<80xi32, #tpu.memory_space<vmem>>
    %dma_start3A_26 = arith.constant 0 : i32
    %dma_start3A_27 = tpu.memref_slice %arg8[%dma_start3A_26] : memref<10240xf32, #tpu.memory_space<vmem_shared>> -> memref<10240xf32, #tpu.memory_space<vmem_shared>>
    %dma_start3A_28 = tpu.memref_slice %arg10[%dma_start3A_20] : memref<4x!tpu.dma_semaphore, #tpu.memory_space<semaphore_mem>> -> memref<1x!tpu.dma_semaphore, #tpu.memory_space<semaphore_mem>>
    %dma_start3A_29 = tpu.memref_squeeze %dma_start3A_28 : memref<1x!tpu.dma_semaphore, #tpu.memory_space<semaphore_mem>> -> memref<!tpu.dma_semaphore, #tpu.memory_space<semaphore_mem>>
    tpu.enqueue_indirect_dma source(%dma_start3A_22 : memref<80xf32, #tpu.memory_space<vmem>>) target(%dma_start3A_27 : memref<10240xf32, #tpu.memory_space<vmem_shared>>) offsets(%dma_start3A_25 : memref<80xi32, #tpu.memory_space<vmem>>) semaphore(%dma_start3A_29 : memref<!tpu.dma_semaphore, #tpu.memory_space<semaphore_mem>>) {add = true}
    %dma_start3A_30 = arith.constant 0 : i32
    %dma_start3A_31 = arith.constant 1 : i32
    %dma_start3A_32 = arith.constant 0 : i32
    %dma_start3A_33 = tpu.memref_slice %arg6[%dma_start3A_32] : memref<128xf32, #tpu.memory_space<vmem>> -> memref<80xf32, #tpu.memory_space<vmem>>
    %dma_start3A_34 = arith.constant 0 : i32
    %dma_start3A_35 = tpu.memref_slice %arg5[%dma_start3A_30, %dma_start3A_34] : memref<125x80xi32, #tpu.memory_space<vmem>> -> memref<1x80xi32, #tpu.memory_space<vmem>>
    %dma_start3A_36 = tpu.memref_squeeze %dma_start3A_35 : memref<1x80xi32, #tpu.memory_space<vmem>> -> memref<80xi32, #tpu.memory_space<vmem>>
    %dma_start3A_37 = arith.constant 0 : i32
    %dma_start3A_38 = tpu.memref_slice %arg9[%dma_start3A_37] : memref<10240xf32, #tpu.memory_space<vmem_shared>> -> memref<10240xf32, #tpu.memory_space<vmem_shared>>
    %dma_start3A_39 = tpu.memref_slice %arg10[%dma_start3A_31] : memref<4x!tpu.dma_semaphore, #tpu.memory_space<semaphore_mem>> -> memref<1x!tpu.dma_semaphore, #tpu.memory_space<semaphore_mem>>
    %dma_start3A_40 = tpu.memref_squeeze %dma_start3A_39 : memref<1x!tpu.dma_semaphore, #tpu.memory_space<semaphore_mem>> -> memref<!tpu.dma_semaphore, #tpu.memory_space<semaphore_mem>>
    tpu.enqueue_indirect_dma source(%dma_start3A_33 : memref<80xf32, #tpu.memory_space<vmem>>) target(%dma_start3A_38 : memref<10240xf32, #tpu.memory_space<vmem_shared>>) offsets(%dma_start3A_36 : memref<80xi32, #tpu.memory_space<vmem>>) semaphore(%dma_start3A_40 : memref<!tpu.dma_semaphore, #tpu.memory_space<semaphore_mem>>) {add = true}
    %dma_start3A_41 = arith.constant 1 : i32
    %dma_start3A_42 = arith.constant 2 : i32
    %dma_start3A_43 = arith.constant 0 : i32
    %dma_start3A_44 = tpu.memref_slice %arg6[%dma_start3A_43] : memref<128xf32, #tpu.memory_space<vmem>> -> memref<80xf32, #tpu.memory_space<vmem>>
    %dma_start3A_45 = arith.constant 0 : i32
    %dma_start3A_46 = tpu.memref_slice %arg4[%dma_start3A_41, %dma_start3A_45] : memref<125x80xi32, #tpu.memory_space<vmem>> -> memref<1x80xi32, #tpu.memory_space<vmem>>
    %dma_start3A_47 = tpu.memref_squeeze %dma_start3A_46 : memref<1x80xi32, #tpu.memory_space<vmem>> -> memref<80xi32, #tpu.memory_space<vmem>>
    %dma_start3A_48 = arith.constant 0 : i32
    %dma_start3A_49 = tpu.memref_slice %arg8[%dma_start3A_48] : memref<10240xf32, #tpu.memory_space<vmem_shared>> -> memref<10240xf32, #tpu.memory_space<vmem_shared>>
    %dma_start3A_50 = tpu.memref_slice %arg10[%dma_start3A_42] : memref<4x!tpu.dma_semaphore, #tpu.memory_space<semaphore_mem>> -> memref<1x!tpu.dma_semaphore, #tpu.memory_space<semaphore_mem>>
    %dma_start3A_51 = tpu.memref_squeeze %dma_start3A_50 : memref<1x!tpu.dma_semaphore, #tpu.memory_space<semaphore_mem>> -> memref<!tpu.dma_semaphore, #tpu.memory_space<semaphore_mem>>
    tpu.enqueue_indirect_dma source(%dma_start3A_44 : memref<80xf32, #tpu.memory_space<vmem>>) target(%dma_start3A_49 : memref<10240xf32, #tpu.memory_space<vmem_shared>>) offsets(%dma_start3A_47 : memref<80xi32, #tpu.memory_space<vmem>>) semaphore(%dma_start3A_51 : memref<!tpu.dma_semaphore, #tpu.memory_space<semaphore_mem>>) {add = true}
    %dma_start3A_52 = arith.constant 1 : i32
    %dma_start3A_53 = arith.constant 3 : i32
    %dma_start3A_54 = arith.constant 0 : i32
    %dma_start3A_55 = tpu.memref_slice %arg6[%dma_start3A_54] : memref<128xf32, #tpu.memory_space<vmem>> -> memref<80xf32, #tpu.memory_space<vmem>>
    %dma_start3A_56 = arith.constant 0 : i32
    %dma_start3A_57 = tpu.memref_slice %arg5[%dma_start3A_52, %dma_start3A_56] : memref<125x80xi32, #tpu.memory_space<vmem>> -> memref<1x80xi32, #tpu.memory_space<vmem>>
    %dma_start3A_58 = tpu.memref_squeeze %dma_start3A_57 : memref<1x80xi32, #tpu.memory_space<vmem>> -> memref<80xi32, #tpu.memory_space<vmem>>
    %dma_start3A_59 = arith.constant 0 : i32
    %dma_start3A_60 = tpu.memref_slice %arg9[%dma_start3A_59] : memref<10240xf32, #tpu.memory_space<vmem_shared>> -> memref<10240xf32, #tpu.memory_space<vmem_shared>>
    %dma_start3A_61 = tpu.memref_slice %arg10[%dma_start3A_53] : memref<4x!tpu.dma_semaphore, #tpu.memory_space<semaphore_mem>> -> memref<1x!tpu.dma_semaphore, #tpu.memory_space<semaphore_mem>>
    %dma_start3A_62 = tpu.memref_squeeze %dma_start3A_61 : memref<1x!tpu.dma_semaphore, #tpu.memory_space<semaphore_mem>> -> memref<!tpu.dma_semaphore, #tpu.memory_space<semaphore_mem>>
    tpu.enqueue_indirect_dma source(%dma_start3A_55 : memref<80xf32, #tpu.memory_space<vmem>>) target(%dma_start3A_60 : memref<10240xf32, #tpu.memory_space<vmem_shared>>) offsets(%dma_start3A_58 : memref<80xi32, #tpu.memory_space<vmem>>) semaphore(%dma_start3A_62 : memref<!tpu.dma_semaphore, #tpu.memory_space<semaphore_mem>>) {add = true}
    %scan3A_63 = arith.constant 0 : i32
    %scan3A_64 = arith.constant 0 : i32
    %scan3A_65 = arith.constant 62 : i32
    %scan3A_66 = arith.addi %scan3A_64, %scan3A_65 : i32
    %scan3A_67 = arith.constant 1 : i32
    scf.for %scan3A_93 = %scan3A_64 to %scan3A_66 step %scan3A_67  : i32 {
      %mul3A_94 = arith.constant 2 : i32
      %mul3A_95 = arith.muli %scan3A_93, %mul3A_94 : i32
      %dma_wait3A_96 = arith.constant 0 : i32
      %dma_wait3A_97 = arith.constant 0 : i32
      %dma_wait3A_98 = tpu.memref_slice %arg6[%dma_wait3A_97] : memref<128xf32, #tpu.memory_space<vmem>> -> memref<80xf32, #tpu.memory_space<vmem>>
      %dma_wait3A_99 = arith.constant 0 : i32
      %dma_wait3A_100 = tpu.memref_slice %arg4[%mul3A_95, %dma_wait3A_99] : memref<125x80xi32, #tpu.memory_space<vmem>> -> memref<1x80xi32, #tpu.memory_space<vmem>>
      %dma_wait3A_101 = tpu.memref_squeeze %dma_wait3A_100 : memref<1x80xi32, #tpu.memory_space<vmem>> -> memref<80xi32, #tpu.memory_space<vmem>>
      %dma_wait3A_102 = arith.constant 0 : i32
      %dma_wait3A_103 = tpu.memref_slice %arg8[%dma_wait3A_102] : memref<10240xf32, #tpu.memory_space<vmem_shared>> -> memref<10240xf32, #tpu.memory_space<vmem_shared>>
      %dma_wait3A_104 = tpu.memref_slice %arg10[%dma_wait3A_96] : memref<4x!tpu.dma_semaphore, #tpu.memory_space<semaphore_mem>> -> memref<1x!tpu.dma_semaphore, #tpu.memory_space<semaphore_mem>>
      %dma_wait3A_105 = tpu.memref_squeeze %dma_wait3A_104 : memref<1x!tpu.dma_semaphore, #tpu.memory_space<semaphore_mem>> -> memref<!tpu.dma_semaphore, #tpu.memory_space<semaphore_mem>>
      tpu.wait_indirect_dma semaphore(%dma_wait3A_105 : memref<!tpu.dma_semaphore, #tpu.memory_space<semaphore_mem>>) src(%dma_wait3A_98 : memref<80xf32, #tpu.memory_space<vmem>>) dst(%dma_wait3A_103 : memref<10240xf32, #tpu.memory_space<vmem_shared>>)
      %dma_wait3A_106 = arith.constant 1 : i32
      %dma_wait3A_107 = arith.constant 0 : i32
      %dma_wait3A_108 = tpu.memref_slice %arg6[%dma_wait3A_107] : memref<128xf32, #tpu.memory_space<vmem>> -> memref<80xf32, #tpu.memory_space<vmem>>
      %dma_wait3A_109 = arith.constant 0 : i32
      %dma_wait3A_110 = tpu.memref_slice %arg5[%mul3A_95, %dma_wait3A_109] : memref<125x80xi32, #tpu.memory_space<vmem>> -> memref<1x80xi32, #tpu.memory_space<vmem>>
      %dma_wait3A_111 = tpu.memref_squeeze %dma_wait3A_110 : memref<1x80xi32, #tpu.memory_space<vmem>> -> memref<80xi32, #tpu.memory_space<vmem>>
      %dma_wait3A_112 = arith.constant 0 : i32
      %dma_wait3A_113 = tpu.memref_slice %arg9[%dma_wait3A_112] : memref<10240xf32, #tpu.memory_space<vmem_shared>> -> memref<10240xf32, #tpu.memory_space<vmem_shared>>
      %dma_wait3A_114 = tpu.memref_slice %arg10[%dma_wait3A_106] : memref<4x!tpu.dma_semaphore, #tpu.memory_space<semaphore_mem>> -> memref<1x!tpu.dma_semaphore, #tpu.memory_space<semaphore_mem>>
      %dma_wait3A_115 = tpu.memref_squeeze %dma_wait3A_114 : memref<1x!tpu.dma_semaphore, #tpu.memory_space<semaphore_mem>> -> memref<!tpu.dma_semaphore, #tpu.memory_space<semaphore_mem>>
      tpu.wait_indirect_dma semaphore(%dma_wait3A_115 : memref<!tpu.dma_semaphore, #tpu.memory_space<semaphore_mem>>) src(%dma_wait3A_108 : memref<80xf32, #tpu.memory_space<vmem>>) dst(%dma_wait3A_113 : memref<10240xf32, #tpu.memory_space<vmem_shared>>)
      %add3A_116 = arith.constant 2 : i32
      %add3A_117 = arith.addi %mul3A_95, %add3A_116 : i32
      %lt3A = arith.constant 125 : i32
      %lt3A_118 = arith.cmpi slt, %add3A_117, %lt3A : i32
      %convert_element_type3A_119 = arith.extui %lt3A_118 : i1 to i32
      %cond3A_120 = arith.constant 0 : i32
      %cond3A_121 = arith.cmpi ne, %convert_element_type3A_119, %cond3A_120 : i32
      scf.if %cond3A_121 {
        %add3A_151 = arith.constant 2 : i32
        %add3A_152 = arith.addi %mul3A_95, %add3A_151 : i32
        %dma_start3A_153 = arith.constant 0 : i32
        %dma_start3A_154 = arith.constant 0 : i32
        %dma_start3A_155 = tpu.memref_slice %arg6[%dma_start3A_154] : memref<128xf32, #tpu.memory_space<vmem>> -> memref<80xf32, #tpu.memory_space<vmem>>
        %dma_start3A_156 = arith.constant 0 : i32
        %dma_start3A_157 = tpu.memref_slice %arg4[%add3A_152, %dma_start3A_156] : memref<125x80xi32, #tpu.memory_space<vmem>> -> memref<1x80xi32, #tpu.memory_space<vmem>>
        %dma_start3A_158 = tpu.memref_squeeze %dma_start3A_157 : memref<1x80xi32, #tpu.memory_space<vmem>> -> memref<80xi32, #tpu.memory_space<vmem>>
        %dma_start3A_159 = arith.constant 0 : i32
        %dma_start3A_160 = tpu.memref_slice %arg8[%dma_start3A_159] : memref<10240xf32, #tpu.memory_space<vmem_shared>> -> memref<10240xf32, #tpu.memory_space<vmem_shared>>
        %dma_start3A_161 = tpu.memref_slice %arg10[%dma_start3A_153] : memref<4x!tpu.dma_semaphore, #tpu.memory_space<semaphore_mem>> -> memref<1x!tpu.dma_semaphore, #tpu.memory_space<semaphore_mem>>
        %dma_start3A_162 = tpu.memref_squeeze %dma_start3A_161 : memref<1x!tpu.dma_semaphore, #tpu.memory_space<semaphore_mem>> -> memref<!tpu.dma_semaphore, #tpu.memory_space<semaphore_mem>>
        tpu.enqueue_indirect_dma source(%dma_start3A_155 : memref<80xf32, #tpu.memory_space<vmem>>) target(%dma_start3A_160 : memref<10240xf32, #tpu.memory_space<vmem_shared>>) offsets(%dma_start3A_158 : memref<80xi32, #tpu.memory_space<vmem>>) semaphore(%dma_start3A_162 : memref<!tpu.dma_semaphore, #tpu.memory_space<semaphore_mem>>) {add = true}
        %dma_start3A_163 = arith.constant 1 : i32
        %dma_start3A_164 = arith.constant 0 : i32
        %dma_start3A_165 = tpu.memref_slice %arg6[%dma_start3A_164] : memref<128xf32, #tpu.memory_space<vmem>> -> memref<80xf32, #tpu.memory_space<vmem>>
        %dma_start3A_166 = arith.constant 0 : i32
        %dma_start3A_167 = tpu.memref_slice %arg5[%add3A_152, %dma_start3A_166] : memref<125x80xi32, #tpu.memory_space<vmem>> -> memref<1x80xi32, #tpu.memory_space<vmem>>
        %dma_start3A_168 = tpu.memref_squeeze %dma_start3A_167 : memref<1x80xi32, #tpu.memory_space<vmem>> -> memref<80xi32, #tpu.memory_space<vmem>>
        %dma_start3A_169 = arith.constant 0 : i32
        %dma_start3A_170 = tpu.memref_slice %arg9[%dma_start3A_169] : memref<10240xf32, #tpu.memory_space<vmem_shared>> -> memref<10240xf32, #tpu.memory_space<vmem_shared>>
        %dma_start3A_171 = tpu.memref_slice %arg10[%dma_start3A_163] : memref<4x!tpu.dma_semaphore, #tpu.memory_space<semaphore_mem>> -> memref<1x!tpu.dma_semaphore, #tpu.memory_space<semaphore_mem>>
        %dma_start3A_172 = tpu.memref_squeeze %dma_start3A_171 : memref<1x!tpu.dma_semaphore, #tpu.memory_space<semaphore_mem>> -> memref<!tpu.dma_semaphore, #tpu.memory_space<semaphore_mem>>
        tpu.enqueue_indirect_dma source(%dma_start3A_165 : memref<80xf32, #tpu.memory_space<vmem>>) target(%dma_start3A_170 : memref<10240xf32, #tpu.memory_space<vmem_shared>>) offsets(%dma_start3A_168 : memref<80xi32, #tpu.memory_space<vmem>>) semaphore(%dma_start3A_172 : memref<!tpu.dma_semaphore, #tpu.memory_space<semaphore_mem>>) {add = true}
      } else {
      }
      %add3A_122 = arith.constant 1 : i32
      %add3A_123 = arith.addi %mul3A_95, %add3A_122 : i32
      %dma_wait3A_124 = arith.constant 2 : i32
      %dma_wait3A_125 = arith.constant 0 : i32
      %dma_wait3A_126 = tpu.memref_slice %arg6[%dma_wait3A_125] : memref<128xf32, #tpu.memory_space<vmem>> -> memref<80xf32, #tpu.memory_space<vmem>>
      %dma_wait3A_127 = arith.constant 0 : i32
      %dma_wait3A_128 = tpu.memref_slice %arg4[%add3A_123, %dma_wait3A_127] : memref<125x80xi32, #tpu.memory_space<vmem>> -> memref<1x80xi32, #tpu.memory_space<vmem>>
      %dma_wait3A_129 = tpu.memref_squeeze %dma_wait3A_128 : memref<1x80xi32, #tpu.memory_space<vmem>> -> memref<80xi32, #tpu.memory_space<vmem>>
      %dma_wait3A_130 = arith.constant 0 : i32
      %dma_wait3A_131 = tpu.memref_slice %arg8[%dma_wait3A_130] : memref<10240xf32, #tpu.memory_space<vmem_shared>> -> memref<10240xf32, #tpu.memory_space<vmem_shared>>
      %dma_wait3A_132 = tpu.memref_slice %arg10[%dma_wait3A_124] : memref<4x!tpu.dma_semaphore, #tpu.memory_space<semaphore_mem>> -> memref<1x!tpu.dma_semaphore, #tpu.memory_space<semaphore_mem>>
      %dma_wait3A_133 = tpu.memref_squeeze %dma_wait3A_132 : memref<1x!tpu.dma_semaphore, #tpu.memory_space<semaphore_mem>> -> memref<!tpu.dma_semaphore, #tpu.memory_space<semaphore_mem>>
      tpu.wait_indirect_dma semaphore(%dma_wait3A_133 : memref<!tpu.dma_semaphore, #tpu.memory_space<semaphore_mem>>) src(%dma_wait3A_126 : memref<80xf32, #tpu.memory_space<vmem>>) dst(%dma_wait3A_131 : memref<10240xf32, #tpu.memory_space<vmem_shared>>)
      %dma_wait3A_134 = arith.constant 3 : i32
      %dma_wait3A_135 = arith.constant 0 : i32
      %dma_wait3A_136 = tpu.memref_slice %arg6[%dma_wait3A_135] : memref<128xf32, #tpu.memory_space<vmem>> -> memref<80xf32, #tpu.memory_space<vmem>>
      %dma_wait3A_137 = arith.constant 0 : i32
      %dma_wait3A_138 = tpu.memref_slice %arg5[%add3A_123, %dma_wait3A_137] : memref<125x80xi32, #tpu.memory_space<vmem>> -> memref<1x80xi32, #tpu.memory_space<vmem>>
      %dma_wait3A_139 = tpu.memref_squeeze %dma_wait3A_138 : memref<1x80xi32, #tpu.memory_space<vmem>> -> memref<80xi32, #tpu.memory_space<vmem>>
      %dma_wait3A_140 = arith.constant 0 : i32
      %dma_wait3A_141 = tpu.memref_slice %arg9[%dma_wait3A_140] : memref<10240xf32, #tpu.memory_space<vmem_shared>> -> memref<10240xf32, #tpu.memory_space<vmem_shared>>
      %dma_wait3A_142 = tpu.memref_slice %arg10[%dma_wait3A_134] : memref<4x!tpu.dma_semaphore, #tpu.memory_space<semaphore_mem>> -> memref<1x!tpu.dma_semaphore, #tpu.memory_space<semaphore_mem>>
      %dma_wait3A_143 = tpu.memref_squeeze %dma_wait3A_142 : memref<1x!tpu.dma_semaphore, #tpu.memory_space<semaphore_mem>> -> memref<!tpu.dma_semaphore, #tpu.memory_space<semaphore_mem>>
      tpu.wait_indirect_dma semaphore(%dma_wait3A_143 : memref<!tpu.dma_semaphore, #tpu.memory_space<semaphore_mem>>) src(%dma_wait3A_136 : memref<80xf32, #tpu.memory_space<vmem>>) dst(%dma_wait3A_141 : memref<10240xf32, #tpu.memory_space<vmem_shared>>)
      %add3A_144 = arith.constant 3 : i32
      %add3A_145 = arith.addi %mul3A_95, %add3A_144 : i32
      %lt3A_146 = arith.constant 125 : i32
      %lt3A_147 = arith.cmpi slt, %add3A_145, %lt3A_146 : i32
      %convert_element_type3A_148 = arith.extui %lt3A_147 : i1 to i32
      %cond3A_149 = arith.constant 0 : i32
      %cond3A_150 = arith.cmpi ne, %convert_element_type3A_148, %cond3A_149 : i32
      scf.if %cond3A_150 {
        %add3A_151 = arith.constant 3 : i32
        %add3A_152 = arith.addi %mul3A_95, %add3A_151 : i32
        %dma_start3A_153 = arith.constant 2 : i32
        %dma_start3A_154 = arith.constant 0 : i32
        %dma_start3A_155 = tpu.memref_slice %arg6[%dma_start3A_154] : memref<128xf32, #tpu.memory_space<vmem>> -> memref<80xf32, #tpu.memory_space<vmem>>
        %dma_start3A_156 = arith.constant 0 : i32
        %dma_start3A_157 = tpu.memref_slice %arg4[%add3A_152, %dma_start3A_156] : memref<125x80xi32, #tpu.memory_space<vmem>> -> memref<1x80xi32, #tpu.memory_space<vmem>>
        %dma_start3A_158 = tpu.memref_squeeze %dma_start3A_157 : memref<1x80xi32, #tpu.memory_space<vmem>> -> memref<80xi32, #tpu.memory_space<vmem>>
        %dma_start3A_159 = arith.constant 0 : i32
        %dma_start3A_160 = tpu.memref_slice %arg8[%dma_start3A_159] : memref<10240xf32, #tpu.memory_space<vmem_shared>> -> memref<10240xf32, #tpu.memory_space<vmem_shared>>
        %dma_start3A_161 = tpu.memref_slice %arg10[%dma_start3A_153] : memref<4x!tpu.dma_semaphore, #tpu.memory_space<semaphore_mem>> -> memref<1x!tpu.dma_semaphore, #tpu.memory_space<semaphore_mem>>
        %dma_start3A_162 = tpu.memref_squeeze %dma_start3A_161 : memref<1x!tpu.dma_semaphore, #tpu.memory_space<semaphore_mem>> -> memref<!tpu.dma_semaphore, #tpu.memory_space<semaphore_mem>>
        tpu.enqueue_indirect_dma source(%dma_start3A_155 : memref<80xf32, #tpu.memory_space<vmem>>) target(%dma_start3A_160 : memref<10240xf32, #tpu.memory_space<vmem_shared>>) offsets(%dma_start3A_158 : memref<80xi32, #tpu.memory_space<vmem>>) semaphore(%dma_start3A_162 : memref<!tpu.dma_semaphore, #tpu.memory_space<semaphore_mem>>) {add = true}
        %dma_start3A_163 = arith.constant 3 : i32
        %dma_start3A_164 = arith.constant 0 : i32
        %dma_start3A_165 = tpu.memref_slice %arg6[%dma_start3A_164] : memref<128xf32, #tpu.memory_space<vmem>> -> memref<80xf32, #tpu.memory_space<vmem>>
        %dma_start3A_166 = arith.constant 0 : i32
        %dma_start3A_167 = tpu.memref_slice %arg5[%add3A_152, %dma_start3A_166] : memref<125x80xi32, #tpu.memory_space<vmem>> -> memref<1x80xi32, #tpu.memory_space<vmem>>
        %dma_start3A_168 = tpu.memref_squeeze %dma_start3A_167 : memref<1x80xi32, #tpu.memory_space<vmem>> -> memref<80xi32, #tpu.memory_space<vmem>>
        %dma_start3A_169 = arith.constant 0 : i32
        %dma_start3A_170 = tpu.memref_slice %arg9[%dma_start3A_169] : memref<10240xf32, #tpu.memory_space<vmem_shared>> -> memref<10240xf32, #tpu.memory_space<vmem_shared>>
        %dma_start3A_171 = tpu.memref_slice %arg10[%dma_start3A_163] : memref<4x!tpu.dma_semaphore, #tpu.memory_space<semaphore_mem>> -> memref<1x!tpu.dma_semaphore, #tpu.memory_space<semaphore_mem>>
        %dma_start3A_172 = tpu.memref_squeeze %dma_start3A_171 : memref<1x!tpu.dma_semaphore, #tpu.memory_space<semaphore_mem>> -> memref<!tpu.dma_semaphore, #tpu.memory_space<semaphore_mem>>
        tpu.enqueue_indirect_dma source(%dma_start3A_165 : memref<80xf32, #tpu.memory_space<vmem>>) target(%dma_start3A_170 : memref<10240xf32, #tpu.memory_space<vmem_shared>>) offsets(%dma_start3A_168 : memref<80xi32, #tpu.memory_space<vmem>>) semaphore(%dma_start3A_172 : memref<!tpu.dma_semaphore, #tpu.memory_space<semaphore_mem>>) {add = true}
      } else {
      }
    }
    %scan3A_68 = arith.constant 62 : i32
    %dma_wait3A = arith.constant 124 : i32
    %dma_wait3A_69 = arith.constant 0 : i32
    %dma_wait3A_70 = arith.constant 0 : i32
    %dma_wait3A_71 = tpu.memref_slice %arg6[%dma_wait3A_70] : memref<128xf32, #tpu.memory_space<vmem>> -> memref<80xf32, #tpu.memory_space<vmem>>
    %dma_wait3A_72 = arith.constant 0 : i32
    %dma_wait3A_73 = tpu.memref_slice %arg4[%dma_wait3A, %dma_wait3A_72] : memref<125x80xi32, #tpu.memory_space<vmem>> -> memref<1x80xi32, #tpu.memory_space<vmem>>
    %dma_wait3A_74 = tpu.memref_squeeze %dma_wait3A_73 : memref<1x80xi32, #tpu.memory_space<vmem>> -> memref<80xi32, #tpu.memory_space<vmem>>
    %dma_wait3A_75 = arith.constant 0 : i32
    %dma_wait3A_76 = tpu.memref_slice %arg8[%dma_wait3A_75] : memref<10240xf32, #tpu.memory_space<vmem_shared>> -> memref<10240xf32, #tpu.memory_space<vmem_shared>>
    %dma_wait3A_77 = tpu.memref_slice %arg10[%dma_wait3A_69] : memref<4x!tpu.dma_semaphore, #tpu.memory_space<semaphore_mem>> -> memref<1x!tpu.dma_semaphore, #tpu.memory_space<semaphore_mem>>
    %dma_wait3A_78 = tpu.memref_squeeze %dma_wait3A_77 : memref<1x!tpu.dma_semaphore, #tpu.memory_space<semaphore_mem>> -> memref<!tpu.dma_semaphore, #tpu.memory_space<semaphore_mem>>
    tpu.wait_indirect_dma semaphore(%dma_wait3A_78 : memref<!tpu.dma_semaphore, #tpu.memory_space<semaphore_mem>>) src(%dma_wait3A_71 : memref<80xf32, #tpu.memory_space<vmem>>) dst(%dma_wait3A_76 : memref<10240xf32, #tpu.memory_space<vmem_shared>>)
    %dma_wait3A_79 = arith.constant 124 : i32
    %dma_wait3A_80 = arith.constant 1 : i32
    %dma_wait3A_81 = arith.constant 0 : i32
    %dma_wait3A_82 = tpu.memref_slice %arg6[%dma_wait3A_81] : memref<128xf32, #tpu.memory_space<vmem>> -> memref<80xf32, #tpu.memory_space<vmem>>
    %dma_wait3A_83 = arith.constant 0 : i32
    %dma_wait3A_84 = tpu.memref_slice %arg5[%dma_wait3A_79, %dma_wait3A_83] : memref<125x80xi32, #tpu.memory_space<vmem>> -> memref<1x80xi32, #tpu.memory_space<vmem>>
    %dma_wait3A_85 = tpu.memref_squeeze %dma_wait3A_84 : memref<1x80xi32, #tpu.memory_space<vmem>> -> memref<80xi32, #tpu.memory_space<vmem>>
    %dma_wait3A_86 = arith.constant 0 : i32
    %dma_wait3A_87 = tpu.memref_slice %arg9[%dma_wait3A_86] : memref<10240xf32, #tpu.memory_space<vmem_shared>> -> memref<10240xf32, #tpu.memory_space<vmem_shared>>
    %dma_wait3A_88 = tpu.memref_slice %arg10[%dma_wait3A_80] : memref<4x!tpu.dma_semaphore, #tpu.memory_space<semaphore_mem>> -> memref<1x!tpu.dma_semaphore, #tpu.memory_space<semaphore_mem>>
    %dma_wait3A_89 = tpu.memref_squeeze %dma_wait3A_88 : memref<1x!tpu.dma_semaphore, #tpu.memory_space<semaphore_mem>> -> memref<!tpu.dma_semaphore, #tpu.memory_space<semaphore_mem>>
    tpu.wait_indirect_dma semaphore(%dma_wait3A_89 : memref<!tpu.dma_semaphore, #tpu.memory_space<semaphore_mem>>) src(%dma_wait3A_82 : memref<80xf32, #tpu.memory_space<vmem>>) dst(%dma_wait3A_87 : memref<10240xf32, #tpu.memory_space<vmem_shared>>)
    %barrier3A_90 = arith.constant 0 : index
    tpu.barrier barrier_id(%barrier3A_90)
    %eq3A = arith.constant 0 : i32
    %eq3A_91 = arith.cmpi eq, %arg1, %eq3A : i32
    %convert_element_type3A = arith.extui %eq3A_91 : i1 to i32
    %cond3A = arith.constant 0 : i32
    %cond3A_92 = arith.cmpi ne, %convert_element_type3A, %cond3A : i32
    scf.if %cond3A_92 {
      %run_scoped3A_93 = arith.constant 0 : i32
      %run_scoped3A_94 = arith.constant 0 : i32
      "tpu.region"() ({
        %run_scoped3A_97 = tpu.sem_alloc : memref<!tpu.dma_semaphore, #tpu.memory_space<semaphore_mem>>
        %dma_start3A_98 = arith.constant 0 : i32
        %dma_start3A_99 = tpu.memref_slice %arg3[%arg0, %run_scoped3A_93, %run_scoped3A_94, %dma_start3A_98] : memref<2x2x1x10240xf32, #tpu.memory_space<hbm>> -> memref<1x1x1x10240xf32, #tpu.memory_space<hbm>>
        %dma_start3A_100 = tpu.memref_squeeze %dma_start3A_99 : memref<1x1x1x10240xf32, #tpu.memory_space<hbm>> -> memref<10240xf32, #tpu.memory_space<hbm>>
        tpu.enqueue_dma source(%arg8 : memref<10240xf32, #tpu.memory_space<vmem_shared>>) target(%dma_start3A_100 : memref<10240xf32, #tpu.memory_space<hbm>>) target_semaphore(%run_scoped3A_97 : memref<!tpu.dma_semaphore, #tpu.memory_space<semaphore_mem>>)
        %dma_wait3A_101 = arith.constant 0 : i32
        %dma_wait3A_102 = tpu.memref_slice %arg3[%arg0, %run_scoped3A_93, %run_scoped3A_94, %dma_wait3A_101] : memref<2x2x1x10240xf32, #tpu.memory_space<hbm>> -> memref<1x1x1x10240xf32, #tpu.memory_space<hbm>>
        %dma_wait3A_103 = tpu.memref_squeeze %dma_wait3A_102 : memref<1x1x1x10240xf32, #tpu.memory_space<hbm>> -> memref<10240xf32, #tpu.memory_space<hbm>>
        tpu.wait_dma2 semaphore(%run_scoped3A_97 : memref<!tpu.dma_semaphore, #tpu.memory_space<semaphore_mem>>) src(%arg8 : memref<10240xf32, #tpu.memory_space<vmem_shared>>) dst(%dma_wait3A_103 : memref<10240xf32, #tpu.memory_space<hbm>>)
        tpu.yield
      }) : () -> ()
      %run_scoped3A_95 = arith.constant 1 : i32
      %run_scoped3A_96 = arith.constant 0 : i32
      "tpu.region"() ({
        %run_scoped3A_97 = tpu.sem_alloc : memref<!tpu.dma_semaphore, #tpu.memory_space<semaphore_mem>>
        %dma_start3A_98 = arith.constant 0 : i32
        %dma_start3A_99 = tpu.memref_slice %arg3[%arg0, %run_scoped3A_95, %run_scoped3A_96, %dma_start3A_98] : memref<2x2x1x10240xf32, #tpu.memory_space<hbm>> -> memref<1x1x1x10240xf32, #tpu.memory_space<hbm>>
        %dma_start3A_100 = tpu.memref_squeeze %dma_start3A_99 : memref<1x1x1x10240xf32, #tpu.memory_space<hbm>> -> memref<10240xf32, #tpu.memory_space<hbm>>
        tpu.enqueue_dma source(%arg9 : memref<10240xf32, #tpu.memory_space<vmem_shared>>) target(%dma_start3A_100 : memref<10240xf32, #tpu.memory_space<hbm>>) target_semaphore(%run_scoped3A_97 : memref<!tpu.dma_semaphore, #tpu.memory_space<semaphore_mem>>)
        %dma_wait3A_101 = arith.constant 0 : i32
        %dma_wait3A_102 = tpu.memref_slice %arg3[%arg0, %run_scoped3A_95, %run_scoped3A_96, %dma_wait3A_101] : memref<2x2x1x10240xf32, #tpu.memory_space<hbm>> -> memref<1x1x1x10240xf32, #tpu.memory_space<hbm>>
        %dma_wait3A_103 = tpu.memref_squeeze %dma_wait3A_102 : memref<1x1x1x10240xf32, #tpu.memory_space<hbm>> -> memref<10240xf32, #tpu.memory_space<hbm>>
        tpu.wait_dma2 semaphore(%run_scoped3A_97 : memref<!tpu.dma_semaphore, #tpu.memory_space<semaphore_mem>>) src(%arg9 : memref<10240xf32, #tpu.memory_space<vmem_shared>>) dst(%dma_wait3A_103 : memref<10240xf32, #tpu.memory_space<hbm>>)
        tpu.yield
      }) : () -> ()
    } else {
    }
    return
  }
}

#map = affine_map<(d0, d1) -> (0, 0, 0, 0)>
#map1 = affine_map<(d0, d1) -> (0, 0)>
#map2 = affine_map<(d0, d1) -> (0, 0, 0)>
module attributes {stable_mosaic.version = 14 : i64} {
  func.func @_edge_body(%arg0: i32, %arg1: i32, %arg2: memref<2x32x1x10000xi32, #tpu.memory_space<hbm>>, %arg3: memref<2x32x125x80xi32, #tpu.memory_space<hbm>>, %arg4: memref<10000x128xf32, #tpu.memory_space<hbm>>, %arg5: memref<2x10000x128xf32, #tpu.memory_space<hbm>>, %arg6: memref<10000xi32, #tpu.memory_space<vmem>>, %arg7: memref<64x80xi32, #tpu.memory_space<vmem>>, %arg8: memref<3x80x128xf32, #tpu.memory_space<vmem>>, %arg9: memref<10000x128xf32, #tpu.memory_space<vmem_shared>>, %arg10: memref<3x!tpu.dma_semaphore, #tpu.memory_space<semaphore_mem>>, %arg11: memref<3x!tpu.dma_semaphore, #tpu.memory_space<semaphore_mem>>) attributes {dimension_semantics = [#tpu.dimension_semantics<core_parallel>, #tpu.dimension_semantics<subcore_parallel>], iteration_bounds = array<i64: 2, 16>, scalar_prefetch = 0 : i64, scratch_operands = 6 : i64, tpu.core_type = #tpu.core_type<sc_vector_subcore>, window_params = [{transform_indices = #map}, {transform_indices = #map}, {transform_indices = #map1}, {transform_indices = #map2}]} {
    %mul3A = arith.constant 2 : i32
    %mul3A_0 = arith.muli %arg1, %mul3A : i32
    %add3A = arith.addi %mul3A_0, %arg0 : i32
    %broadcast_in_dim3A = arith.constant 0.000000e+00 : f32
    %broadcast_in_dim3A_1 = vector.broadcast %broadcast_in_dim3A : f32 to vector<16xf32>
    %scan3A = arith.constant 0 : i32
    %scan3A_2 = arith.constant 0 : i32
    %scan3A_3 = arith.constant 48 : i32
    %scan3A_4 = arith.addi %scan3A_2, %scan3A_3 : i32
    %scan3A_5 = arith.constant 1 : i32
    scf.for %scan3A_283 = %scan3A_2 to %scan3A_4 step %scan3A_5  : i32 {
      %scan3A_284 = arith.constant 0 : i32
      %scan3A_285 = arith.constant 8 : i32
      %scan3A_286 = arith.addi %scan3A_284, %scan3A_285 : i32
      %scan3A_287 = arith.constant 1 : i32
      scf.for %scan3A_289 = %scan3A_284 to %scan3A_286 step %scan3A_287  : i32 {
        %mul3A_290 = arith.constant 16 : i32
        %mul3A_291 = arith.muli %scan3A_289, %mul3A_290 : i32
        %swap3A = arith.constant 0 : i32
        %swap3A_292 = arith.index_cast %swap3A : i32 to index
        %swap3A_293 = arith.index_cast %scan3A_283 : i32 to index
        %swap3A_294 = arith.index_cast %mul3A_291 : i32 to index
        %swap3A_295 = tpu.vector_load %arg8[%swap3A_292, %swap3A_293, %swap3A_294] {strides = array<i32>} : memref<3x80x128xf32, #tpu.memory_space<vmem>>, vector<1x1x16xf32>,
        %swap3A_296 = vector.shape_cast %swap3A_295 : vector<1x1x16xf32> to vector<16xf32>
        %swap3A_297 = vector.shape_cast %broadcast_in_dim3A_1 : vector<16xf32> to vector<1x1x16xf32>
        tpu.vector_store %arg8[%swap3A_292, %swap3A_293, %swap3A_294], %swap3A_297 {strides = array<i32>} : memref<3x80x128xf32, #tpu.memory_space<vmem>>, vector<1x1x16xf32>,
      }
      %scan3A_288 = arith.constant 8 : i32
    }
    %scan3A_6 = arith.constant 48 : i32
    %mul3A_7 = arith.constant 624 : i32
    %mul3A_8 = arith.muli %arg1, %mul3A_7 : i32
    %add3A_9 = arith.constant 0 : i32
    %add3A_10 = arith.addi %mul3A_8, %add3A_9 : i32
    %run_scoped3A = arith.constant 0 : i32
    "tpu.region"() ({
      %run_scoped3A_283 = tpu.sem_alloc : memref<!tpu.dma_semaphore, #tpu.memory_space<semaphore_mem>>
      %dma_start3A_284 = arith.constant 0 : i32
      %dma_start3A_285 = arith.constant 0 : i32
      %dma_start3A_286 = tpu.memref_slice %arg8[%run_scoped3A, %dma_start3A_284, %dma_start3A_285] : memref<3x80x128xf32, #tpu.memory_space<vmem>> -> memref<1x80x128xf32, #tpu.memory_space<vmem>>
      %dma_start3A_287 = tpu.memref_squeeze %dma_start3A_286 : memref<1x80x128xf32, #tpu.memory_space<vmem>> -> memref<80x128xf32, #tpu.memory_space<vmem>>
      %dma_start3A_288 = arith.constant 0 : i32
      %dma_start3A_289 = arith.constant 0 : i32
      %dma_start3A_290 = tpu.memref_slice %dma_start3A_287[%dma_start3A_288, %dma_start3A_289] : memref<80x128xf32, #tpu.memory_space<vmem>> -> memref<48x128xf32, #tpu.memory_space<vmem>>
      %dma_start3A_291 = arith.constant 0 : i32
      %dma_start3A_292 = tpu.memref_slice %arg9[%add3A_10, %dma_start3A_291] : memref<10000x128xf32, #tpu.memory_space<vmem_shared>> -> memref<48x128xf32, #tpu.memory_space<vmem_shared>>
      %dma_start3A_293 = arith.constant 0 : i32
      %dma_start3A_294 = tpu.memref_slice %arg9[%add3A_10, %dma_start3A_293] : memref<10000x128xf32, #tpu.memory_space<vmem_shared>> -> memref<48x128xf32, #tpu.memory_space<vmem_shared>>
      %dma_start3A_295 = arith.constant 0 : i32
      %dma_start3A_296 = arith.constant 0 : i32
      %dma_start3A_297 = tpu.memref_slice %arg8[%run_scoped3A, %dma_start3A_295, %dma_start3A_296] : memref<3x80x128xf32, #tpu.memory_space<vmem>> -> memref<1x80x128xf32, #tpu.memory_space<vmem>>
      %dma_start3A_298 = tpu.memref_squeeze %dma_start3A_297 : memref<1x80x128xf32, #tpu.memory_space<vmem>> -> memref<80x128xf32, #tpu.memory_space<vmem>>
      %dma_start3A_299 = arith.constant 0 : i32
      %dma_start3A_300 = arith.constant 0 : i32
      %dma_start3A_301 = tpu.memref_slice %dma_start3A_298[%dma_start3A_299, %dma_start3A_300] : memref<80x128xf32, #tpu.memory_space<vmem>> -> memref<48x128xf32, #tpu.memory_space<vmem>>
      tpu.enqueue_dma source(%dma_start3A_301 : memref<48x128xf32, #tpu.memory_space<vmem>>) target(%dma_start3A_294 : memref<48x128xf32, #tpu.memory_space<vmem_shared>>) target_semaphore(%run_scoped3A_283 : memref<!tpu.dma_semaphore, #tpu.memory_space<semaphore_mem>>)
      %dma_wait3A_302 = arith.constant 0 : i32
      %dma_wait3A_303 = arith.constant 0 : i32
      %dma_wait3A_304 = tpu.memref_slice %arg8[%run_scoped3A, %dma_wait3A_302, %dma_wait3A_303] : memref<3x80x128xf32, #tpu.memory_space<vmem>> -> memref<1x80x128xf32, #tpu.memory_space<vmem>>
      %dma_wait3A_305 = tpu.memref_squeeze %dma_wait3A_304 : memref<1x80x128xf32, #tpu.memory_space<vmem>> -> memref<80x128xf32, #tpu.memory_space<vmem>>
      %dma_wait3A_306 = arith.constant 0 : i32
      %dma_wait3A_307 = arith.constant 0 : i32
      %dma_wait3A_308 = tpu.memref_slice %dma_wait3A_305[%dma_wait3A_306, %dma_wait3A_307] : memref<80x128xf32, #tpu.memory_space<vmem>> -> memref<48x128xf32, #tpu.memory_space<vmem>>
      %dma_wait3A_309 = arith.constant 0 : i32
      %dma_wait3A_310 = tpu.memref_slice %arg9[%add3A_10, %dma_wait3A_309] : memref<10000x128xf32, #tpu.memory_space<vmem_shared>> -> memref<48x128xf32, #tpu.memory_space<vmem_shared>>
      %dma_wait3A_311 = arith.constant 0 : i32
      %dma_wait3A_312 = tpu.memref_slice %arg9[%add3A_10, %dma_wait3A_311] : memref<10000x128xf32, #tpu.memory_space<vmem_shared>> -> memref<48x128xf32, #tpu.memory_space<vmem_shared>>
      %dma_wait3A_313 = arith.constant 0 : i32
      %dma_wait3A_314 = arith.constant 0 : i32
      %dma_wait3A_315 = tpu.memref_slice %arg8[%run_scoped3A, %dma_wait3A_313, %dma_wait3A_314] : memref<3x80x128xf32, #tpu.memory_space<vmem>> -> memref<1x80x128xf32, #tpu.memory_space<vmem>>
      %dma_wait3A_316 = tpu.memref_squeeze %dma_wait3A_315 : memref<1x80x128xf32, #tpu.memory_space<vmem>> -> memref<80x128xf32, #tpu.memory_space<vmem>>
      %dma_wait3A_317 = arith.constant 0 : i32
      %dma_wait3A_318 = arith.constant 0 : i32
      %dma_wait3A_319 = tpu.memref_slice %dma_wait3A_316[%dma_wait3A_317, %dma_wait3A_318] : memref<80x128xf32, #tpu.memory_space<vmem>> -> memref<48x128xf32, #tpu.memory_space<vmem>>
      tpu.wait_dma2 semaphore(%run_scoped3A_283 : memref<!tpu.dma_semaphore, #tpu.memory_space<semaphore_mem>>) src(%dma_wait3A_319 : memref<48x128xf32, #tpu.memory_space<vmem>>) dst(%dma_wait3A_312 : memref<48x128xf32, #tpu.memory_space<vmem_shared>>)
      tpu.yield
    }) : () -> ()
    %add3A_11 = arith.constant 48 : i32
    %add3A_12 = arith.addi %mul3A_8, %add3A_11 : i32
    %run_scoped3A_13 = arith.constant 0 : i32
    "tpu.region"() ({
      %run_scoped3A_283 = tpu.sem_alloc : memref<!tpu.dma_semaphore, #tpu.memory_space<semaphore_mem>>
      %dma_start3A_284 = arith.constant 0 : i32
      %dma_start3A_285 = arith.constant 0 : i32
      %dma_start3A_286 = tpu.memref_slice %arg8[%run_scoped3A_13, %dma_start3A_284, %dma_start3A_285] : memref<3x80x128xf32, #tpu.memory_space<vmem>> -> memref<1x80x128xf32, #tpu.memory_space<vmem>>
      %dma_start3A_287 = tpu.memref_squeeze %dma_start3A_286 : memref<1x80x128xf32, #tpu.memory_space<vmem>> -> memref<80x128xf32, #tpu.memory_space<vmem>>
      %dma_start3A_288 = arith.constant 0 : i32
      %dma_start3A_289 = arith.constant 0 : i32
      %dma_start3A_290 = tpu.memref_slice %dma_start3A_287[%dma_start3A_288, %dma_start3A_289] : memref<80x128xf32, #tpu.memory_space<vmem>> -> memref<48x128xf32, #tpu.memory_space<vmem>>
      %dma_start3A_291 = arith.constant 0 : i32
      %dma_start3A_292 = tpu.memref_slice %arg9[%add3A_12, %dma_start3A_291] : memref<10000x128xf32, #tpu.memory_space<vmem_shared>> -> memref<48x128xf32, #tpu.memory_space<vmem_shared>>
      %dma_start3A_293 = arith.constant 0 : i32
      %dma_start3A_294 = tpu.memref_slice %arg9[%add3A_12, %dma_start3A_293] : memref<10000x128xf32, #tpu.memory_space<vmem_shared>> -> memref<48x128xf32, #tpu.memory_space<vmem_shared>>
      %dma_start3A_295 = arith.constant 0 : i32
      %dma_start3A_296 = arith.constant 0 : i32
      %dma_start3A_297 = tpu.memref_slice %arg8[%run_scoped3A_13, %dma_start3A_295, %dma_start3A_296] : memref<3x80x128xf32, #tpu.memory_space<vmem>> -> memref<1x80x128xf32, #tpu.memory_space<vmem>>
      %dma_start3A_298 = tpu.memref_squeeze %dma_start3A_297 : memref<1x80x128xf32, #tpu.memory_space<vmem>> -> memref<80x128xf32, #tpu.memory_space<vmem>>
      %dma_start3A_299 = arith.constant 0 : i32
      %dma_start3A_300 = arith.constant 0 : i32
      %dma_start3A_301 = tpu.memref_slice %dma_start3A_298[%dma_start3A_299, %dma_start3A_300] : memref<80x128xf32, #tpu.memory_space<vmem>> -> memref<48x128xf32, #tpu.memory_space<vmem>>
      tpu.enqueue_dma source(%dma_start3A_301 : memref<48x128xf32, #tpu.memory_space<vmem>>) target(%dma_start3A_294 : memref<48x128xf32, #tpu.memory_space<vmem_shared>>) target_semaphore(%run_scoped3A_283 : memref<!tpu.dma_semaphore, #tpu.memory_space<semaphore_mem>>)
      %dma_wait3A_302 = arith.constant 0 : i32
      %dma_wait3A_303 = arith.constant 0 : i32
      %dma_wait3A_304 = tpu.memref_slice %arg8[%run_scoped3A_13, %dma_wait3A_302, %dma_wait3A_303] : memref<3x80x128xf32, #tpu.memory_space<vmem>> -> memref<1x80x128xf32, #tpu.memory_space<vmem>>
      %dma_wait3A_305 = tpu.memref_squeeze %dma_wait3A_304 : memref<1x80x128xf32, #tpu.memory_space<vmem>> -> memref<80x128xf32, #tpu.memory_space<vmem>>
      %dma_wait3A_306 = arith.constant 0 : i32
      %dma_wait3A_307 = arith.constant 0 : i32
      %dma_wait3A_308 = tpu.memref_slice %dma_wait3A_305[%dma_wait3A_306, %dma_wait3A_307] : memref<80x128xf32, #tpu.memory_space<vmem>> -> memref<48x128xf32, #tpu.memory_space<vmem>>
      %dma_wait3A_309 = arith.constant 0 : i32
      %dma_wait3A_310 = tpu.memref_slice %arg9[%add3A_12, %dma_wait3A_309] : memref<10000x128xf32, #tpu.memory_space<vmem_shared>> -> memref<48x128xf32, #tpu.memory_space<vmem_shared>>
      %dma_wait3A_311 = arith.constant 0 : i32
      %dma_wait3A_312 = tpu.memref_slice %arg9[%add3A_12, %dma_wait3A_311] : memref<10000x128xf32, #tpu.memory_space<vmem_shared>> -> memref<48x128xf32, #tpu.memory_space<vmem_shared>>
      %dma_wait3A_313 = arith.constant 0 : i32
      %dma_wait3A_314 = arith.constant 0 : i32
      %dma_wait3A_315 = tpu.memref_slice %arg8[%run_scoped3A_13, %dma_wait3A_313, %dma_wait3A_314] : memref<3x80x128xf32, #tpu.memory_space<vmem>> -> memref<1x80x128xf32, #tpu.memory_space<vmem>>
      %dma_wait3A_316 = tpu.memref_squeeze %dma_wait3A_315 : memref<1x80x128xf32, #tpu.memory_space<vmem>> -> memref<80x128xf32, #tpu.memory_space<vmem>>
      %dma_wait3A_317 = arith.constant 0 : i32
      %dma_wait3A_318 = arith.constant 0 : i32
      %dma_wait3A_319 = tpu.memref_slice %dma_wait3A_316[%dma_wait3A_317, %dma_wait3A_318] : memref<80x128xf32, #tpu.memory_space<vmem>> -> memref<48x128xf32, #tpu.memory_space<vmem>>
      tpu.wait_dma2 semaphore(%run_scoped3A_283 : memref<!tpu.dma_semaphore, #tpu.memory_space<semaphore_mem>>) src(%dma_wait3A_319 : memref<48x128xf32, #tpu.memory_space<vmem>>) dst(%dma_wait3A_312 : memref<48x128xf32, #tpu.memory_space<vmem_shared>>)
      tpu.yield
    }) : () -> ()
    %add3A_14 = arith.constant 96 : i32
    %add3A_15 = arith.addi %mul3A_8, %add3A_14 : i32
    %run_scoped3A_16 = arith.constant 0 : i32
    "tpu.region"() ({
      %run_scoped3A_283 = tpu.sem_alloc : memref<!tpu.dma_semaphore, #tpu.memory_space<semaphore_mem>>
      %dma_start3A_284 = arith.constant 0 : i32
      %dma_start3A_285 = arith.constant 0 : i32
      %dma_start3A_286 = tpu.memref_slice %arg8[%run_scoped3A_16, %dma_start3A_284, %dma_start3A_285] : memref<3x80x128xf32, #tpu.memory_space<vmem>> -> memref<1x80x128xf32, #tpu.memory_space<vmem>>
      %dma_start3A_287 = tpu.memref_squeeze %dma_start3A_286 : memref<1x80x128xf32, #tpu.memory_space<vmem>> -> memref<80x128xf32, #tpu.memory_space<vmem>>
      %dma_start3A_288 = arith.constant 0 : i32
      %dma_start3A_289 = arith.constant 0 : i32
      %dma_start3A_290 = tpu.memref_slice %dma_start3A_287[%dma_start3A_288, %dma_start3A_289] : memref<80x128xf32, #tpu.memory_space<vmem>> -> memref<48x128xf32, #tpu.memory_space<vmem>>
      %dma_start3A_291 = arith.constant 0 : i32
      %dma_start3A_292 = tpu.memref_slice %arg9[%add3A_15, %dma_start3A_291] : memref<10000x128xf32, #tpu.memory_space<vmem_shared>> -> memref<48x128xf32, #tpu.memory_space<vmem_shared>>
      %dma_start3A_293 = arith.constant 0 : i32
      %dma_start3A_294 = tpu.memref_slice %arg9[%add3A_15, %dma_start3A_293] : memref<10000x128xf32, #tpu.memory_space<vmem_shared>> -> memref<48x128xf32, #tpu.memory_space<vmem_shared>>
      %dma_start3A_295 = arith.constant 0 : i32
      %dma_start3A_296 = arith.constant 0 : i32
      %dma_start3A_297 = tpu.memref_slice %arg8[%run_scoped3A_16, %dma_start3A_295, %dma_start3A_296] : memref<3x80x128xf32, #tpu.memory_space<vmem>> -> memref<1x80x128xf32, #tpu.memory_space<vmem>>
      %dma_start3A_298 = tpu.memref_squeeze %dma_start3A_297 : memref<1x80x128xf32, #tpu.memory_space<vmem>> -> memref<80x128xf32, #tpu.memory_space<vmem>>
      %dma_start3A_299 = arith.constant 0 : i32
      %dma_start3A_300 = arith.constant 0 : i32
      %dma_start3A_301 = tpu.memref_slice %dma_start3A_298[%dma_start3A_299, %dma_start3A_300] : memref<80x128xf32, #tpu.memory_space<vmem>> -> memref<48x128xf32, #tpu.memory_space<vmem>>
      tpu.enqueue_dma source(%dma_start3A_301 : memref<48x128xf32, #tpu.memory_space<vmem>>) target(%dma_start3A_294 : memref<48x128xf32, #tpu.memory_space<vmem_shared>>) target_semaphore(%run_scoped3A_283 : memref<!tpu.dma_semaphore, #tpu.memory_space<semaphore_mem>>)
      %dma_wait3A_302 = arith.constant 0 : i32
      %dma_wait3A_303 = arith.constant 0 : i32
      %dma_wait3A_304 = tpu.memref_slice %arg8[%run_scoped3A_16, %dma_wait3A_302, %dma_wait3A_303] : memref<3x80x128xf32, #tpu.memory_space<vmem>> -> memref<1x80x128xf32, #tpu.memory_space<vmem>>
      %dma_wait3A_305 = tpu.memref_squeeze %dma_wait3A_304 : memref<1x80x128xf32, #tpu.memory_space<vmem>> -> memref<80x128xf32, #tpu.memory_space<vmem>>
      %dma_wait3A_306 = arith.constant 0 : i32
      %dma_wait3A_307 = arith.constant 0 : i32
      %dma_wait3A_308 = tpu.memref_slice %dma_wait3A_305[%dma_wait3A_306, %dma_wait3A_307] : memref<80x128xf32, #tpu.memory_space<vmem>> -> memref<48x128xf32, #tpu.memory_space<vmem>>
      %dma_wait3A_309 = arith.constant 0 : i32
      %dma_wait3A_310 = tpu.memref_slice %arg9[%add3A_15, %dma_wait3A_309] : memref<10000x128xf32, #tpu.memory_space<vmem_shared>> -> memref<48x128xf32, #tpu.memory_space<vmem_shared>>
      %dma_wait3A_311 = arith.constant 0 : i32
      %dma_wait3A_312 = tpu.memref_slice %arg9[%add3A_15, %dma_wait3A_311] : memref<10000x128xf32, #tpu.memory_space<vmem_shared>> -> memref<48x128xf32, #tpu.memory_space<vmem_shared>>
      %dma_wait3A_313 = arith.constant 0 : i32
      %dma_wait3A_314 = arith.constant 0 : i32
      %dma_wait3A_315 = tpu.memref_slice %arg8[%run_scoped3A_16, %dma_wait3A_313, %dma_wait3A_314] : memref<3x80x128xf32, #tpu.memory_space<vmem>> -> memref<1x80x128xf32, #tpu.memory_space<vmem>>
      %dma_wait3A_316 = tpu.memref_squeeze %dma_wait3A_315 : memref<1x80x128xf32, #tpu.memory_space<vmem>> -> memref<80x128xf32, #tpu.memory_space<vmem>>
      %dma_wait3A_317 = arith.constant 0 : i32
      %dma_wait3A_318 = arith.constant 0 : i32
      %dma_wait3A_319 = tpu.memref_slice %dma_wait3A_316[%dma_wait3A_317, %dma_wait3A_318] : memref<80x128xf32, #tpu.memory_space<vmem>> -> memref<48x128xf32, #tpu.memory_space<vmem>>
      tpu.wait_dma2 semaphore(%run_scoped3A_283 : memref<!tpu.dma_semaphore, #tpu.memory_space<semaphore_mem>>) src(%dma_wait3A_319 : memref<48x128xf32, #tpu.memory_space<vmem>>) dst(%dma_wait3A_312 : memref<48x128xf32, #tpu.memory_space<vmem_shared>>)
      tpu.yield
    }) : () -> ()
    %add3A_17 = arith.constant 144 : i32
    %add3A_18 = arith.addi %mul3A_8, %add3A_17 : i32
    %run_scoped3A_19 = arith.constant 0 : i32
    "tpu.region"() ({
      %run_scoped3A_283 = tpu.sem_alloc : memref<!tpu.dma_semaphore, #tpu.memory_space<semaphore_mem>>
      %dma_start3A_284 = arith.constant 0 : i32
      %dma_start3A_285 = arith.constant 0 : i32
      %dma_start3A_286 = tpu.memref_slice %arg8[%run_scoped3A_19, %dma_start3A_284, %dma_start3A_285] : memref<3x80x128xf32, #tpu.memory_space<vmem>> -> memref<1x80x128xf32, #tpu.memory_space<vmem>>
      %dma_start3A_287 = tpu.memref_squeeze %dma_start3A_286 : memref<1x80x128xf32, #tpu.memory_space<vmem>> -> memref<80x128xf32, #tpu.memory_space<vmem>>
      %dma_start3A_288 = arith.constant 0 : i32
      %dma_start3A_289 = arith.constant 0 : i32
      %dma_start3A_290 = tpu.memref_slice %dma_start3A_287[%dma_start3A_288, %dma_start3A_289] : memref<80x128xf32, #tpu.memory_space<vmem>> -> memref<48x128xf32, #tpu.memory_space<vmem>>
      %dma_start3A_291 = arith.constant 0 : i32
      %dma_start3A_292 = tpu.memref_slice %arg9[%add3A_18, %dma_start3A_291] : memref<10000x128xf32, #tpu.memory_space<vmem_shared>> -> memref<48x128xf32, #tpu.memory_space<vmem_shared>>
      %dma_start3A_293 = arith.constant 0 : i32
      %dma_start3A_294 = tpu.memref_slice %arg9[%add3A_18, %dma_start3A_293] : memref<10000x128xf32, #tpu.memory_space<vmem_shared>> -> memref<48x128xf32, #tpu.memory_space<vmem_shared>>
      %dma_start3A_295 = arith.constant 0 : i32
      %dma_start3A_296 = arith.constant 0 : i32
      %dma_start3A_297 = tpu.memref_slice %arg8[%run_scoped3A_19, %dma_start3A_295, %dma_start3A_296] : memref<3x80x128xf32, #tpu.memory_space<vmem>> -> memref<1x80x128xf32, #tpu.memory_space<vmem>>
      %dma_start3A_298 = tpu.memref_squeeze %dma_start3A_297 : memref<1x80x128xf32, #tpu.memory_space<vmem>> -> memref<80x128xf32, #tpu.memory_space<vmem>>
      %dma_start3A_299 = arith.constant 0 : i32
      %dma_start3A_300 = arith.constant 0 : i32
      %dma_start3A_301 = tpu.memref_slice %dma_start3A_298[%dma_start3A_299, %dma_start3A_300] : memref<80x128xf32, #tpu.memory_space<vmem>> -> memref<48x128xf32, #tpu.memory_space<vmem>>
      tpu.enqueue_dma source(%dma_start3A_301 : memref<48x128xf32, #tpu.memory_space<vmem>>) target(%dma_start3A_294 : memref<48x128xf32, #tpu.memory_space<vmem_shared>>) target_semaphore(%run_scoped3A_283 : memref<!tpu.dma_semaphore, #tpu.memory_space<semaphore_mem>>)
      %dma_wait3A_302 = arith.constant 0 : i32
      %dma_wait3A_303 = arith.constant 0 : i32
      %dma_wait3A_304 = tpu.memref_slice %arg8[%run_scoped3A_19, %dma_wait3A_302, %dma_wait3A_303] : memref<3x80x128xf32, #tpu.memory_space<vmem>> -> memref<1x80x128xf32, #tpu.memory_space<vmem>>
      %dma_wait3A_305 = tpu.memref_squeeze %dma_wait3A_304 : memref<1x80x128xf32, #tpu.memory_space<vmem>> -> memref<80x128xf32, #tpu.memory_space<vmem>>
      %dma_wait3A_306 = arith.constant 0 : i32
      %dma_wait3A_307 = arith.constant 0 : i32
      %dma_wait3A_308 = tpu.memref_slice %dma_wait3A_305[%dma_wait3A_306, %dma_wait3A_307] : memref<80x128xf32, #tpu.memory_space<vmem>> -> memref<48x128xf32, #tpu.memory_space<vmem>>
      %dma_wait3A_309 = arith.constant 0 : i32
      %dma_wait3A_310 = tpu.memref_slice %arg9[%add3A_18, %dma_wait3A_309] : memref<10000x128xf32, #tpu.memory_space<vmem_shared>> -> memref<48x128xf32, #tpu.memory_space<vmem_shared>>
      %dma_wait3A_311 = arith.constant 0 : i32
      %dma_wait3A_312 = tpu.memref_slice %arg9[%add3A_18, %dma_wait3A_311] : memref<10000x128xf32, #tpu.memory_space<vmem_shared>> -> memref<48x128xf32, #tpu.memory_space<vmem_shared>>
      %dma_wait3A_313 = arith.constant 0 : i32
      %dma_wait3A_314 = arith.constant 0 : i32
      %dma_wait3A_315 = tpu.memref_slice %arg8[%run_scoped3A_19, %dma_wait3A_313, %dma_wait3A_314] : memref<3x80x128xf32, #tpu.memory_space<vmem>> -> memref<1x80x128xf32, #tpu.memory_space<vmem>>
      %dma_wait3A_316 = tpu.memref_squeeze %dma_wait3A_315 : memref<1x80x128xf32, #tpu.memory_space<vmem>> -> memref<80x128xf32, #tpu.memory_space<vmem>>
      %dma_wait3A_317 = arith.constant 0 : i32
      %dma_wait3A_318 = arith.constant 0 : i32
      %dma_wait3A_319 = tpu.memref_slice %dma_wait3A_316[%dma_wait3A_317, %dma_wait3A_318] : memref<80x128xf32, #tpu.memory_space<vmem>> -> memref<48x128xf32, #tpu.memory_space<vmem>>
      tpu.wait_dma2 semaphore(%run_scoped3A_283 : memref<!tpu.dma_semaphore, #tpu.memory_space<semaphore_mem>>) src(%dma_wait3A_319 : memref<48x128xf32, #tpu.memory_space<vmem>>) dst(%dma_wait3A_312 : memref<48x128xf32, #tpu.memory_space<vmem_shared>>)
      tpu.yield
    }) : () -> ()
    %add3A_20 = arith.constant 192 : i32
    %add3A_21 = arith.addi %mul3A_8, %add3A_20 : i32
    %run_scoped3A_22 = arith.constant 0 : i32
    "tpu.region"() ({
      %run_scoped3A_283 = tpu.sem_alloc : memref<!tpu.dma_semaphore, #tpu.memory_space<semaphore_mem>>
      %dma_start3A_284 = arith.constant 0 : i32
      %dma_start3A_285 = arith.constant 0 : i32
      %dma_start3A_286 = tpu.memref_slice %arg8[%run_scoped3A_22, %dma_start3A_284, %dma_start3A_285] : memref<3x80x128xf32, #tpu.memory_space<vmem>> -> memref<1x80x128xf32, #tpu.memory_space<vmem>>
      %dma_start3A_287 = tpu.memref_squeeze %dma_start3A_286 : memref<1x80x128xf32, #tpu.memory_space<vmem>> -> memref<80x128xf32, #tpu.memory_space<vmem>>
      %dma_start3A_288 = arith.constant 0 : i32
      %dma_start3A_289 = arith.constant 0 : i32
      %dma_start3A_290 = tpu.memref_slice %dma_start3A_287[%dma_start3A_288, %dma_start3A_289] : memref<80x128xf32, #tpu.memory_space<vmem>> -> memref<48x128xf32, #tpu.memory_space<vmem>>
      %dma_start3A_291 = arith.constant 0 : i32
      %dma_start3A_292 = tpu.memref_slice %arg9[%add3A_21, %dma_start3A_291] : memref<10000x128xf32, #tpu.memory_space<vmem_shared>> -> memref<48x128xf32, #tpu.memory_space<vmem_shared>>
      %dma_start3A_293 = arith.constant 0 : i32
      %dma_start3A_294 = tpu.memref_slice %arg9[%add3A_21, %dma_start3A_293] : memref<10000x128xf32, #tpu.memory_space<vmem_shared>> -> memref<48x128xf32, #tpu.memory_space<vmem_shared>>
      %dma_start3A_295 = arith.constant 0 : i32
      %dma_start3A_296 = arith.constant 0 : i32
      %dma_start3A_297 = tpu.memref_slice %arg8[%run_scoped3A_22, %dma_start3A_295, %dma_start3A_296] : memref<3x80x128xf32, #tpu.memory_space<vmem>> -> memref<1x80x128xf32, #tpu.memory_space<vmem>>
      %dma_start3A_298 = tpu.memref_squeeze %dma_start3A_297 : memref<1x80x128xf32, #tpu.memory_space<vmem>> -> memref<80x128xf32, #tpu.memory_space<vmem>>
      %dma_start3A_299 = arith.constant 0 : i32
      %dma_start3A_300 = arith.constant 0 : i32
      %dma_start3A_301 = tpu.memref_slice %dma_start3A_298[%dma_start3A_299, %dma_start3A_300] : memref<80x128xf32, #tpu.memory_space<vmem>> -> memref<48x128xf32, #tpu.memory_space<vmem>>
      tpu.enqueue_dma source(%dma_start3A_301 : memref<48x128xf32, #tpu.memory_space<vmem>>) target(%dma_start3A_294 : memref<48x128xf32, #tpu.memory_space<vmem_shared>>) target_semaphore(%run_scoped3A_283 : memref<!tpu.dma_semaphore, #tpu.memory_space<semaphore_mem>>)
      %dma_wait3A_302 = arith.constant 0 : i32
      %dma_wait3A_303 = arith.constant 0 : i32
      %dma_wait3A_304 = tpu.memref_slice %arg8[%run_scoped3A_22, %dma_wait3A_302, %dma_wait3A_303] : memref<3x80x128xf32, #tpu.memory_space<vmem>> -> memref<1x80x128xf32, #tpu.memory_space<vmem>>
      %dma_wait3A_305 = tpu.memref_squeeze %dma_wait3A_304 : memref<1x80x128xf32, #tpu.memory_space<vmem>> -> memref<80x128xf32, #tpu.memory_space<vmem>>
      %dma_wait3A_306 = arith.constant 0 : i32
      %dma_wait3A_307 = arith.constant 0 : i32
      %dma_wait3A_308 = tpu.memref_slice %dma_wait3A_305[%dma_wait3A_306, %dma_wait3A_307] : memref<80x128xf32, #tpu.memory_space<vmem>> -> memref<48x128xf32, #tpu.memory_space<vmem>>
      %dma_wait3A_309 = arith.constant 0 : i32
      %dma_wait3A_310 = tpu.memref_slice %arg9[%add3A_21, %dma_wait3A_309] : memref<10000x128xf32, #tpu.memory_space<vmem_shared>> -> memref<48x128xf32, #tpu.memory_space<vmem_shared>>
      %dma_wait3A_311 = arith.constant 0 : i32
      %dma_wait3A_312 = tpu.memref_slice %arg9[%add3A_21, %dma_wait3A_311] : memref<10000x128xf32, #tpu.memory_space<vmem_shared>> -> memref<48x128xf32, #tpu.memory_space<vmem_shared>>
      %dma_wait3A_313 = arith.constant 0 : i32
      %dma_wait3A_314 = arith.constant 0 : i32
      %dma_wait3A_315 = tpu.memref_slice %arg8[%run_scoped3A_22, %dma_wait3A_313, %dma_wait3A_314] : memref<3x80x128xf32, #tpu.memory_space<vmem>> -> memref<1x80x128xf32, #tpu.memory_space<vmem>>
      %dma_wait3A_316 = tpu.memref_squeeze %dma_wait3A_315 : memref<1x80x128xf32, #tpu.memory_space<vmem>> -> memref<80x128xf32, #tpu.memory_space<vmem>>
      %dma_wait3A_317 = arith.constant 0 : i32
      %dma_wait3A_318 = arith.constant 0 : i32
      %dma_wait3A_319 = tpu.memref_slice %dma_wait3A_316[%dma_wait3A_317, %dma_wait3A_318] : memref<80x128xf32, #tpu.memory_space<vmem>> -> memref<48x128xf32, #tpu.memory_space<vmem>>
      tpu.wait_dma2 semaphore(%run_scoped3A_283 : memref<!tpu.dma_semaphore, #tpu.memory_space<semaphore_mem>>) src(%dma_wait3A_319 : memref<48x128xf32, #tpu.memory_space<vmem>>) dst(%dma_wait3A_312 : memref<48x128xf32, #tpu.memory_space<vmem_shared>>)
      tpu.yield
    }) : () -> ()
    %add3A_23 = arith.constant 240 : i32
    %add3A_24 = arith.addi %mul3A_8, %add3A_23 : i32
    %run_scoped3A_25 = arith.constant 0 : i32
    "tpu.region"() ({
      %run_scoped3A_283 = tpu.sem_alloc : memref<!tpu.dma_semaphore, #tpu.memory_space<semaphore_mem>>
      %dma_start3A_284 = arith.constant 0 : i32
      %dma_start3A_285 = arith.constant 0 : i32
      %dma_start3A_286 = tpu.memref_slice %arg8[%run_scoped3A_25, %dma_start3A_284, %dma_start3A_285] : memref<3x80x128xf32, #tpu.memory_space<vmem>> -> memref<1x80x128xf32, #tpu.memory_space<vmem>>
      %dma_start3A_287 = tpu.memref_squeeze %dma_start3A_286 : memref<1x80x128xf32, #tpu.memory_space<vmem>> -> memref<80x128xf32, #tpu.memory_space<vmem>>
      %dma_start3A_288 = arith.constant 0 : i32
      %dma_start3A_289 = arith.constant 0 : i32
      %dma_start3A_290 = tpu.memref_slice %dma_start3A_287[%dma_start3A_288, %dma_start3A_289] : memref<80x128xf32, #tpu.memory_space<vmem>> -> memref<48x128xf32, #tpu.memory_space<vmem>>
      %dma_start3A_291 = arith.constant 0 : i32
      %dma_start3A_292 = tpu.memref_slice %arg9[%add3A_24, %dma_start3A_291] : memref<10000x128xf32, #tpu.memory_space<vmem_shared>> -> memref<48x128xf32, #tpu.memory_space<vmem_shared>>
      %dma_start3A_293 = arith.constant 0 : i32
      %dma_start3A_294 = tpu.memref_slice %arg9[%add3A_24, %dma_start3A_293] : memref<10000x128xf32, #tpu.memory_space<vmem_shared>> -> memref<48x128xf32, #tpu.memory_space<vmem_shared>>
      %dma_start3A_295 = arith.constant 0 : i32
      %dma_start3A_296 = arith.constant 0 : i32
      %dma_start3A_297 = tpu.memref_slice %arg8[%run_scoped3A_25, %dma_start3A_295, %dma_start3A_296] : memref<3x80x128xf32, #tpu.memory_space<vmem>> -> memref<1x80x128xf32, #tpu.memory_space<vmem>>
      %dma_start3A_298 = tpu.memref_squeeze %dma_start3A_297 : memref<1x80x128xf32, #tpu.memory_space<vmem>> -> memref<80x128xf32, #tpu.memory_space<vmem>>
      %dma_start3A_299 = arith.constant 0 : i32
      %dma_start3A_300 = arith.constant 0 : i32
      %dma_start3A_301 = tpu.memref_slice %dma_start3A_298[%dma_start3A_299, %dma_start3A_300] : memref<80x128xf32, #tpu.memory_space<vmem>> -> memref<48x128xf32, #tpu.memory_space<vmem>>
      tpu.enqueue_dma source(%dma_start3A_301 : memref<48x128xf32, #tpu.memory_space<vmem>>) target(%dma_start3A_294 : memref<48x128xf32, #tpu.memory_space<vmem_shared>>) target_semaphore(%run_scoped3A_283 : memref<!tpu.dma_semaphore, #tpu.memory_space<semaphore_mem>>)
      %dma_wait3A_302 = arith.constant 0 : i32
      %dma_wait3A_303 = arith.constant 0 : i32
      %dma_wait3A_304 = tpu.memref_slice %arg8[%run_scoped3A_25, %dma_wait3A_302, %dma_wait3A_303] : memref<3x80x128xf32, #tpu.memory_space<vmem>> -> memref<1x80x128xf32, #tpu.memory_space<vmem>>
      %dma_wait3A_305 = tpu.memref_squeeze %dma_wait3A_304 : memref<1x80x128xf32, #tpu.memory_space<vmem>> -> memref<80x128xf32, #tpu.memory_space<vmem>>
      %dma_wait3A_306 = arith.constant 0 : i32
      %dma_wait3A_307 = arith.constant 0 : i32
      %dma_wait3A_308 = tpu.memref_slice %dma_wait3A_305[%dma_wait3A_306, %dma_wait3A_307] : memref<80x128xf32, #tpu.memory_space<vmem>> -> memref<48x128xf32, #tpu.memory_space<vmem>>
      %dma_wait3A_309 = arith.constant 0 : i32
      %dma_wait3A_310 = tpu.memref_slice %arg9[%add3A_24, %dma_wait3A_309] : memref<10000x128xf32, #tpu.memory_space<vmem_shared>> -> memref<48x128xf32, #tpu.memory_space<vmem_shared>>
      %dma_wait3A_311 = arith.constant 0 : i32
      %dma_wait3A_312 = tpu.memref_slice %arg9[%add3A_24, %dma_wait3A_311] : memref<10000x128xf32, #tpu.memory_space<vmem_shared>> -> memref<48x128xf32, #tpu.memory_space<vmem_shared>>
      %dma_wait3A_313 = arith.constant 0 : i32
      %dma_wait3A_314 = arith.constant 0 : i32
      %dma_wait3A_315 = tpu.memref_slice %arg8[%run_scoped3A_25, %dma_wait3A_313, %dma_wait3A_314] : memref<3x80x128xf32, #tpu.memory_space<vmem>> -> memref<1x80x128xf32, #tpu.memory_space<vmem>>
      %dma_wait3A_316 = tpu.memref_squeeze %dma_wait3A_315 : memref<1x80x128xf32, #tpu.memory_space<vmem>> -> memref<80x128xf32, #tpu.memory_space<vmem>>
      %dma_wait3A_317 = arith.constant 0 : i32
      %dma_wait3A_318 = arith.constant 0 : i32
      %dma_wait3A_319 = tpu.memref_slice %dma_wait3A_316[%dma_wait3A_317, %dma_wait3A_318] : memref<80x128xf32, #tpu.memory_space<vmem>> -> memref<48x128xf32, #tpu.memory_space<vmem>>
      tpu.wait_dma2 semaphore(%run_scoped3A_283 : memref<!tpu.dma_semaphore, #tpu.memory_space<semaphore_mem>>) src(%dma_wait3A_319 : memref<48x128xf32, #tpu.memory_space<vmem>>) dst(%dma_wait3A_312 : memref<48x128xf32, #tpu.memory_space<vmem_shared>>)
      tpu.yield
    }) : () -> ()
    %add3A_26 = arith.constant 288 : i32
    %add3A_27 = arith.addi %mul3A_8, %add3A_26 : i32
    %run_scoped3A_28 = arith.constant 0 : i32
    "tpu.region"() ({
      %run_scoped3A_283 = tpu.sem_alloc : memref<!tpu.dma_semaphore, #tpu.memory_space<semaphore_mem>>
      %dma_start3A_284 = arith.constant 0 : i32
      %dma_start3A_285 = arith.constant 0 : i32
      %dma_start3A_286 = tpu.memref_slice %arg8[%run_scoped3A_28, %dma_start3A_284, %dma_start3A_285] : memref<3x80x128xf32, #tpu.memory_space<vmem>> -> memref<1x80x128xf32, #tpu.memory_space<vmem>>
      %dma_start3A_287 = tpu.memref_squeeze %dma_start3A_286 : memref<1x80x128xf32, #tpu.memory_space<vmem>> -> memref<80x128xf32, #tpu.memory_space<vmem>>
      %dma_start3A_288 = arith.constant 0 : i32
      %dma_start3A_289 = arith.constant 0 : i32
      %dma_start3A_290 = tpu.memref_slice %dma_start3A_287[%dma_start3A_288, %dma_start3A_289] : memref<80x128xf32, #tpu.memory_space<vmem>> -> memref<48x128xf32, #tpu.memory_space<vmem>>
      %dma_start3A_291 = arith.constant 0 : i32
      %dma_start3A_292 = tpu.memref_slice %arg9[%add3A_27, %dma_start3A_291] : memref<10000x128xf32, #tpu.memory_space<vmem_shared>> -> memref<48x128xf32, #tpu.memory_space<vmem_shared>>
      %dma_start3A_293 = arith.constant 0 : i32
      %dma_start3A_294 = tpu.memref_slice %arg9[%add3A_27, %dma_start3A_293] : memref<10000x128xf32, #tpu.memory_space<vmem_shared>> -> memref<48x128xf32, #tpu.memory_space<vmem_shared>>
      %dma_start3A_295 = arith.constant 0 : i32
      %dma_start3A_296 = arith.constant 0 : i32
      %dma_start3A_297 = tpu.memref_slice %arg8[%run_scoped3A_28, %dma_start3A_295, %dma_start3A_296] : memref<3x80x128xf32, #tpu.memory_space<vmem>> -> memref<1x80x128xf32, #tpu.memory_space<vmem>>
      %dma_start3A_298 = tpu.memref_squeeze %dma_start3A_297 : memref<1x80x128xf32, #tpu.memory_space<vmem>> -> memref<80x128xf32, #tpu.memory_space<vmem>>
      %dma_start3A_299 = arith.constant 0 : i32
      %dma_start3A_300 = arith.constant 0 : i32
      %dma_start3A_301 = tpu.memref_slice %dma_start3A_298[%dma_start3A_299, %dma_start3A_300] : memref<80x128xf32, #tpu.memory_space<vmem>> -> memref<48x128xf32, #tpu.memory_space<vmem>>
      tpu.enqueue_dma source(%dma_start3A_301 : memref<48x128xf32, #tpu.memory_space<vmem>>) target(%dma_start3A_294 : memref<48x128xf32, #tpu.memory_space<vmem_shared>>) target_semaphore(%run_scoped3A_283 : memref<!tpu.dma_semaphore, #tpu.memory_space<semaphore_mem>>)
      %dma_wait3A_302 = arith.constant 0 : i32
      %dma_wait3A_303 = arith.constant 0 : i32
      %dma_wait3A_304 = tpu.memref_slice %arg8[%run_scoped3A_28, %dma_wait3A_302, %dma_wait3A_303] : memref<3x80x128xf32, #tpu.memory_space<vmem>> -> memref<1x80x128xf32, #tpu.memory_space<vmem>>
      %dma_wait3A_305 = tpu.memref_squeeze %dma_wait3A_304 : memref<1x80x128xf32, #tpu.memory_space<vmem>> -> memref<80x128xf32, #tpu.memory_space<vmem>>
      %dma_wait3A_306 = arith.constant 0 : i32
      %dma_wait3A_307 = arith.constant 0 : i32
      %dma_wait3A_308 = tpu.memref_slice %dma_wait3A_305[%dma_wait3A_306, %dma_wait3A_307] : memref<80x128xf32, #tpu.memory_space<vmem>> -> memref<48x128xf32, #tpu.memory_space<vmem>>
      %dma_wait3A_309 = arith.constant 0 : i32
      %dma_wait3A_310 = tpu.memref_slice %arg9[%add3A_27, %dma_wait3A_309] : memref<10000x128xf32, #tpu.memory_space<vmem_shared>> -> memref<48x128xf32, #tpu.memory_space<vmem_shared>>
      %dma_wait3A_311 = arith.constant 0 : i32
      %dma_wait3A_312 = tpu.memref_slice %arg9[%add3A_27, %dma_wait3A_311] : memref<10000x128xf32, #tpu.memory_space<vmem_shared>> -> memref<48x128xf32, #tpu.memory_space<vmem_shared>>
      %dma_wait3A_313 = arith.constant 0 : i32
      %dma_wait3A_314 = arith.constant 0 : i32
      %dma_wait3A_315 = tpu.memref_slice %arg8[%run_scoped3A_28, %dma_wait3A_313, %dma_wait3A_314] : memref<3x80x128xf32, #tpu.memory_space<vmem>> -> memref<1x80x128xf32, #tpu.memory_space<vmem>>
      %dma_wait3A_316 = tpu.memref_squeeze %dma_wait3A_315 : memref<1x80x128xf32, #tpu.memory_space<vmem>> -> memref<80x128xf32, #tpu.memory_space<vmem>>
      %dma_wait3A_317 = arith.constant 0 : i32
      %dma_wait3A_318 = arith.constant 0 : i32
      %dma_wait3A_319 = tpu.memref_slice %dma_wait3A_316[%dma_wait3A_317, %dma_wait3A_318] : memref<80x128xf32, #tpu.memory_space<vmem>> -> memref<48x128xf32, #tpu.memory_space<vmem>>
      tpu.wait_dma2 semaphore(%run_scoped3A_283 : memref<!tpu.dma_semaphore, #tpu.memory_space<semaphore_mem>>) src(%dma_wait3A_319 : memref<48x128xf32, #tpu.memory_space<vmem>>) dst(%dma_wait3A_312 : memref<48x128xf32, #tpu.memory_space<vmem_shared>>)
      tpu.yield
    }) : () -> ()
    %add3A_29 = arith.constant 336 : i32
    %add3A_30 = arith.addi %mul3A_8, %add3A_29 : i32
    %run_scoped3A_31 = arith.constant 0 : i32
    "tpu.region"() ({
      %run_scoped3A_283 = tpu.sem_alloc : memref<!tpu.dma_semaphore, #tpu.memory_space<semaphore_mem>>
      %dma_start3A_284 = arith.constant 0 : i32
      %dma_start3A_285 = arith.constant 0 : i32
      %dma_start3A_286 = tpu.memref_slice %arg8[%run_scoped3A_31, %dma_start3A_284, %dma_start3A_285] : memref<3x80x128xf32, #tpu.memory_space<vmem>> -> memref<1x80x128xf32, #tpu.memory_space<vmem>>
      %dma_start3A_287 = tpu.memref_squeeze %dma_start3A_286 : memref<1x80x128xf32, #tpu.memory_space<vmem>> -> memref<80x128xf32, #tpu.memory_space<vmem>>
      %dma_start3A_288 = arith.constant 0 : i32
      %dma_start3A_289 = arith.constant 0 : i32
      %dma_start3A_290 = tpu.memref_slice %dma_start3A_287[%dma_start3A_288, %dma_start3A_289] : memref<80x128xf32, #tpu.memory_space<vmem>> -> memref<48x128xf32, #tpu.memory_space<vmem>>
      %dma_start3A_291 = arith.constant 0 : i32
      %dma_start3A_292 = tpu.memref_slice %arg9[%add3A_30, %dma_start3A_291] : memref<10000x128xf32, #tpu.memory_space<vmem_shared>> -> memref<48x128xf32, #tpu.memory_space<vmem_shared>>
      %dma_start3A_293 = arith.constant 0 : i32
      %dma_start3A_294 = tpu.memref_slice %arg9[%add3A_30, %dma_start3A_293] : memref<10000x128xf32, #tpu.memory_space<vmem_shared>> -> memref<48x128xf32, #tpu.memory_space<vmem_shared>>
      %dma_start3A_295 = arith.constant 0 : i32
      %dma_start3A_296 = arith.constant 0 : i32
      %dma_start3A_297 = tpu.memref_slice %arg8[%run_scoped3A_31, %dma_start3A_295, %dma_start3A_296] : memref<3x80x128xf32, #tpu.memory_space<vmem>> -> memref<1x80x128xf32, #tpu.memory_space<vmem>>
      %dma_start3A_298 = tpu.memref_squeeze %dma_start3A_297 : memref<1x80x128xf32, #tpu.memory_space<vmem>> -> memref<80x128xf32, #tpu.memory_space<vmem>>
      %dma_start3A_299 = arith.constant 0 : i32
      %dma_start3A_300 = arith.constant 0 : i32
      %dma_start3A_301 = tpu.memref_slice %dma_start3A_298[%dma_start3A_299, %dma_start3A_300] : memref<80x128xf32, #tpu.memory_space<vmem>> -> memref<48x128xf32, #tpu.memory_space<vmem>>
      tpu.enqueue_dma source(%dma_start3A_301 : memref<48x128xf32, #tpu.memory_space<vmem>>) target(%dma_start3A_294 : memref<48x128xf32, #tpu.memory_space<vmem_shared>>) target_semaphore(%run_scoped3A_283 : memref<!tpu.dma_semaphore, #tpu.memory_space<semaphore_mem>>)
      %dma_wait3A_302 = arith.constant 0 : i32
      %dma_wait3A_303 = arith.constant 0 : i32
      %dma_wait3A_304 = tpu.memref_slice %arg8[%run_scoped3A_31, %dma_wait3A_302, %dma_wait3A_303] : memref<3x80x128xf32, #tpu.memory_space<vmem>> -> memref<1x80x128xf32, #tpu.memory_space<vmem>>
      %dma_wait3A_305 = tpu.memref_squeeze %dma_wait3A_304 : memref<1x80x128xf32, #tpu.memory_space<vmem>> -> memref<80x128xf32, #tpu.memory_space<vmem>>
      %dma_wait3A_306 = arith.constant 0 : i32
      %dma_wait3A_307 = arith.constant 0 : i32
      %dma_wait3A_308 = tpu.memref_slice %dma_wait3A_305[%dma_wait3A_306, %dma_wait3A_307] : memref<80x128xf32, #tpu.memory_space<vmem>> -> memref<48x128xf32, #tpu.memory_space<vmem>>
      %dma_wait3A_309 = arith.constant 0 : i32
      %dma_wait3A_310 = tpu.memref_slice %arg9[%add3A_30, %dma_wait3A_309] : memref<10000x128xf32, #tpu.memory_space<vmem_shared>> -> memref<48x128xf32, #tpu.memory_space<vmem_shared>>
      %dma_wait3A_311 = arith.constant 0 : i32
      %dma_wait3A_312 = tpu.memref_slice %arg9[%add3A_30, %dma_wait3A_311] : memref<10000x128xf32, #tpu.memory_space<vmem_shared>> -> memref<48x128xf32, #tpu.memory_space<vmem_shared>>
      %dma_wait3A_313 = arith.constant 0 : i32
      %dma_wait3A_314 = arith.constant 0 : i32
      %dma_wait3A_315 = tpu.memref_slice %arg8[%run_scoped3A_31, %dma_wait3A_313, %dma_wait3A_314] : memref<3x80x128xf32, #tpu.memory_space<vmem>> -> memref<1x80x128xf32, #tpu.memory_space<vmem>>
      %dma_wait3A_316 = tpu.memref_squeeze %dma_wait3A_315 : memref<1x80x128xf32, #tpu.memory_space<vmem>> -> memref<80x128xf32, #tpu.memory_space<vmem>>
      %dma_wait3A_317 = arith.constant 0 : i32
      %dma_wait3A_318 = arith.constant 0 : i32
      %dma_wait3A_319 = tpu.memref_slice %dma_wait3A_316[%dma_wait3A_317, %dma_wait3A_318] : memref<80x128xf32, #tpu.memory_space<vmem>> -> memref<48x128xf32, #tpu.memory_space<vmem>>
      tpu.wait_dma2 semaphore(%run_scoped3A_283 : memref<!tpu.dma_semaphore, #tpu.memory_space<semaphore_mem>>) src(%dma_wait3A_319 : memref<48x128xf32, #tpu.memory_space<vmem>>) dst(%dma_wait3A_312 : memref<48x128xf32, #tpu.memory_space<vmem_shared>>)
      tpu.yield
    }) : () -> ()
    %add3A_32 = arith.constant 384 : i32
    %add3A_33 = arith.addi %mul3A_8, %add3A_32 : i32
    %run_scoped3A_34 = arith.constant 0 : i32
    "tpu.region"() ({
      %run_scoped3A_283 = tpu.sem_alloc : memref<!tpu.dma_semaphore, #tpu.memory_space<semaphore_mem>>
      %dma_start3A_284 = arith.constant 0 : i32
      %dma_start3A_285 = arith.constant 0 : i32
      %dma_start3A_286 = tpu.memref_slice %arg8[%run_scoped3A_34, %dma_start3A_284, %dma_start3A_285] : memref<3x80x128xf32, #tpu.memory_space<vmem>> -> memref<1x80x128xf32, #tpu.memory_space<vmem>>
      %dma_start3A_287 = tpu.memref_squeeze %dma_start3A_286 : memref<1x80x128xf32, #tpu.memory_space<vmem>> -> memref<80x128xf32, #tpu.memory_space<vmem>>
      %dma_start3A_288 = arith.constant 0 : i32
      %dma_start3A_289 = arith.constant 0 : i32
      %dma_start3A_290 = tpu.memref_slice %dma_start3A_287[%dma_start3A_288, %dma_start3A_289] : memref<80x128xf32, #tpu.memory_space<vmem>> -> memref<48x128xf32, #tpu.memory_space<vmem>>
      %dma_start3A_291 = arith.constant 0 : i32
      %dma_start3A_292 = tpu.memref_slice %arg9[%add3A_33, %dma_start3A_291] : memref<10000x128xf32, #tpu.memory_space<vmem_shared>> -> memref<48x128xf32, #tpu.memory_space<vmem_shared>>
      %dma_start3A_293 = arith.constant 0 : i32
      %dma_start3A_294 = tpu.memref_slice %arg9[%add3A_33, %dma_start3A_293] : memref<10000x128xf32, #tpu.memory_space<vmem_shared>> -> memref<48x128xf32, #tpu.memory_space<vmem_shared>>
      %dma_start3A_295 = arith.constant 0 : i32
      %dma_start3A_296 = arith.constant 0 : i32
      %dma_start3A_297 = tpu.memref_slice %arg8[%run_scoped3A_34, %dma_start3A_295, %dma_start3A_296] : memref<3x80x128xf32, #tpu.memory_space<vmem>> -> memref<1x80x128xf32, #tpu.memory_space<vmem>>
      %dma_start3A_298 = tpu.memref_squeeze %dma_start3A_297 : memref<1x80x128xf32, #tpu.memory_space<vmem>> -> memref<80x128xf32, #tpu.memory_space<vmem>>
      %dma_start3A_299 = arith.constant 0 : i32
      %dma_start3A_300 = arith.constant 0 : i32
      %dma_start3A_301 = tpu.memref_slice %dma_start3A_298[%dma_start3A_299, %dma_start3A_300] : memref<80x128xf32, #tpu.memory_space<vmem>> -> memref<48x128xf32, #tpu.memory_space<vmem>>
      tpu.enqueue_dma source(%dma_start3A_301 : memref<48x128xf32, #tpu.memory_space<vmem>>) target(%dma_start3A_294 : memref<48x128xf32, #tpu.memory_space<vmem_shared>>) target_semaphore(%run_scoped3A_283 : memref<!tpu.dma_semaphore, #tpu.memory_space<semaphore_mem>>)
      %dma_wait3A_302 = arith.constant 0 : i32
      %dma_wait3A_303 = arith.constant 0 : i32
      %dma_wait3A_304 = tpu.memref_slice %arg8[%run_scoped3A_34, %dma_wait3A_302, %dma_wait3A_303] : memref<3x80x128xf32, #tpu.memory_space<vmem>> -> memref<1x80x128xf32, #tpu.memory_space<vmem>>
      %dma_wait3A_305 = tpu.memref_squeeze %dma_wait3A_304 : memref<1x80x128xf32, #tpu.memory_space<vmem>> -> memref<80x128xf32, #tpu.memory_space<vmem>>
      %dma_wait3A_306 = arith.constant 0 : i32
      %dma_wait3A_307 = arith.constant 0 : i32
      %dma_wait3A_308 = tpu.memref_slice %dma_wait3A_305[%dma_wait3A_306, %dma_wait3A_307] : memref<80x128xf32, #tpu.memory_space<vmem>> -> memref<48x128xf32, #tpu.memory_space<vmem>>
      %dma_wait3A_309 = arith.constant 0 : i32
      %dma_wait3A_310 = tpu.memref_slice %arg9[%add3A_33, %dma_wait3A_309] : memref<10000x128xf32, #tpu.memory_space<vmem_shared>> -> memref<48x128xf32, #tpu.memory_space<vmem_shared>>
      %dma_wait3A_311 = arith.constant 0 : i32
      %dma_wait3A_312 = tpu.memref_slice %arg9[%add3A_33, %dma_wait3A_311] : memref<10000x128xf32, #tpu.memory_space<vmem_shared>> -> memref<48x128xf32, #tpu.memory_space<vmem_shared>>
      %dma_wait3A_313 = arith.constant 0 : i32
      %dma_wait3A_314 = arith.constant 0 : i32
      %dma_wait3A_315 = tpu.memref_slice %arg8[%run_scoped3A_34, %dma_wait3A_313, %dma_wait3A_314] : memref<3x80x128xf32, #tpu.memory_space<vmem>> -> memref<1x80x128xf32, #tpu.memory_space<vmem>>
      %dma_wait3A_316 = tpu.memref_squeeze %dma_wait3A_315 : memref<1x80x128xf32, #tpu.memory_space<vmem>> -> memref<80x128xf32, #tpu.memory_space<vmem>>
      %dma_wait3A_317 = arith.constant 0 : i32
      %dma_wait3A_318 = arith.constant 0 : i32
      %dma_wait3A_319 = tpu.memref_slice %dma_wait3A_316[%dma_wait3A_317, %dma_wait3A_318] : memref<80x128xf32, #tpu.memory_space<vmem>> -> memref<48x128xf32, #tpu.memory_space<vmem>>
      tpu.wait_dma2 semaphore(%run_scoped3A_283 : memref<!tpu.dma_semaphore, #tpu.memory_space<semaphore_mem>>) src(%dma_wait3A_319 : memref<48x128xf32, #tpu.memory_space<vmem>>) dst(%dma_wait3A_312 : memref<48x128xf32, #tpu.memory_space<vmem_shared>>)
      tpu.yield
    }) : () -> ()
    %add3A_35 = arith.constant 432 : i32
    %add3A_36 = arith.addi %mul3A_8, %add3A_35 : i32
    %run_scoped3A_37 = arith.constant 0 : i32
    "tpu.region"() ({
      %run_scoped3A_283 = tpu.sem_alloc : memref<!tpu.dma_semaphore, #tpu.memory_space<semaphore_mem>>
      %dma_start3A_284 = arith.constant 0 : i32
      %dma_start3A_285 = arith.constant 0 : i32
      %dma_start3A_286 = tpu.memref_slice %arg8[%run_scoped3A_37, %dma_start3A_284, %dma_start3A_285] : memref<3x80x128xf32, #tpu.memory_space<vmem>> -> memref<1x80x128xf32, #tpu.memory_space<vmem>>
      %dma_start3A_287 = tpu.memref_squeeze %dma_start3A_286 : memref<1x80x128xf32, #tpu.memory_space<vmem>> -> memref<80x128xf32, #tpu.memory_space<vmem>>
      %dma_start3A_288 = arith.constant 0 : i32
      %dma_start3A_289 = arith.constant 0 : i32
      %dma_start3A_290 = tpu.memref_slice %dma_start3A_287[%dma_start3A_288, %dma_start3A_289] : memref<80x128xf32, #tpu.memory_space<vmem>> -> memref<48x128xf32, #tpu.memory_space<vmem>>
      %dma_start3A_291 = arith.constant 0 : i32
      %dma_start3A_292 = tpu.memref_slice %arg9[%add3A_36, %dma_start3A_291] : memref<10000x128xf32, #tpu.memory_space<vmem_shared>> -> memref<48x128xf32, #tpu.memory_space<vmem_shared>>
      %dma_start3A_293 = arith.constant 0 : i32
      %dma_start3A_294 = tpu.memref_slice %arg9[%add3A_36, %dma_start3A_293] : memref<10000x128xf32, #tpu.memory_space<vmem_shared>> -> memref<48x128xf32, #tpu.memory_space<vmem_shared>>
      %dma_start3A_295 = arith.constant 0 : i32
      %dma_start3A_296 = arith.constant 0 : i32
      %dma_start3A_297 = tpu.memref_slice %arg8[%run_scoped3A_37, %dma_start3A_295, %dma_start3A_296] : memref<3x80x128xf32, #tpu.memory_space<vmem>> -> memref<1x80x128xf32, #tpu.memory_space<vmem>>
      %dma_start3A_298 = tpu.memref_squeeze %dma_start3A_297 : memref<1x80x128xf32, #tpu.memory_space<vmem>> -> memref<80x128xf32, #tpu.memory_space<vmem>>
      %dma_start3A_299 = arith.constant 0 : i32
      %dma_start3A_300 = arith.constant 0 : i32
      %dma_start3A_301 = tpu.memref_slice %dma_start3A_298[%dma_start3A_299, %dma_start3A_300] : memref<80x128xf32, #tpu.memory_space<vmem>> -> memref<48x128xf32, #tpu.memory_space<vmem>>
      tpu.enqueue_dma source(%dma_start3A_301 : memref<48x128xf32, #tpu.memory_space<vmem>>) target(%dma_start3A_294 : memref<48x128xf32, #tpu.memory_space<vmem_shared>>) target_semaphore(%run_scoped3A_283 : memref<!tpu.dma_semaphore, #tpu.memory_space<semaphore_mem>>)
      %dma_wait3A_302 = arith.constant 0 : i32
      %dma_wait3A_303 = arith.constant 0 : i32
      %dma_wait3A_304 = tpu.memref_slice %arg8[%run_scoped3A_37, %dma_wait3A_302, %dma_wait3A_303] : memref<3x80x128xf32, #tpu.memory_space<vmem>> -> memref<1x80x128xf32, #tpu.memory_space<vmem>>
      %dma_wait3A_305 = tpu.memref_squeeze %dma_wait3A_304 : memref<1x80x128xf32, #tpu.memory_space<vmem>> -> memref<80x128xf32, #tpu.memory_space<vmem>>
      %dma_wait3A_306 = arith.constant 0 : i32
      %dma_wait3A_307 = arith.constant 0 : i32
      %dma_wait3A_308 = tpu.memref_slice %dma_wait3A_305[%dma_wait3A_306, %dma_wait3A_307] : memref<80x128xf32, #tpu.memory_space<vmem>> -> memref<48x128xf32, #tpu.memory_space<vmem>>
      %dma_wait3A_309 = arith.constant 0 : i32
      %dma_wait3A_310 = tpu.memref_slice %arg9[%add3A_36, %dma_wait3A_309] : memref<10000x128xf32, #tpu.memory_space<vmem_shared>> -> memref<48x128xf32, #tpu.memory_space<vmem_shared>>
      %dma_wait3A_311 = arith.constant 0 : i32
      %dma_wait3A_312 = tpu.memref_slice %arg9[%add3A_36, %dma_wait3A_311] : memref<10000x128xf32, #tpu.memory_space<vmem_shared>> -> memref<48x128xf32, #tpu.memory_space<vmem_shared>>
      %dma_wait3A_313 = arith.constant 0 : i32
      %dma_wait3A_314 = arith.constant 0 : i32
      %dma_wait3A_315 = tpu.memref_slice %arg8[%run_scoped3A_37, %dma_wait3A_313, %dma_wait3A_314] : memref<3x80x128xf32, #tpu.memory_space<vmem>> -> memref<1x80x128xf32, #tpu.memory_space<vmem>>
      %dma_wait3A_316 = tpu.memref_squeeze %dma_wait3A_315 : memref<1x80x128xf32, #tpu.memory_space<vmem>> -> memref<80x128xf32, #tpu.memory_space<vmem>>
      %dma_wait3A_317 = arith.constant 0 : i32
      %dma_wait3A_318 = arith.constant 0 : i32
      %dma_wait3A_319 = tpu.memref_slice %dma_wait3A_316[%dma_wait3A_317, %dma_wait3A_318] : memref<80x128xf32, #tpu.memory_space<vmem>> -> memref<48x128xf32, #tpu.memory_space<vmem>>
      tpu.wait_dma2 semaphore(%run_scoped3A_283 : memref<!tpu.dma_semaphore, #tpu.memory_space<semaphore_mem>>) src(%dma_wait3A_319 : memref<48x128xf32, #tpu.memory_space<vmem>>) dst(%dma_wait3A_312 : memref<48x128xf32, #tpu.memory_space<vmem_shared>>)
      tpu.yield
    }) : () -> ()
    %add3A_38 = arith.constant 480 : i32
    %add3A_39 = arith.addi %mul3A_8, %add3A_38 : i32
    %run_scoped3A_40 = arith.constant 0 : i32
    "tpu.region"() ({
      %run_scoped3A_283 = tpu.sem_alloc : memref<!tpu.dma_semaphore, #tpu.memory_space<semaphore_mem>>
      %dma_start3A_284 = arith.constant 0 : i32
      %dma_start3A_285 = arith.constant 0 : i32
      %dma_start3A_286 = tpu.memref_slice %arg8[%run_scoped3A_40, %dma_start3A_284, %dma_start3A_285] : memref<3x80x128xf32, #tpu.memory_space<vmem>> -> memref<1x80x128xf32, #tpu.memory_space<vmem>>
      %dma_start3A_287 = tpu.memref_squeeze %dma_start3A_286 : memref<1x80x128xf32, #tpu.memory_space<vmem>> -> memref<80x128xf32, #tpu.memory_space<vmem>>
      %dma_start3A_288 = arith.constant 0 : i32
      %dma_start3A_289 = arith.constant 0 : i32
      %dma_start3A_290 = tpu.memref_slice %dma_start3A_287[%dma_start3A_288, %dma_start3A_289] : memref<80x128xf32, #tpu.memory_space<vmem>> -> memref<48x128xf32, #tpu.memory_space<vmem>>
      %dma_start3A_291 = arith.constant 0 : i32
      %dma_start3A_292 = tpu.memref_slice %arg9[%add3A_39, %dma_start3A_291] : memref<10000x128xf32, #tpu.memory_space<vmem_shared>> -> memref<48x128xf32, #tpu.memory_space<vmem_shared>>
      %dma_start3A_293 = arith.constant 0 : i32
      %dma_start3A_294 = tpu.memref_slice %arg9[%add3A_39, %dma_start3A_293] : memref<10000x128xf32, #tpu.memory_space<vmem_shared>> -> memref<48x128xf32, #tpu.memory_space<vmem_shared>>
      %dma_start3A_295 = arith.constant 0 : i32
      %dma_start3A_296 = arith.constant 0 : i32
      %dma_start3A_297 = tpu.memref_slice %arg8[%run_scoped3A_40, %dma_start3A_295, %dma_start3A_296] : memref<3x80x128xf32, #tpu.memory_space<vmem>> -> memref<1x80x128xf32, #tpu.memory_space<vmem>>
      %dma_start3A_298 = tpu.memref_squeeze %dma_start3A_297 : memref<1x80x128xf32, #tpu.memory_space<vmem>> -> memref<80x128xf32, #tpu.memory_space<vmem>>
      %dma_start3A_299 = arith.constant 0 : i32
      %dma_start3A_300 = arith.constant 0 : i32
      %dma_start3A_301 = tpu.memref_slice %dma_start3A_298[%dma_start3A_299, %dma_start3A_300] : memref<80x128xf32, #tpu.memory_space<vmem>> -> memref<48x128xf32, #tpu.memory_space<vmem>>
      tpu.enqueue_dma source(%dma_start3A_301 : memref<48x128xf32, #tpu.memory_space<vmem>>) target(%dma_start3A_294 : memref<48x128xf32, #tpu.memory_space<vmem_shared>>) target_semaphore(%run_scoped3A_283 : memref<!tpu.dma_semaphore, #tpu.memory_space<semaphore_mem>>)
      %dma_wait3A_302 = arith.constant 0 : i32
      %dma_wait3A_303 = arith.constant 0 : i32
      %dma_wait3A_304 = tpu.memref_slice %arg8[%run_scoped3A_40, %dma_wait3A_302, %dma_wait3A_303] : memref<3x80x128xf32, #tpu.memory_space<vmem>> -> memref<1x80x128xf32, #tpu.memory_space<vmem>>
      %dma_wait3A_305 = tpu.memref_squeeze %dma_wait3A_304 : memref<1x80x128xf32, #tpu.memory_space<vmem>> -> memref<80x128xf32, #tpu.memory_space<vmem>>
      %dma_wait3A_306 = arith.constant 0 : i32
      %dma_wait3A_307 = arith.constant 0 : i32
      %dma_wait3A_308 = tpu.memref_slice %dma_wait3A_305[%dma_wait3A_306, %dma_wait3A_307] : memref<80x128xf32, #tpu.memory_space<vmem>> -> memref<48x128xf32, #tpu.memory_space<vmem>>
      %dma_wait3A_309 = arith.constant 0 : i32
      %dma_wait3A_310 = tpu.memref_slice %arg9[%add3A_39, %dma_wait3A_309] : memref<10000x128xf32, #tpu.memory_space<vmem_shared>> -> memref<48x128xf32, #tpu.memory_space<vmem_shared>>
      %dma_wait3A_311 = arith.constant 0 : i32
      %dma_wait3A_312 = tpu.memref_slice %arg9[%add3A_39, %dma_wait3A_311] : memref<10000x128xf32, #tpu.memory_space<vmem_shared>> -> memref<48x128xf32, #tpu.memory_space<vmem_shared>>
      %dma_wait3A_313 = arith.constant 0 : i32
      %dma_wait3A_314 = arith.constant 0 : i32
      %dma_wait3A_315 = tpu.memref_slice %arg8[%run_scoped3A_40, %dma_wait3A_313, %dma_wait3A_314] : memref<3x80x128xf32, #tpu.memory_space<vmem>> -> memref<1x80x128xf32, #tpu.memory_space<vmem>>
      %dma_wait3A_316 = tpu.memref_squeeze %dma_wait3A_315 : memref<1x80x128xf32, #tpu.memory_space<vmem>> -> memref<80x128xf32, #tpu.memory_space<vmem>>
      %dma_wait3A_317 = arith.constant 0 : i32
      %dma_wait3A_318 = arith.constant 0 : i32
      %dma_wait3A_319 = tpu.memref_slice %dma_wait3A_316[%dma_wait3A_317, %dma_wait3A_318] : memref<80x128xf32, #tpu.memory_space<vmem>> -> memref<48x128xf32, #tpu.memory_space<vmem>>
      tpu.wait_dma2 semaphore(%run_scoped3A_283 : memref<!tpu.dma_semaphore, #tpu.memory_space<semaphore_mem>>) src(%dma_wait3A_319 : memref<48x128xf32, #tpu.memory_space<vmem>>) dst(%dma_wait3A_312 : memref<48x128xf32, #tpu.memory_space<vmem_shared>>)
      tpu.yield
    }) : () -> ()
    %add3A_41 = arith.constant 528 : i32
    %add3A_42 = arith.addi %mul3A_8, %add3A_41 : i32
    %run_scoped3A_43 = arith.constant 0 : i32
    "tpu.region"() ({
      %run_scoped3A_283 = tpu.sem_alloc : memref<!tpu.dma_semaphore, #tpu.memory_space<semaphore_mem>>
      %dma_start3A_284 = arith.constant 0 : i32
      %dma_start3A_285 = arith.constant 0 : i32
      %dma_start3A_286 = tpu.memref_slice %arg8[%run_scoped3A_43, %dma_start3A_284, %dma_start3A_285] : memref<3x80x128xf32, #tpu.memory_space<vmem>> -> memref<1x80x128xf32, #tpu.memory_space<vmem>>
      %dma_start3A_287 = tpu.memref_squeeze %dma_start3A_286 : memref<1x80x128xf32, #tpu.memory_space<vmem>> -> memref<80x128xf32, #tpu.memory_space<vmem>>
      %dma_start3A_288 = arith.constant 0 : i32
      %dma_start3A_289 = arith.constant 0 : i32
      %dma_start3A_290 = tpu.memref_slice %dma_start3A_287[%dma_start3A_288, %dma_start3A_289] : memref<80x128xf32, #tpu.memory_space<vmem>> -> memref<48x128xf32, #tpu.memory_space<vmem>>
      %dma_start3A_291 = arith.constant 0 : i32
      %dma_start3A_292 = tpu.memref_slice %arg9[%add3A_42, %dma_start3A_291] : memref<10000x128xf32, #tpu.memory_space<vmem_shared>> -> memref<48x128xf32, #tpu.memory_space<vmem_shared>>
      %dma_start3A_293 = arith.constant 0 : i32
      %dma_start3A_294 = tpu.memref_slice %arg9[%add3A_42, %dma_start3A_293] : memref<10000x128xf32, #tpu.memory_space<vmem_shared>> -> memref<48x128xf32, #tpu.memory_space<vmem_shared>>
      %dma_start3A_295 = arith.constant 0 : i32
      %dma_start3A_296 = arith.constant 0 : i32
      %dma_start3A_297 = tpu.memref_slice %arg8[%run_scoped3A_43, %dma_start3A_295, %dma_start3A_296] : memref<3x80x128xf32, #tpu.memory_space<vmem>> -> memref<1x80x128xf32, #tpu.memory_space<vmem>>
      %dma_start3A_298 = tpu.memref_squeeze %dma_start3A_297 : memref<1x80x128xf32, #tpu.memory_space<vmem>> -> memref<80x128xf32, #tpu.memory_space<vmem>>
      %dma_start3A_299 = arith.constant 0 : i32
      %dma_start3A_300 = arith.constant 0 : i32
      %dma_start3A_301 = tpu.memref_slice %dma_start3A_298[%dma_start3A_299, %dma_start3A_300] : memref<80x128xf32, #tpu.memory_space<vmem>> -> memref<48x128xf32, #tpu.memory_space<vmem>>
      tpu.enqueue_dma source(%dma_start3A_301 : memref<48x128xf32, #tpu.memory_space<vmem>>) target(%dma_start3A_294 : memref<48x128xf32, #tpu.memory_space<vmem_shared>>) target_semaphore(%run_scoped3A_283 : memref<!tpu.dma_semaphore, #tpu.memory_space<semaphore_mem>>)
      %dma_wait3A_302 = arith.constant 0 : i32
      %dma_wait3A_303 = arith.constant 0 : i32
      %dma_wait3A_304 = tpu.memref_slice %arg8[%run_scoped3A_43, %dma_wait3A_302, %dma_wait3A_303] : memref<3x80x128xf32, #tpu.memory_space<vmem>> -> memref<1x80x128xf32, #tpu.memory_space<vmem>>
      %dma_wait3A_305 = tpu.memref_squeeze %dma_wait3A_304 : memref<1x80x128xf32, #tpu.memory_space<vmem>> -> memref<80x128xf32, #tpu.memory_space<vmem>>
      %dma_wait3A_306 = arith.constant 0 : i32
      %dma_wait3A_307 = arith.constant 0 : i32
      %dma_wait3A_308 = tpu.memref_slice %dma_wait3A_305[%dma_wait3A_306, %dma_wait3A_307] : memref<80x128xf32, #tpu.memory_space<vmem>> -> memref<48x128xf32, #tpu.memory_space<vmem>>
      %dma_wait3A_309 = arith.constant 0 : i32
      %dma_wait3A_310 = tpu.memref_slice %arg9[%add3A_42, %dma_wait3A_309] : memref<10000x128xf32, #tpu.memory_space<vmem_shared>> -> memref<48x128xf32, #tpu.memory_space<vmem_shared>>
      %dma_wait3A_311 = arith.constant 0 : i32
      %dma_wait3A_312 = tpu.memref_slice %arg9[%add3A_42, %dma_wait3A_311] : memref<10000x128xf32, #tpu.memory_space<vmem_shared>> -> memref<48x128xf32, #tpu.memory_space<vmem_shared>>
      %dma_wait3A_313 = arith.constant 0 : i32
      %dma_wait3A_314 = arith.constant 0 : i32
      %dma_wait3A_315 = tpu.memref_slice %arg8[%run_scoped3A_43, %dma_wait3A_313, %dma_wait3A_314] : memref<3x80x128xf32, #tpu.memory_space<vmem>> -> memref<1x80x128xf32, #tpu.memory_space<vmem>>
      %dma_wait3A_316 = tpu.memref_squeeze %dma_wait3A_315 : memref<1x80x128xf32, #tpu.memory_space<vmem>> -> memref<80x128xf32, #tpu.memory_space<vmem>>
      %dma_wait3A_317 = arith.constant 0 : i32
      %dma_wait3A_318 = arith.constant 0 : i32
      %dma_wait3A_319 = tpu.memref_slice %dma_wait3A_316[%dma_wait3A_317, %dma_wait3A_318] : memref<80x128xf32, #tpu.memory_space<vmem>> -> memref<48x128xf32, #tpu.memory_space<vmem>>
      tpu.wait_dma2 semaphore(%run_scoped3A_283 : memref<!tpu.dma_semaphore, #tpu.memory_space<semaphore_mem>>) src(%dma_wait3A_319 : memref<48x128xf32, #tpu.memory_space<vmem>>) dst(%dma_wait3A_312 : memref<48x128xf32, #tpu.memory_space<vmem_shared>>)
      tpu.yield
    }) : () -> ()
    %add3A_44 = arith.constant 576 : i32
    %add3A_45 = arith.addi %mul3A_8, %add3A_44 : i32
    %run_scoped3A_46 = arith.constant 0 : i32
    "tpu.region"() ({
      %run_scoped3A_283 = tpu.sem_alloc : memref<!tpu.dma_semaphore, #tpu.memory_space<semaphore_mem>>
      %dma_start3A_284 = arith.constant 0 : i32
      %dma_start3A_285 = arith.constant 0 : i32
      %dma_start3A_286 = tpu.memref_slice %arg8[%run_scoped3A_46, %dma_start3A_284, %dma_start3A_285] : memref<3x80x128xf32, #tpu.memory_space<vmem>> -> memref<1x80x128xf32, #tpu.memory_space<vmem>>
      %dma_start3A_287 = tpu.memref_squeeze %dma_start3A_286 : memref<1x80x128xf32, #tpu.memory_space<vmem>> -> memref<80x128xf32, #tpu.memory_space<vmem>>
      %dma_start3A_288 = arith.constant 0 : i32
      %dma_start3A_289 = arith.constant 0 : i32
      %dma_start3A_290 = tpu.memref_slice %dma_start3A_287[%dma_start3A_288, %dma_start3A_289] : memref<80x128xf32, #tpu.memory_space<vmem>> -> memref<48x128xf32, #tpu.memory_space<vmem>>
      %dma_start3A_291 = arith.constant 0 : i32
      %dma_start3A_292 = tpu.memref_slice %arg9[%add3A_45, %dma_start3A_291] : memref<10000x128xf32, #tpu.memory_space<vmem_shared>> -> memref<48x128xf32, #tpu.memory_space<vmem_shared>>
      %dma_start3A_293 = arith.constant 0 : i32
      %dma_start3A_294 = tpu.memref_slice %arg9[%add3A_45, %dma_start3A_293] : memref<10000x128xf32, #tpu.memory_space<vmem_shared>> -> memref<48x128xf32, #tpu.memory_space<vmem_shared>>
      %dma_start3A_295 = arith.constant 0 : i32
      %dma_start3A_296 = arith.constant 0 : i32
      %dma_start3A_297 = tpu.memref_slice %arg8[%run_scoped3A_46, %dma_start3A_295, %dma_start3A_296] : memref<3x80x128xf32, #tpu.memory_space<vmem>> -> memref<1x80x128xf32, #tpu.memory_space<vmem>>
      %dma_start3A_298 = tpu.memref_squeeze %dma_start3A_297 : memref<1x80x128xf32, #tpu.memory_space<vmem>> -> memref<80x128xf32, #tpu.memory_space<vmem>>
      %dma_start3A_299 = arith.constant 0 : i32
      %dma_start3A_300 = arith.constant 0 : i32
      %dma_start3A_301 = tpu.memref_slice %dma_start3A_298[%dma_start3A_299, %dma_start3A_300] : memref<80x128xf32, #tpu.memory_space<vmem>> -> memref<48x128xf32, #tpu.memory_space<vmem>>
      tpu.enqueue_dma source(%dma_start3A_301 : memref<48x128xf32, #tpu.memory_space<vmem>>) target(%dma_start3A_294 : memref<48x128xf32, #tpu.memory_space<vmem_shared>>) target_semaphore(%run_scoped3A_283 : memref<!tpu.dma_semaphore, #tpu.memory_space<semaphore_mem>>)
      %dma_wait3A_302 = arith.constant 0 : i32
      %dma_wait3A_303 = arith.constant 0 : i32
      %dma_wait3A_304 = tpu.memref_slice %arg8[%run_scoped3A_46, %dma_wait3A_302, %dma_wait3A_303] : memref<3x80x128xf32, #tpu.memory_space<vmem>> -> memref<1x80x128xf32, #tpu.memory_space<vmem>>
      %dma_wait3A_305 = tpu.memref_squeeze %dma_wait3A_304 : memref<1x80x128xf32, #tpu.memory_space<vmem>> -> memref<80x128xf32, #tpu.memory_space<vmem>>
      %dma_wait3A_306 = arith.constant 0 : i32
      %dma_wait3A_307 = arith.constant 0 : i32
      %dma_wait3A_308 = tpu.memref_slice %dma_wait3A_305[%dma_wait3A_306, %dma_wait3A_307] : memref<80x128xf32, #tpu.memory_space<vmem>> -> memref<48x128xf32, #tpu.memory_space<vmem>>
      %dma_wait3A_309 = arith.constant 0 : i32
      %dma_wait3A_310 = tpu.memref_slice %arg9[%add3A_45, %dma_wait3A_309] : memref<10000x128xf32, #tpu.memory_space<vmem_shared>> -> memref<48x128xf32, #tpu.memory_space<vmem_shared>>
      %dma_wait3A_311 = arith.constant 0 : i32
      %dma_wait3A_312 = tpu.memref_slice %arg9[%add3A_45, %dma_wait3A_311] : memref<10000x128xf32, #tpu.memory_space<vmem_shared>> -> memref<48x128xf32, #tpu.memory_space<vmem_shared>>
      %dma_wait3A_313 = arith.constant 0 : i32
      %dma_wait3A_314 = arith.constant 0 : i32
      %dma_wait3A_315 = tpu.memref_slice %arg8[%run_scoped3A_46, %dma_wait3A_313, %dma_wait3A_314] : memref<3x80x128xf32, #tpu.memory_space<vmem>> -> memref<1x80x128xf32, #tpu.memory_space<vmem>>
      %dma_wait3A_316 = tpu.memref_squeeze %dma_wait3A_315 : memref<1x80x128xf32, #tpu.memory_space<vmem>> -> memref<80x128xf32, #tpu.memory_space<vmem>>
      %dma_wait3A_317 = arith.constant 0 : i32
      %dma_wait3A_318 = arith.constant 0 : i32
      %dma_wait3A_319 = tpu.memref_slice %dma_wait3A_316[%dma_wait3A_317, %dma_wait3A_318] : memref<80x128xf32, #tpu.memory_space<vmem>> -> memref<48x128xf32, #tpu.memory_space<vmem>>
      tpu.wait_dma2 semaphore(%run_scoped3A_283 : memref<!tpu.dma_semaphore, #tpu.memory_space<semaphore_mem>>) src(%dma_wait3A_319 : memref<48x128xf32, #tpu.memory_space<vmem>>) dst(%dma_wait3A_312 : memref<48x128xf32, #tpu.memory_space<vmem_shared>>)
      tpu.yield
    }) : () -> ()
    %eq3A = arith.constant 0 : i32
    %eq3A_47 = arith.cmpi eq, %arg1, %eq3A : i32
    %convert_element_type3A = arith.extui %eq3A_47 : i1 to i32
    %cond3A = arith.constant 0 : i32
    %cond3A_48 = arith.cmpi ne, %convert_element_type3A, %cond3A : i32
    scf.if %cond3A_48 {
      %run_scoped3A_283 = arith.constant 0 : i32
      "tpu.region"() ({
        %run_scoped3A_284 = tpu.sem_alloc : memref<!tpu.dma_semaphore, #tpu.memory_space<semaphore_mem>>
        %dma_start3A_285 = arith.constant 0 : i32
        %dma_start3A_286 = arith.constant 0 : i32
        %dma_start3A_287 = tpu.memref_slice %arg8[%run_scoped3A_283, %dma_start3A_285, %dma_start3A_286] : memref<3x80x128xf32, #tpu.memory_space<vmem>> -> memref<1x80x128xf32, #tpu.memory_space<vmem>>
        %dma_start3A_288 = tpu.memref_squeeze %dma_start3A_287 : memref<1x80x128xf32, #tpu.memory_space<vmem>> -> memref<80x128xf32, #tpu.memory_space<vmem>>
        %dma_start3A_289 = arith.constant 0 : i32
        %dma_start3A_290 = arith.constant 0 : i32
        %dma_start3A_291 = tpu.memref_slice %dma_start3A_288[%dma_start3A_289, %dma_start3A_290] : memref<80x128xf32, #tpu.memory_space<vmem>> -> memref<16x128xf32, #tpu.memory_space<vmem>>
        %dma_start3A_292 = arith.constant 9984 : i32
        %dma_start3A_293 = arith.constant 0 : i32
        %dma_start3A_294 = tpu.memref_slice %arg9[%dma_start3A_292, %dma_start3A_293] : memref<10000x128xf32, #tpu.memory_space<vmem_shared>> -> memref<16x128xf32, #tpu.memory_space<vmem_shared>>
        %dma_start3A_295 = arith.constant 9984 : i32
        %dma_start3A_296 = arith.constant 0 : i32
        %dma_start3A_297 = tpu.memref_slice %arg9[%dma_start3A_295, %dma_start3A_296] : memref<10000x128xf32, #tpu.memory_space<vmem_shared>> -> memref<16x128xf32, #tpu.memory_space<vmem_shared>>
        %dma_start3A_298 = arith.constant 0 : i32
        %dma_start3A_299 = arith.constant 0 : i32
        %dma_start3A_300 = tpu.memref_slice %arg8[%run_scoped3A_283, %dma_start3A_298, %dma_start3A_299] : memref<3x80x128xf32, #tpu.memory_space<vmem>> -> memref<1x80x128xf32, #tpu.memory_space<vmem>>
        %dma_start3A_301 = tpu.memref_squeeze %dma_start3A_300 : memref<1x80x128xf32, #tpu.memory_space<vmem>> -> memref<80x128xf32, #tpu.memory_space<vmem>>
        %dma_start3A_302 = arith.constant 0 : i32
        %dma_start3A_303 = arith.constant 0 : i32
        %dma_start3A_304 = tpu.memref_slice %dma_start3A_301[%dma_start3A_302, %dma_start3A_303] : memref<80x128xf32, #tpu.memory_space<vmem>> -> memref<16x128xf32, #tpu.memory_space<vmem>>
        tpu.enqueue_dma source(%dma_start3A_304 : memref<16x128xf32, #tpu.memory_space<vmem>>) target(%dma_start3A_297 : memref<16x128xf32, #tpu.memory_space<vmem_shared>>) target_semaphore(%run_scoped3A_284 : memref<!tpu.dma_semaphore, #tpu.memory_space<semaphore_mem>>)
        %dma_wait3A_305 = arith.constant 0 : i32
        %dma_wait3A_306 = arith.constant 0 : i32
        %dma_wait3A_307 = tpu.memref_slice %arg8[%run_scoped3A_283, %dma_wait3A_305, %dma_wait3A_306] : memref<3x80x128xf32, #tpu.memory_space<vmem>> -> memref<1x80x128xf32, #tpu.memory_space<vmem>>
        %dma_wait3A_308 = tpu.memref_squeeze %dma_wait3A_307 : memref<1x80x128xf32, #tpu.memory_space<vmem>> -> memref<80x128xf32, #tpu.memory_space<vmem>>
        %dma_wait3A_309 = arith.constant 0 : i32
        %dma_wait3A_310 = arith.constant 0 : i32
        %dma_wait3A_311 = tpu.memref_slice %dma_wait3A_308[%dma_wait3A_309, %dma_wait3A_310] : memref<80x128xf32, #tpu.memory_space<vmem>> -> memref<16x128xf32, #tpu.memory_space<vmem>>
        %dma_wait3A_312 = arith.constant 9984 : i32
        %dma_wait3A_313 = arith.constant 0 : i32
        %dma_wait3A_314 = tpu.memref_slice %arg9[%dma_wait3A_312, %dma_wait3A_313] : memref<10000x128xf32, #tpu.memory_space<vmem_shared>> -> memref<16x128xf32, #tpu.memory_space<vmem_shared>>
        %dma_wait3A_315 = arith.constant 9984 : i32
        %dma_wait3A_316 = arith.constant 0 : i32
        %dma_wait3A_317 = tpu.memref_slice %arg9[%dma_wait3A_315, %dma_wait3A_316] : memref<10000x128xf32, #tpu.memory_space<vmem_shared>> -> memref<16x128xf32, #tpu.memory_space<vmem_shared>>
        %dma_wait3A_318 = arith.constant 0 : i32
        %dma_wait3A_319 = arith.constant 0 : i32
        %dma_wait3A_320 = tpu.memref_slice %arg8[%run_scoped3A_283, %dma_wait3A_318, %dma_wait3A_319] : memref<3x80x128xf32, #tpu.memory_space<vmem>> -> memref<1x80x128xf32, #tpu.memory_space<vmem>>
        %dma_wait3A_321 = tpu.memref_squeeze %dma_wait3A_320 : memref<1x80x128xf32, #tpu.memory_space<vmem>> -> memref<80x128xf32, #tpu.memory_space<vmem>>
        %dma_wait3A_322 = arith.constant 0 : i32
        %dma_wait3A_323 = arith.constant 0 : i32
        %dma_wait3A_324 = tpu.memref_slice %dma_wait3A_321[%dma_wait3A_322, %dma_wait3A_323] : memref<80x128xf32, #tpu.memory_space<vmem>> -> memref<16x128xf32, #tpu.memory_space<vmem>>
        tpu.wait_dma2 semaphore(%run_scoped3A_284 : memref<!tpu.dma_semaphore, #tpu.memory_space<semaphore_mem>>) src(%dma_wait3A_324 : memref<16x128xf32, #tpu.memory_space<vmem>>) dst(%dma_wait3A_317 : memref<16x128xf32, #tpu.memory_space<vmem_shared>>)
        tpu.yield
      }) : () -> ()
    } else {
    }
    %barrier3A = arith.constant 0 : index
    tpu.barrier barrier_id(%barrier3A)
    %run_scoped3A_49 = arith.constant 0 : i32
    %run_scoped3A_50 = arith.constant 0 : i32
    "tpu.region"() ({
      %run_scoped3A_283 = tpu.sem_alloc : memref<!tpu.dma_semaphore, #tpu.memory_space<semaphore_mem>>
      %dma_start3A_284 = arith.constant 0 : i32
      %dma_start3A_285 = tpu.memref_slice %arg2[%run_scoped3A_49, %add3A, %run_scoped3A_50, %dma_start3A_284] : memref<2x32x1x10000xi32, #tpu.memory_space<hbm>> -> memref<1x1x1x10000xi32, #tpu.memory_space<hbm>>
      %dma_start3A_286 = tpu.memref_squeeze %dma_start3A_285 : memref<1x1x1x10000xi32, #tpu.memory_space<hbm>> -> memref<10000xi32, #tpu.memory_space<hbm>>
      %dma_start3A_287 = arith.constant 0 : i32
      %dma_start3A_288 = tpu.memref_slice %arg2[%run_scoped3A_49, %add3A, %run_scoped3A_50, %dma_start3A_287] : memref<2x32x1x10000xi32, #tpu.memory_space<hbm>> -> memref<1x1x1x10000xi32, #tpu.memory_space<hbm>>
      %dma_start3A_289 = tpu.memref_squeeze %dma_start3A_288 : memref<1x1x1x10000xi32, #tpu.memory_space<hbm>> -> memref<10000xi32, #tpu.memory_space<hbm>>
      tpu.enqueue_dma source(%dma_start3A_289 : memref<10000xi32, #tpu.memory_space<hbm>>) target(%arg6 : memref<10000xi32, #tpu.memory_space<vmem>>) target_semaphore(%run_scoped3A_283 : memref<!tpu.dma_semaphore, #tpu.memory_space<semaphore_mem>>)
      %dma_wait3A_290 = arith.constant 0 : i32
      %dma_wait3A_291 = tpu.memref_slice %arg2[%run_scoped3A_49, %add3A, %run_scoped3A_50, %dma_wait3A_290] : memref<2x32x1x10000xi32, #tpu.memory_space<hbm>> -> memref<1x1x1x10000xi32, #tpu.memory_space<hbm>>
      %dma_wait3A_292 = tpu.memref_squeeze %dma_wait3A_291 : memref<1x1x1x10000xi32, #tpu.memory_space<hbm>> -> memref<10000xi32, #tpu.memory_space<hbm>>
      %dma_wait3A_293 = arith.constant 0 : i32
      %dma_wait3A_294 = tpu.memref_slice %arg2[%run_scoped3A_49, %add3A, %run_scoped3A_50, %dma_wait3A_293] : memref<2x32x1x10000xi32, #tpu.memory_space<hbm>> -> memref<1x1x1x10000xi32, #tpu.memory_space<hbm>>
      %dma_wait3A_295 = tpu.memref_squeeze %dma_wait3A_294 : memref<1x1x1x10000xi32, #tpu.memory_space<hbm>> -> memref<10000xi32, #tpu.memory_space<hbm>>
      tpu.wait_dma2 semaphore(%run_scoped3A_283 : memref<!tpu.dma_semaphore, #tpu.memory_space<semaphore_mem>>) src(%dma_wait3A_295 : memref<10000xi32, #tpu.memory_space<hbm>>) dst(%arg6 : memref<10000xi32, #tpu.memory_space<vmem>>)
      tpu.yield
    }) : () -> ()
    %run_scoped3A_51 = arith.constant 1 : i32
    "tpu.region"() ({
      %run_scoped3A_283 = tpu.sem_alloc : memref<!tpu.dma_semaphore, #tpu.memory_space<semaphore_mem>>
      %dma_start3A_284 = arith.constant 0 : i32
      %dma_start3A_285 = arith.constant 0 : i32
      %dma_start3A_286 = tpu.memref_slice %arg7[%dma_start3A_284, %dma_start3A_285] : memref<64x80xi32, #tpu.memory_space<vmem>> -> memref<64x80xi32, #tpu.memory_space<vmem>>
      %dma_start3A_287 = arith.constant 0 : i32
      %dma_start3A_288 = arith.constant 0 : i32
      %dma_start3A_289 = tpu.memref_slice %arg3[%run_scoped3A_51, %add3A, %dma_start3A_287, %dma_start3A_288] : memref<2x32x125x80xi32, #tpu.memory_space<hbm>> -> memref<1x1x125x80xi32, #tpu.memory_space<hbm>>
      %dma_start3A_290 = tpu.memref_squeeze %dma_start3A_289 : memref<1x1x125x80xi32, #tpu.memory_space<hbm>> -> memref<125x80xi32, #tpu.memory_space<hbm>>
      %dma_start3A_291 = arith.constant 0 : i32
      %dma_start3A_292 = arith.constant 0 : i32
      %dma_start3A_293 = tpu.memref_slice %dma_start3A_290[%dma_start3A_291, %dma_start3A_292] : memref<125x80xi32, #tpu.memory_space<hbm>> -> memref<64x80xi32, #tpu.memory_space<hbm>>
      %dma_start3A_294 = arith.constant 0 : i32
      %dma_start3A_295 = arith.constant 0 : i32
      %dma_start3A_296 = tpu.memref_slice %arg7[%dma_start3A_294, %dma_start3A_295] : memref<64x80xi32, #tpu.memory_space<vmem>> -> memref<64x80xi32, #tpu.memory_space<vmem>>
      %dma_start3A_297 = arith.constant 0 : i32
      %dma_start3A_298 = arith.constant 0 : i32
      %dma_start3A_299 = tpu.memref_slice %arg3[%run_scoped3A_51, %add3A, %dma_start3A_297, %dma_start3A_298] : memref<2x32x125x80xi32, #tpu.memory_space<hbm>> -> memref<1x1x125x80xi32, #tpu.memory_space<hbm>>
      %dma_start3A_300 = tpu.memref_squeeze %dma_start3A_299 : memref<1x1x125x80xi32, #tpu.memory_space<hbm>> -> memref<125x80xi32, #tpu.memory_space<hbm>>
      %dma_start3A_301 = arith.constant 0 : i32
      %dma_start3A_302 = arith.constant 0 : i32
      %dma_start3A_303 = tpu.memref_slice %dma_start3A_300[%dma_start3A_301, %dma_start3A_302] : memref<125x80xi32, #tpu.memory_space<hbm>> -> memref<64x80xi32, #tpu.memory_space<hbm>>
      tpu.enqueue_dma source(%dma_start3A_303 : memref<64x80xi32, #tpu.memory_space<hbm>>) target(%dma_start3A_296 : memref<64x80xi32, #tpu.memory_space<vmem>>) target_semaphore(%run_scoped3A_283 : memref<!tpu.dma_semaphore, #tpu.memory_space<semaphore_mem>>)
      %dma_wait3A_304 = arith.constant 0 : i32
      %dma_wait3A_305 = arith.constant 0 : i32
      %dma_wait3A_306 = tpu.memref_slice %arg7[%dma_wait3A_304, %dma_wait3A_305] : memref<64x80xi32, #tpu.memory_space<vmem>> -> memref<64x80xi32, #tpu.memory_space<vmem>>
      %dma_wait3A_307 = arith.constant 0 : i32
      %dma_wait3A_308 = arith.constant 0 : i32
      %dma_wait3A_309 = tpu.memref_slice %arg3[%run_scoped3A_51, %add3A, %dma_wait3A_307, %dma_wait3A_308] : memref<2x32x125x80xi32, #tpu.memory_space<hbm>> -> memref<1x1x125x80xi32, #tpu.memory_space<hbm>>
      %dma_wait3A_310 = tpu.memref_squeeze %dma_wait3A_309 : memref<1x1x125x80xi32, #tpu.memory_space<hbm>> -> memref<125x80xi32, #tpu.memory_space<hbm>>
      %dma_wait3A_311 = arith.constant 0 : i32
      %dma_wait3A_312 = arith.constant 0 : i32
      %dma_wait3A_313 = tpu.memref_slice %dma_wait3A_310[%dma_wait3A_311, %dma_wait3A_312] : memref<125x80xi32, #tpu.memory_space<hbm>> -> memref<64x80xi32, #tpu.memory_space<hbm>>
      %dma_wait3A_314 = arith.constant 0 : i32
      %dma_wait3A_315 = arith.constant 0 : i32
      %dma_wait3A_316 = tpu.memref_slice %arg7[%dma_wait3A_314, %dma_wait3A_315] : memref<64x80xi32, #tpu.memory_space<vmem>> -> memref<64x80xi32, #tpu.memory_space<vmem>>
      %dma_wait3A_317 = arith.constant 0 : i32
      %dma_wait3A_318 = arith.constant 0 : i32
      %dma_wait3A_319 = tpu.memref_slice %arg3[%run_scoped3A_51, %add3A, %dma_wait3A_317, %dma_wait3A_318] : memref<2x32x125x80xi32, #tpu.memory_space<hbm>> -> memref<1x1x125x80xi32, #tpu.memory_space<hbm>>
      %dma_wait3A_320 = tpu.memref_squeeze %dma_wait3A_319 : memref<1x1x125x80xi32, #tpu.memory_space<hbm>> -> memref<125x80xi32, #tpu.memory_space<hbm>>
      %dma_wait3A_321 = arith.constant 0 : i32
      %dma_wait3A_322 = arith.constant 0 : i32
      %dma_wait3A_323 = tpu.memref_slice %dma_wait3A_320[%dma_wait3A_321, %dma_wait3A_322] : memref<125x80xi32, #tpu.memory_space<hbm>> -> memref<64x80xi32, #tpu.memory_space<hbm>>
      tpu.wait_dma2 semaphore(%run_scoped3A_283 : memref<!tpu.dma_semaphore, #tpu.memory_space<semaphore_mem>>) src(%dma_wait3A_323 : memref<64x80xi32, #tpu.memory_space<hbm>>) dst(%dma_wait3A_316 : memref<64x80xi32, #tpu.memory_space<vmem>>)
      tpu.yield
    }) : () -> ()
    %multiple_of3A = arith.constant 0 : i32
    %multiple_of3A_52 = tpu.assume_multiple %multiple_of3A, 80 : i32
    %dma_start3A = arith.constant 0 : i32
    %dma_start3A_53 = arith.constant 0 : i32
    %dma_start3A_54 = arith.constant 0 : i32
    %dma_start3A_55 = arith.constant 0 : i32
    %dma_start3A_56 = tpu.memref_slice %arg8[%dma_start3A, %dma_start3A_54, %dma_start3A_55] : memref<3x80x128xf32, #tpu.memory_space<vmem>> -> memref<1x80x128xf32, #tpu.memory_space<vmem>>
    %dma_start3A_57 = tpu.memref_squeeze %dma_start3A_56 : memref<1x80x128xf32, #tpu.memory_space<vmem>> -> memref<80x128xf32, #tpu.memory_space<vmem>>
    %dma_start3A_58 = tpu.memref_slice %arg6[%multiple_of3A_52] : memref<10000xi32, #tpu.memory_space<vmem>> -> memref<80xi32, #tpu.memory_space<vmem>>
    %dma_start3A_59 = arith.constant 0 : i32
    %dma_start3A_60 = arith.constant 0 : i32
    %dma_start3A_61 = tpu.memref_slice %arg4[%dma_start3A_59, %dma_start3A_60] : memref<10000x128xf32, #tpu.memory_space<hbm>> -> memref<10000x128xf32, #tpu.memory_space<hbm>>
    %dma_start3A_62 = tpu.memref_slice %arg10[%dma_start3A_53] : memref<3x!tpu.dma_semaphore, #tpu.memory_space<semaphore_mem>> -> memref<1x!tpu.dma_semaphore, #tpu.memory_space<semaphore_mem>>
    %dma_start3A_63 = tpu.memref_squeeze %dma_start3A_62 : memref<1x!tpu.dma_semaphore, #tpu.memory_space<semaphore_mem>> -> memref<!tpu.dma_semaphore, #tpu.memory_space<semaphore_mem>>
    tpu.enqueue_indirect_dma source(%dma_start3A_61 : memref<10000x128xf32, #tpu.memory_space<hbm>>) target(%dma_start3A_57 : memref<80x128xf32, #tpu.memory_space<vmem>>) offsets(%dma_start3A_58 : memref<80xi32, #tpu.memory_space<vmem>>) semaphore(%dma_start3A_63 : memref<!tpu.dma_semaphore, #tpu.memory_space<semaphore_mem>>)
    %multiple_of3A_64 = arith.constant 80 : i32
    %multiple_of3A_65 = tpu.assume_multiple %multiple_of3A_64, 80 : i32
    %dma_start3A_66 = arith.constant 1 : i32
    %dma_start3A_67 = arith.constant 1 : i32
    %dma_start3A_68 = arith.constant 0 : i32
    %dma_start3A_69 = arith.constant 0 : i32
    %dma_start3A_70 = tpu.memref_slice %arg8[%dma_start3A_66, %dma_start3A_68, %dma_start3A_69] : memref<3x80x128xf32, #tpu.memory_space<vmem>> -> memref<1x80x128xf32, #tpu.memory_space<vmem>>
    %dma_start3A_71 = tpu.memref_squeeze %dma_start3A_70 : memref<1x80x128xf32, #tpu.memory_space<vmem>> -> memref<80x128xf32, #tpu.memory_space<vmem>>
    %dma_start3A_72 = tpu.memref_slice %arg6[%multiple_of3A_65] : memref<10000xi32, #tpu.memory_space<vmem>> -> memref<80xi32, #tpu.memory_space<vmem>>
    %dma_start3A_73 = arith.constant 0 : i32
    %dma_start3A_74 = arith.constant 0 : i32
    %dma_start3A_75 = tpu.memref_slice %arg4[%dma_start3A_73, %dma_start3A_74] : memref<10000x128xf32, #tpu.memory_space<hbm>> -> memref<10000x128xf32, #tpu.memory_space<hbm>>
    %dma_start3A_76 = tpu.memref_slice %arg10[%dma_start3A_67] : memref<3x!tpu.dma_semaphore, #tpu.memory_space<semaphore_mem>> -> memref<1x!tpu.dma_semaphore, #tpu.memory_space<semaphore_mem>>
    %dma_start3A_77 = tpu.memref_squeeze %dma_start3A_76 : memref<1x!tpu.dma_semaphore, #tpu.memory_space<semaphore_mem>> -> memref<!tpu.dma_semaphore, #tpu.memory_space<semaphore_mem>>
    tpu.enqueue_indirect_dma source(%dma_start3A_75 : memref<10000x128xf32, #tpu.memory_space<hbm>>) target(%dma_start3A_71 : memref<80x128xf32, #tpu.memory_space<vmem>>) offsets(%dma_start3A_72 : memref<80xi32, #tpu.memory_space<vmem>>) semaphore(%dma_start3A_77 : memref<!tpu.dma_semaphore, #tpu.memory_space<semaphore_mem>>)
    %scan3A_78 = arith.constant 0 : i32
    %scan3A_79 = arith.constant 0 : i32
    %scan3A_80 = arith.constant 21 : i32
    %scan3A_81 = arith.addi %scan3A_79, %scan3A_80 : i32
    %scan3A_82 = arith.constant 1 : i32
    scf.for %scan3A_283 = %scan3A_79 to %scan3A_81 step %scan3A_82  : i32 {
      %mul3A_284 = arith.constant 3 : i32
      %mul3A_285 = arith.muli %scan3A_283, %mul3A_284 : i32
      %add3A_286 = arith.constant 0 : i32
      %add3A_287 = arith.addi %mul3A_285, %add3A_286 : i32
      %add3A_288 = arith.constant 0 : i32
      %add3A_289 = arith.addi %add3A_288, %add3A_287 : i32
      %mul3A_290 = arith.constant 80 : i32
      %mul3A_291 = arith.muli %add3A_289, %mul3A_290 : i32
      %multiple_of3A_292 = tpu.assume_multiple %mul3A_291, 80 : i32
      %dma_wait3A_293 = arith.constant 0 : i32
      %dma_wait3A_294 = arith.constant 0 : i32
      %dma_wait3A_295 = arith.constant 0 : i32
      %dma_wait3A_296 = arith.constant 0 : i32
      %dma_wait3A_297 = tpu.memref_slice %arg8[%dma_wait3A_293, %dma_wait3A_295, %dma_wait3A_296] : memref<3x80x128xf32, #tpu.memory_space<vmem>> -> memref<1x80x128xf32, #tpu.memory_space<vmem>>
      %dma_wait3A_298 = tpu.memref_squeeze %dma_wait3A_297 : memref<1x80x128xf32, #tpu.memory_space<vmem>> -> memref<80x128xf32, #tpu.memory_space<vmem>>
      %dma_wait3A_299 = tpu.memref_slice %arg6[%multiple_of3A_292] : memref<10000xi32, #tpu.memory_space<vmem>> -> memref<80xi32, #tpu.memory_space<vmem>>
      %dma_wait3A_300 = arith.constant 0 : i32
      %dma_wait3A_301 = arith.constant 0 : i32
      %dma_wait3A_302 = tpu.memref_slice %arg4[%dma_wait3A_300, %dma_wait3A_301] : memref<10000x128xf32, #tpu.memory_space<hbm>> -> memref<10000x128xf32, #tpu.memory_space<hbm>>
      %dma_wait3A_303 = tpu.memref_slice %arg10[%dma_wait3A_294] : memref<3x!tpu.dma_semaphore, #tpu.memory_space<semaphore_mem>> -> memref<1x!tpu.dma_semaphore, #tpu.memory_space<semaphore_mem>>
      %dma_wait3A_304 = tpu.memref_squeeze %dma_wait3A_303 : memref<1x!tpu.dma_semaphore, #tpu.memory_space<semaphore_mem>> -> memref<!tpu.dma_semaphore, #tpu.memory_space<semaphore_mem>>
      tpu.wait_indirect_dma semaphore(%dma_wait3A_304 : memref<!tpu.dma_semaphore, #tpu.memory_space<semaphore_mem>>) src(%dma_wait3A_302 : memref<10000x128xf32, #tpu.memory_space<hbm>>) dst(%dma_wait3A_298 : memref<80x128xf32, #tpu.memory_space<vmem>>)
      %dma_start3A_305 = arith.constant 0 : i32
      %dma_start3A_306 = arith.constant 0 : i32
      %dma_start3A_307 = arith.constant 0 : i32
      %dma_start3A_308 = arith.constant 0 : i32
      %dma_start3A_309 = tpu.memref_slice %arg8[%dma_start3A_305, %dma_start3A_307, %dma_start3A_308] : memref<3x80x128xf32, #tpu.memory_space<vmem>> -> memref<1x80x128xf32, #tpu.memory_space<vmem>>
      %dma_start3A_310 = tpu.memref_squeeze %dma_start3A_309 : memref<1x80x128xf32, #tpu.memory_space<vmem>> -> memref<80x128xf32, #tpu.memory_space<vmem>>
      %dma_start3A_311 = arith.constant 0 : i32
      %dma_start3A_312 = tpu.memref_slice %arg7[%add3A_287, %dma_start3A_311] : memref<64x80xi32, #tpu.memory_space<vmem>> -> memref<1x80xi32, #tpu.memory_space<vmem>>
      %dma_start3A_313 = tpu.memref_squeeze %dma_start3A_312 : memref<1x80xi32, #tpu.memory_space<vmem>> -> memref<80xi32, #tpu.memory_space<vmem>>
      %dma_start3A_314 = arith.constant 0 : i32
      %dma_start3A_315 = arith.constant 0 : i32
      %dma_start3A_316 = tpu.memref_slice %arg9[%dma_start3A_314, %dma_start3A_315] : memref<10000x128xf32, #tpu.memory_space<vmem_shared>> -> memref<10000x128xf32, #tpu.memory_space<vmem_shared>>
      %dma_start3A_317 = tpu.memref_slice %arg11[%dma_start3A_306] : memref<3x!tpu.dma_semaphore, #tpu.memory_space<semaphore_mem>> -> memref<1x!tpu.dma_semaphore, #tpu.memory_space<semaphore_mem>>
      %dma_start3A_318 = tpu.memref_squeeze %dma_start3A_317 : memref<1x!tpu.dma_semaphore, #tpu.memory_space<semaphore_mem>> -> memref<!tpu.dma_semaphore, #tpu.memory_space<semaphore_mem>>
      tpu.enqueue_indirect_dma source(%dma_start3A_310 : memref<80x128xf32, #tpu.memory_space<vmem>>) target(%dma_start3A_316 : memref<10000x128xf32, #tpu.memory_space<vmem_shared>>) offsets(%dma_start3A_313 : memref<80xi32, #tpu.memory_space<vmem>>) semaphore(%dma_start3A_318 : memref<!tpu.dma_semaphore, #tpu.memory_space<semaphore_mem>>) {add = true}
      %add3A_319 = arith.constant 2 : i32
      %add3A_320 = arith.addi %add3A_287, %add3A_319 : i32
      %lt3A = arith.constant 64 : i32
      %lt3A_321 = arith.cmpi slt, %add3A_320, %lt3A : i32
      %ge3A = arith.constant 1 : i32
      %ge3A_322 = arith.cmpi sge, %add3A_287, %ge3A : i32
      %and3A_323 = arith.andi %lt3A_321, %ge3A_322 : i1
      %convert_element_type3A_324 = arith.extui %and3A_323 : i1 to i32
      %cond3A_325 = arith.constant 0 : i32
      %cond3A_326 = arith.cmpi ne, %convert_element_type3A_324, %cond3A_325 : i32
      scf.if %cond3A_326 {
        %sub3A = arith.constant 1 : i32
        %sub3A_438 = arith.subi %add3A_287, %sub3A : i32
        %dma_wait3A_439 = arith.constant 2 : i32
        %dma_wait3A_440 = arith.constant 2 : i32
        %dma_wait3A_441 = arith.constant 0 : i32
        %dma_wait3A_442 = arith.constant 0 : i32
        %dma_wait3A_443 = tpu.memref_slice %arg8[%dma_wait3A_439, %dma_wait3A_441, %dma_wait3A_442] : memref<3x80x128xf32, #tpu.memory_space<vmem>> -> memref<1x80x128xf32, #tpu.memory_space<vmem>>
        %dma_wait3A_444 = tpu.memref_squeeze %dma_wait3A_443 : memref<1x80x128xf32, #tpu.memory_space<vmem>> -> memref<80x128xf32, #tpu.memory_space<vmem>>
        %dma_wait3A_445 = arith.constant 0 : i32
        %dma_wait3A_446 = tpu.memref_slice %arg7[%sub3A_438, %dma_wait3A_445] : memref<64x80xi32, #tpu.memory_space<vmem>> -> memref<1x80xi32, #tpu.memory_space<vmem>>
        %dma_wait3A_447 = tpu.memref_squeeze %dma_wait3A_446 : memref<1x80xi32, #tpu.memory_space<vmem>> -> memref<80xi32, #tpu.memory_space<vmem>>
        %dma_wait3A_448 = arith.constant 0 : i32
        %dma_wait3A_449 = arith.constant 0 : i32
        %dma_wait3A_450 = tpu.memref_slice %arg9[%dma_wait3A_448, %dma_wait3A_449] : memref<10000x128xf32, #tpu.memory_space<vmem_shared>> -> memref<10000x128xf32, #tpu.memory_space<vmem_shared>>
        %dma_wait3A_451 = tpu.memref_slice %arg11[%dma_wait3A_440] : memref<3x!tpu.dma_semaphore, #tpu.memory_space<semaphore_mem>> -> memref<1x!tpu.dma_semaphore, #tpu.memory_space<semaphore_mem>>
        %dma_wait3A_452 = tpu.memref_squeeze %dma_wait3A_451 : memref<1x!tpu.dma_semaphore, #tpu.memory_space<semaphore_mem>> -> memref<!tpu.dma_semaphore, #tpu.memory_space<semaphore_mem>>
        tpu.wait_indirect_dma semaphore(%dma_wait3A_452 : memref<!tpu.dma_semaphore, #tpu.memory_space<semaphore_mem>>) src(%dma_wait3A_444 : memref<80x128xf32, #tpu.memory_space<vmem>>) dst(%dma_wait3A_450 : memref<10000x128xf32, #tpu.memory_space<vmem_shared>>)
      } else {
      }
      %add3A_327 = arith.constant 2 : i32
      %add3A_328 = arith.addi %add3A_287, %add3A_327 : i32
      %lt3A_329 = arith.constant 64 : i32
      %lt3A_330 = arith.cmpi slt, %add3A_328, %lt3A_329 : i32
      %convert_element_type3A_331 = arith.extui %lt3A_330 : i1 to i32
      %cond3A_332 = arith.constant 0 : i32
      %cond3A_333 = arith.cmpi ne, %convert_element_type3A_331, %cond3A_332 : i32
      scf.if %cond3A_333 {
        %add3A_438 = arith.constant 0 : i32
        %add3A_439 = arith.addi %add3A_438, %add3A_287 : i32
        %add3A_440 = arith.constant 2 : i32
        %add3A_441 = arith.addi %add3A_439, %add3A_440 : i32
        %mul3A_442 = arith.constant 80 : i32
        %mul3A_443 = arith.muli %add3A_441, %mul3A_442 : i32
        %multiple_of3A_444 = tpu.assume_multiple %mul3A_443, 80 : i32
        %dma_start3A_445 = arith.constant 2 : i32
        %dma_start3A_446 = arith.constant 2 : i32
        %dma_start3A_447 = arith.constant 0 : i32
        %dma_start3A_448 = arith.constant 0 : i32
        %dma_start3A_449 = tpu.memref_slice %arg8[%dma_start3A_445, %dma_start3A_447, %dma_start3A_448] : memref<3x80x128xf32, #tpu.memory_space<vmem>> -> memref<1x80x128xf32, #tpu.memory_space<vmem>>
        %dma_start3A_450 = tpu.memref_squeeze %dma_start3A_449 : memref<1x80x128xf32, #tpu.memory_space<vmem>> -> memref<80x128xf32, #tpu.memory_space<vmem>>
        %dma_start3A_451 = tpu.memref_slice %arg6[%multiple_of3A_444] : memref<10000xi32, #tpu.memory_space<vmem>> -> memref<80xi32, #tpu.memory_space<vmem>>
        %dma_start3A_452 = arith.constant 0 : i32
        %dma_start3A_453 = arith.constant 0 : i32
        %dma_start3A_454 = tpu.memref_slice %arg4[%dma_start3A_452, %dma_start3A_453] : memref<10000x128xf32, #tpu.memory_space<hbm>> -> memref<10000x128xf32, #tpu.memory_space<hbm>>
        %dma_start3A_455 = tpu.memref_slice %arg10[%dma_start3A_446] : memref<3x!tpu.dma_semaphore, #tpu.memory_space<semaphore_mem>> -> memref<1x!tpu.dma_semaphore, #tpu.memory_space<semaphore_mem>>
        %dma_start3A_456 = tpu.memref_squeeze %dma_start3A_455 : memref<1x!tpu.dma_semaphore, #tpu.memory_space<semaphore_mem>> -> memref<!tpu.dma_semaphore, #tpu.memory_space<semaphore_mem>>
        tpu.enqueue_indirect_dma source(%dma_start3A_454 : memref<10000x128xf32, #tpu.memory_space<hbm>>) target(%dma_start3A_450 : memref<80x128xf32, #tpu.memory_space<vmem>>) offsets(%dma_start3A_451 : memref<80xi32, #tpu.memory_space<vmem>>) semaphore(%dma_start3A_456 : memref<!tpu.dma_semaphore, #tpu.memory_space<semaphore_mem>>)
      } else {
      }
      %mul3A_334 = arith.constant 3 : i32
      %mul3A_335 = arith.muli %scan3A_283, %mul3A_334 : i32
      %add3A_336 = arith.constant 1 : i32
      %add3A_337 = arith.addi %mul3A_335, %add3A_336 : i32
      %add3A_338 = arith.constant 0 : i32
      %add3A_339 = arith.addi %add3A_338, %add3A_337 : i32
      %mul3A_340 = arith.constant 80 : i32
      %mul3A_341 = arith.muli %add3A_339, %mul3A_340 : i32
      %multiple_of3A_342 = tpu.assume_multiple %mul3A_341, 80 : i32
      %dma_wait3A_343 = arith.constant 1 : i32
      %dma_wait3A_344 = arith.constant 1 : i32
      %dma_wait3A_345 = arith.constant 0 : i32
      %dma_wait3A_346 = arith.constant 0 : i32
      %dma_wait3A_347 = tpu.memref_slice %arg8[%dma_wait3A_343, %dma_wait3A_345, %dma_wait3A_346] : memref<3x80x128xf32, #tpu.memory_space<vmem>> -> memref<1x80x128xf32, #tpu.memory_space<vmem>>
      %dma_wait3A_348 = tpu.memref_squeeze %dma_wait3A_347 : memref<1x80x128xf32, #tpu.memory_space<vmem>> -> memref<80x128xf32, #tpu.memory_space<vmem>>
      %dma_wait3A_349 = tpu.memref_slice %arg6[%multiple_of3A_342] : memref<10000xi32, #tpu.memory_space<vmem>> -> memref<80xi32, #tpu.memory_space<vmem>>
      %dma_wait3A_350 = arith.constant 0 : i32
      %dma_wait3A_351 = arith.constant 0 : i32
      %dma_wait3A_352 = tpu.memref_slice %arg4[%dma_wait3A_350, %dma_wait3A_351] : memref<10000x128xf32, #tpu.memory_space<hbm>> -> memref<10000x128xf32, #tpu.memory_space<hbm>>
      %dma_wait3A_353 = tpu.memref_slice %arg10[%dma_wait3A_344] : memref<3x!tpu.dma_semaphore, #tpu.memory_space<semaphore_mem>> -> memref<1x!tpu.dma_semaphore, #tpu.memory_space<semaphore_mem>>
      %dma_wait3A_354 = tpu.memref_squeeze %dma_wait3A_353 : memref<1x!tpu.dma_semaphore, #tpu.memory_space<semaphore_mem>> -> memref<!tpu.dma_semaphore, #tpu.memory_space<semaphore_mem>>
      tpu.wait_indirect_dma semaphore(%dma_wait3A_354 : memref<!tpu.dma_semaphore, #tpu.memory_space<semaphore_mem>>) src(%dma_wait3A_352 : memref<10000x128xf32, #tpu.memory_space<hbm>>) dst(%dma_wait3A_348 : memref<80x128xf32, #tpu.memory_space<vmem>>)
      %dma_start3A_355 = arith.constant 1 : i32
      %dma_start3A_356 = arith.constant 1 : i32
      %dma_start3A_357 = arith.constant 0 : i32
      %dma_start3A_358 = arith.constant 0 : i32
      %dma_start3A_359 = tpu.memref_slice %arg8[%dma_start3A_355, %dma_start3A_357, %dma_start3A_358] : memref<3x80x128xf32, #tpu.memory_space<vmem>> -> memref<1x80x128xf32, #tpu.memory_space<vmem>>
      %dma_start3A_360 = tpu.memref_squeeze %dma_start3A_359 : memref<1x80x128xf32, #tpu.memory_space<vmem>> -> memref<80x128xf32, #tpu.memory_space<vmem>>
      %dma_start3A_361 = arith.constant 0 : i32
      %dma_start3A_362 = tpu.memref_slice %arg7[%add3A_337, %dma_start3A_361] : memref<64x80xi32, #tpu.memory_space<vmem>> -> memref<1x80xi32, #tpu.memory_space<vmem>>
      %dma_start3A_363 = tpu.memref_squeeze %dma_start3A_362 : memref<1x80xi32, #tpu.memory_space<vmem>> -> memref<80xi32, #tpu.memory_space<vmem>>
      %dma_start3A_364 = arith.constant 0 : i32
      %dma_start3A_365 = arith.constant 0 : i32
      %dma_start3A_366 = tpu.memref_slice %arg9[%dma_start3A_364, %dma_start3A_365] : memref<10000x128xf32, #tpu.memory_space<vmem_shared>> -> memref<10000x128xf32, #tpu.memory_space<vmem_shared>>
      %dma_start3A_367 = tpu.memref_slice %arg11[%dma_start3A_356] : memref<3x!tpu.dma_semaphore, #tpu.memory_space<semaphore_mem>> -> memref<1x!tpu.dma_semaphore, #tpu.memory_space<semaphore_mem>>
      %dma_start3A_368 = tpu.memref_squeeze %dma_start3A_367 : memref<1x!tpu.dma_semaphore, #tpu.memory_space<semaphore_mem>> -> memref<!tpu.dma_semaphore, #tpu.memory_space<semaphore_mem>>
      tpu.enqueue_indirect_dma source(%dma_start3A_360 : memref<80x128xf32, #tpu.memory_space<vmem>>) target(%dma_start3A_366 : memref<10000x128xf32, #tpu.memory_space<vmem_shared>>) offsets(%dma_start3A_363 : memref<80xi32, #tpu.memory_space<vmem>>) semaphore(%dma_start3A_368 : memref<!tpu.dma_semaphore, #tpu.memory_space<semaphore_mem>>) {add = true}
      %add3A_369 = arith.constant 2 : i32
      %add3A_370 = arith.addi %add3A_337, %add3A_369 : i32
      %lt3A_371 = arith.constant 64 : i32
      %lt3A_372 = arith.cmpi slt, %add3A_370, %lt3A_371 : i32
      %ge3A_373 = arith.constant 1 : i32
      %ge3A_374 = arith.cmpi sge, %add3A_337, %ge3A_373 : i32
      %and3A_375 = arith.andi %lt3A_372, %ge3A_374 : i1
      %convert_element_type3A_376 = arith.extui %and3A_375 : i1 to i32
      %cond3A_377 = arith.constant 0 : i32
      %cond3A_378 = arith.cmpi ne, %convert_element_type3A_376, %cond3A_377 : i32
      scf.if %cond3A_378 {
        %sub3A = arith.constant 1 : i32
        %sub3A_438 = arith.subi %add3A_337, %sub3A : i32
        %dma_wait3A_439 = arith.constant 0 : i32
        %dma_wait3A_440 = arith.constant 0 : i32
        %dma_wait3A_441 = arith.constant 0 : i32
        %dma_wait3A_442 = arith.constant 0 : i32
        %dma_wait3A_443 = tpu.memref_slice %arg8[%dma_wait3A_439, %dma_wait3A_441, %dma_wait3A_442] : memref<3x80x128xf32, #tpu.memory_space<vmem>> -> memref<1x80x128xf32, #tpu.memory_space<vmem>>
        %dma_wait3A_444 = tpu.memref_squeeze %dma_wait3A_443 : memref<1x80x128xf32, #tpu.memory_space<vmem>> -> memref<80x128xf32, #tpu.memory_space<vmem>>
        %dma_wait3A_445 = arith.constant 0 : i32
        %dma_wait3A_446 = tpu.memref_slice %arg7[%sub3A_438, %dma_wait3A_445] : memref<64x80xi32, #tpu.memory_space<vmem>> -> memref<1x80xi32, #tpu.memory_space<vmem>>
        %dma_wait3A_447 = tpu.memref_squeeze %dma_wait3A_446 : memref<1x80xi32, #tpu.memory_space<vmem>> -> memref<80xi32, #tpu.memory_space<vmem>>
        %dma_wait3A_448 = arith.constant 0 : i32
        %dma_wait3A_449 = arith.constant 0 : i32
        %dma_wait3A_450 = tpu.memref_slice %arg9[%dma_wait3A_448, %dma_wait3A_449] : memref<10000x128xf32, #tpu.memory_space<vmem_shared>> -> memref<10000x128xf32, #tpu.memory_space<vmem_shared>>
        %dma_wait3A_451 = tpu.memref_slice %arg11[%dma_wait3A_440] : memref<3x!tpu.dma_semaphore, #tpu.memory_space<semaphore_mem>> -> memref<1x!tpu.dma_semaphore, #tpu.memory_space<semaphore_mem>>
        %dma_wait3A_452 = tpu.memref_squeeze %dma_wait3A_451 : memref<1x!tpu.dma_semaphore, #tpu.memory_space<semaphore_mem>> -> memref<!tpu.dma_semaphore, #tpu.memory_space<semaphore_mem>>
        tpu.wait_indirect_dma semaphore(%dma_wait3A_452 : memref<!tpu.dma_semaphore, #tpu.memory_space<semaphore_mem>>) src(%dma_wait3A_444 : memref<80x128xf32, #tpu.memory_space<vmem>>) dst(%dma_wait3A_450 : memref<10000x128xf32, #tpu.memory_space<vmem_shared>>)
      } else {
      }
      %add3A_379 = arith.constant 2 : i32
      %add3A_380 = arith.addi %add3A_337, %add3A_379 : i32
      %lt3A_381 = arith.constant 64 : i32
      %lt3A_382 = arith.cmpi slt, %add3A_380, %lt3A_381 : i32
      %convert_element_type3A_383 = arith.extui %lt3A_382 : i1 to i32
      %cond3A_384 = arith.constant 0 : i32
      %cond3A_385 = arith.cmpi ne, %convert_element_type3A_383, %cond3A_384 : i32
      scf.if %cond3A_385 {
        %add3A_438 = arith.constant 0 : i32
        %add3A_439 = arith.addi %add3A_438, %add3A_337 : i32
        %add3A_440 = arith.constant 2 : i32
        %add3A_441 = arith.addi %add3A_439, %add3A_440 : i32
        %mul3A_442 = arith.constant 80 : i32
        %mul3A_443 = arith.muli %add3A_441, %mul3A_442 : i32
        %multiple_of3A_444 = tpu.assume_multiple %mul3A_443, 80 : i32
        %dma_start3A_445 = arith.constant 0 : i32
        %dma_start3A_446 = arith.constant 0 : i32
        %dma_start3A_447 = arith.constant 0 : i32
        %dma_start3A_448 = arith.constant 0 : i32
        %dma_start3A_449 = tpu.memref_slice %arg8[%dma_start3A_445, %dma_start3A_447, %dma_start3A_448] : memref<3x80x128xf32, #tpu.memory_space<vmem>> -> memref<1x80x128xf32, #tpu.memory_space<vmem>>
        %dma_start3A_450 = tpu.memref_squeeze %dma_start3A_449 : memref<1x80x128xf32, #tpu.memory_space<vmem>> -> memref<80x128xf32, #tpu.memory_space<vmem>>
        %dma_start3A_451 = tpu.memref_slice %arg6[%multiple_of3A_444] : memref<10000xi32, #tpu.memory_space<vmem>> -> memref<80xi32, #tpu.memory_space<vmem>>
        %dma_start3A_452 = arith.constant 0 : i32
        %dma_start3A_453 = arith.constant 0 : i32
        %dma_start3A_454 = tpu.memref_slice %arg4[%dma_start3A_452, %dma_start3A_453] : memref<10000x128xf32, #tpu.memory_space<hbm>> -> memref<10000x128xf32, #tpu.memory_space<hbm>>
        %dma_start3A_455 = tpu.memref_slice %arg10[%dma_start3A_446] : memref<3x!tpu.dma_semaphore, #tpu.memory_space<semaphore_mem>> -> memref<1x!tpu.dma_semaphore, #tpu.memory_space<semaphore_mem>>
        %dma_start3A_456 = tpu.memref_squeeze %dma_start3A_455 : memref<1x!tpu.dma_semaphore, #tpu.memory_space<semaphore_mem>> -> memref<!tpu.dma_semaphore, #tpu.memory_space<semaphore_mem>>
        tpu.enqueue_indirect_dma source(%dma_start3A_454 : memref<10000x128xf32, #tpu.memory_space<hbm>>) target(%dma_start3A_450 : memref<80x128xf32, #tpu.memory_space<vmem>>) offsets(%dma_start3A_451 : memref<80xi32, #tpu.memory_space<vmem>>) semaphore(%dma_start3A_456 : memref<!tpu.dma_semaphore, #tpu.memory_space<semaphore_mem>>)
      } else {
      }
      %mul3A_386 = arith.constant 3 : i32
      %mul3A_387 = arith.muli %scan3A_283, %mul3A_386 : i32
      %add3A_388 = arith.constant 2 : i32
      %add3A_389 = arith.addi %mul3A_387, %add3A_388 : i32
      %add3A_390 = arith.constant 0 : i32
      %add3A_391 = arith.addi %add3A_390, %add3A_389 : i32
      %mul3A_392 = arith.constant 80 : i32
      %mul3A_393 = arith.muli %add3A_391, %mul3A_392 : i32
      %multiple_of3A_394 = tpu.assume_multiple %mul3A_393, 80 : i32
      %dma_wait3A_395 = arith.constant 2 : i32
      %dma_wait3A_396 = arith.constant 2 : i32
      %dma_wait3A_397 = arith.constant 0 : i32
      %dma_wait3A_398 = arith.constant 0 : i32
      %dma_wait3A_399 = tpu.memref_slice %arg8[%dma_wait3A_395, %dma_wait3A_397, %dma_wait3A_398] : memref<3x80x128xf32, #tpu.memory_space<vmem>> -> memref<1x80x128xf32, #tpu.memory_space<vmem>>
      %dma_wait3A_400 = tpu.memref_squeeze %dma_wait3A_399 : memref<1x80x128xf32, #tpu.memory_space<vmem>> -> memref<80x128xf32, #tpu.memory_space<vmem>>
      %dma_wait3A_401 = tpu.memref_slice %arg6[%multiple_of3A_394] : memref<10000xi32, #tpu.memory_space<vmem>> -> memref<80xi32, #tpu.memory_space<vmem>>
      %dma_wait3A_402 = arith.constant 0 : i32
      %dma_wait3A_403 = arith.constant 0 : i32
      %dma_wait3A_404 = tpu.memref_slice %arg4[%dma_wait3A_402, %dma_wait3A_403] : memref<10000x128xf32, #tpu.memory_space<hbm>> -> memref<10000x128xf32, #tpu.memory_space<hbm>>
      %dma_wait3A_405 = tpu.memref_slice %arg10[%dma_wait3A_396] : memref<3x!tpu.dma_semaphore, #tpu.memory_space<semaphore_mem>> -> memref<1x!tpu.dma_semaphore, #tpu.memory_space<semaphore_mem>>
      %dma_wait3A_406 = tpu.memref_squeeze %dma_wait3A_405 : memref<1x!tpu.dma_semaphore, #tpu.memory_space<semaphore_mem>> -> memref<!tpu.dma_semaphore, #tpu.memory_space<semaphore_mem>>
      tpu.wait_indirect_dma semaphore(%dma_wait3A_406 : memref<!tpu.dma_semaphore, #tpu.memory_space<semaphore_mem>>) src(%dma_wait3A_404 : memref<10000x128xf32, #tpu.memory_space<hbm>>) dst(%dma_wait3A_400 : memref<80x128xf32, #tpu.memory_space<vmem>>)
      %dma_start3A_407 = arith.constant 2 : i32
      %dma_start3A_408 = arith.constant 2 : i32
      %dma_start3A_409 = arith.constant 0 : i32
      %dma_start3A_410 = arith.constant 0 : i32
      %dma_start3A_411 = tpu.memref_slice %arg8[%dma_start3A_407, %dma_start3A_409, %dma_start3A_410] : memref<3x80x128xf32, #tpu.memory_space<vmem>> -> memref<1x80x128xf32, #tpu.memory_space<vmem>>
      %dma_start3A_412 = tpu.memref_squeeze %dma_start3A_411 : memref<1x80x128xf32, #tpu.memory_space<vmem>> -> memref<80x128xf32, #tpu.memory_space<vmem>>
      %dma_start3A_413 = arith.constant 0 : i32
      %dma_start3A_414 = tpu.memref_slice %arg7[%add3A_389, %dma_start3A_413] : memref<64x80xi32, #tpu.memory_space<vmem>> -> memref<1x80xi32, #tpu.memory_space<vmem>>
      %dma_start3A_415 = tpu.memref_squeeze %dma_start3A_414 : memref<1x80xi32, #tpu.memory_space<vmem>> -> memref<80xi32, #tpu.memory_space<vmem>>
      %dma_start3A_416 = arith.constant 0 : i32
      %dma_start3A_417 = arith.constant 0 : i32
      %dma_start3A_418 = tpu.memref_slice %arg9[%dma_start3A_416, %dma_start3A_417] : memref<10000x128xf32, #tpu.memory_space<vmem_shared>> -> memref<10000x128xf32, #tpu.memory_space<vmem_shared>>
      %dma_start3A_419 = tpu.memref_slice %arg11[%dma_start3A_408] : memref<3x!tpu.dma_semaphore, #tpu.memory_space<semaphore_mem>> -> memref<1x!tpu.dma_semaphore, #tpu.memory_space<semaphore_mem>>
      %dma_start3A_420 = tpu.memref_squeeze %dma_start3A_419 : memref<1x!tpu.dma_semaphore, #tpu.memory_space<semaphore_mem>> -> memref<!tpu.dma_semaphore, #tpu.memory_space<semaphore_mem>>
      tpu.enqueue_indirect_dma source(%dma_start3A_412 : memref<80x128xf32, #tpu.memory_space<vmem>>) target(%dma_start3A_418 : memref<10000x128xf32, #tpu.memory_space<vmem_shared>>) offsets(%dma_start3A_415 : memref<80xi32, #tpu.memory_space<vmem>>) semaphore(%dma_start3A_420 : memref<!tpu.dma_semaphore, #tpu.memory_space<semaphore_mem>>) {add = true}
      %add3A_421 = arith.constant 2 : i32
      %add3A_422 = arith.addi %add3A_389, %add3A_421 : i32
      %lt3A_423 = arith.constant 64 : i32
      %lt3A_424 = arith.cmpi slt, %add3A_422, %lt3A_423 : i32
      %ge3A_425 = arith.constant 1 : i32
      %ge3A_426 = arith.cmpi sge, %add3A_389, %ge3A_425 : i32
      %and3A_427 = arith.andi %lt3A_424, %ge3A_426 : i1
      %convert_element_type3A_428 = arith.extui %and3A_427 : i1 to i32
      %cond3A_429 = arith.constant 0 : i32
      %cond3A_430 = arith.cmpi ne, %convert_element_type3A_428, %cond3A_429 : i32
      scf.if %cond3A_430 {
        %sub3A = arith.constant 1 : i32
        %sub3A_438 = arith.subi %add3A_389, %sub3A : i32
        %dma_wait3A_439 = arith.constant 1 : i32
        %dma_wait3A_440 = arith.constant 1 : i32
        %dma_wait3A_441 = arith.constant 0 : i32
        %dma_wait3A_442 = arith.constant 0 : i32
        %dma_wait3A_443 = tpu.memref_slice %arg8[%dma_wait3A_439, %dma_wait3A_441, %dma_wait3A_442] : memref<3x80x128xf32, #tpu.memory_space<vmem>> -> memref<1x80x128xf32, #tpu.memory_space<vmem>>
        %dma_wait3A_444 = tpu.memref_squeeze %dma_wait3A_443 : memref<1x80x128xf32, #tpu.memory_space<vmem>> -> memref<80x128xf32, #tpu.memory_space<vmem>>
        %dma_wait3A_445 = arith.constant 0 : i32
        %dma_wait3A_446 = tpu.memref_slice %arg7[%sub3A_438, %dma_wait3A_445] : memref<64x80xi32, #tpu.memory_space<vmem>> -> memref<1x80xi32, #tpu.memory_space<vmem>>
        %dma_wait3A_447 = tpu.memref_squeeze %dma_wait3A_446 : memref<1x80xi32, #tpu.memory_space<vmem>> -> memref<80xi32, #tpu.memory_space<vmem>>
        %dma_wait3A_448 = arith.constant 0 : i32
        %dma_wait3A_449 = arith.constant 0 : i32
        %dma_wait3A_450 = tpu.memref_slice %arg9[%dma_wait3A_448, %dma_wait3A_449] : memref<10000x128xf32, #tpu.memory_space<vmem_shared>> -> memref<10000x128xf32, #tpu.memory_space<vmem_shared>>
        %dma_wait3A_451 = tpu.memref_slice %arg11[%dma_wait3A_440] : memref<3x!tpu.dma_semaphore, #tpu.memory_space<semaphore_mem>> -> memref<1x!tpu.dma_semaphore, #tpu.memory_space<semaphore_mem>>
        %dma_wait3A_452 = tpu.memref_squeeze %dma_wait3A_451 : memref<1x!tpu.dma_semaphore, #tpu.memory_space<semaphore_mem>> -> memref<!tpu.dma_semaphore, #tpu.memory_space<semaphore_mem>>
        tpu.wait_indirect_dma semaphore(%dma_wait3A_452 : memref<!tpu.dma_semaphore, #tpu.memory_space<semaphore_mem>>) src(%dma_wait3A_444 : memref<80x128xf32, #tpu.memory_space<vmem>>) dst(%dma_wait3A_450 : memref<10000x128xf32, #tpu.memory_space<vmem_shared>>)
      } else {
      }
      %add3A_431 = arith.constant 2 : i32
      %add3A_432 = arith.addi %add3A_389, %add3A_431 : i32
      %lt3A_433 = arith.constant 64 : i32
      %lt3A_434 = arith.cmpi slt, %add3A_432, %lt3A_433 : i32
      %convert_element_type3A_435 = arith.extui %lt3A_434 : i1 to i32
      %cond3A_436 = arith.constant 0 : i32
      %cond3A_437 = arith.cmpi ne, %convert_element_type3A_435, %cond3A_436 : i32
      scf.if %cond3A_437 {
        %add3A_438 = arith.constant 0 : i32
        %add3A_439 = arith.addi %add3A_438, %add3A_389 : i32
        %add3A_440 = arith.constant 2 : i32
        %add3A_441 = arith.addi %add3A_439, %add3A_440 : i32
        %mul3A_442 = arith.constant 80 : i32
        %mul3A_443 = arith.muli %add3A_441, %mul3A_442 : i32
        %multiple_of3A_444 = tpu.assume_multiple %mul3A_443, 80 : i32
        %dma_start3A_445 = arith.constant 1 : i32
        %dma_start3A_446 = arith.constant 1 : i32
        %dma_start3A_447 = arith.constant 0 : i32
        %dma_start3A_448 = arith.constant 0 : i32
        %dma_start3A_449 = tpu.memref_slice %arg8[%dma_start3A_445, %dma_start3A_447, %dma_start3A_448] : memref<3x80x128xf32, #tpu.memory_space<vmem>> -> memref<1x80x128xf32, #tpu.memory_space<vmem>>
        %dma_start3A_450 = tpu.memref_squeeze %dma_start3A_449 : memref<1x80x128xf32, #tpu.memory_space<vmem>> -> memref<80x128xf32, #tpu.memory_space<vmem>>
        %dma_start3A_451 = tpu.memref_slice %arg6[%multiple_of3A_444] : memref<10000xi32, #tpu.memory_space<vmem>> -> memref<80xi32, #tpu.memory_space<vmem>>
        %dma_start3A_452 = arith.constant 0 : i32
        %dma_start3A_453 = arith.constant 0 : i32
        %dma_start3A_454 = tpu.memref_slice %arg4[%dma_start3A_452, %dma_start3A_453] : memref<10000x128xf32, #tpu.memory_space<hbm>> -> memref<10000x128xf32, #tpu.memory_space<hbm>>
        %dma_start3A_455 = tpu.memref_slice %arg10[%dma_start3A_446] : memref<3x!tpu.dma_semaphore, #tpu.memory_space<semaphore_mem>> -> memref<1x!tpu.dma_semaphore, #tpu.memory_space<semaphore_mem>>
        %dma_start3A_456 = tpu.memref_squeeze %dma_start3A_455 : memref<1x!tpu.dma_semaphore, #tpu.memory_space<semaphore_mem>> -> memref<!tpu.dma_semaphore, #tpu.memory_space<semaphore_mem>>
        tpu.enqueue_indirect_dma source(%dma_start3A_454 : memref<10000x128xf32, #tpu.memory_space<hbm>>) target(%dma_start3A_450 : memref<80x128xf32, #tpu.memory_space<vmem>>) offsets(%dma_start3A_451 : memref<80xi32, #tpu.memory_space<vmem>>) semaphore(%dma_start3A_456 : memref<!tpu.dma_semaphore, #tpu.memory_space<semaphore_mem>>)
      } else {
      }
    }
    %scan3A_83 = arith.constant 21 : i32
    %multiple_of3A_84 = arith.constant 5040 : i32
    %multiple_of3A_85 = tpu.assume_multiple %multiple_of3A_84, 80 : i32
    %dma_wait3A = arith.constant 0 : i32
    %dma_wait3A_86 = arith.constant 0 : i32
    %dma_wait3A_87 = arith.constant 0 : i32
    %dma_wait3A_88 = arith.constant 0 : i32
    %dma_wait3A_89 = tpu.memref_slice %arg8[%dma_wait3A, %dma_wait3A_87, %dma_wait3A_88] : memref<3x80x128xf32, #tpu.memory_space<vmem>> -> memref<1x80x128xf32, #tpu.memory_space<vmem>>
    %dma_wait3A_90 = tpu.memref_squeeze %dma_wait3A_89 : memref<1x80x128xf32, #tpu.memory_space<vmem>> -> memref<80x128xf32, #tpu.memory_space<vmem>>
    %dma_wait3A_91 = tpu.memref_slice %arg6[%multiple_of3A_85] : memref<10000xi32, #tpu.memory_space<vmem>> -> memref<80xi32, #tpu.memory_space<vmem>>
    %dma_wait3A_92 = arith.constant 0 : i32
    %dma_wait3A_93 = arith.constant 0 : i32
    %dma_wait3A_94 = tpu.memref_slice %arg4[%dma_wait3A_92, %dma_wait3A_93] : memref<10000x128xf32, #tpu.memory_space<hbm>> -> memref<10000x128xf32, #tpu.memory_space<hbm>>
    %dma_wait3A_95 = tpu.memref_slice %arg10[%dma_wait3A_86] : memref<3x!tpu.dma_semaphore, #tpu.memory_space<semaphore_mem>> -> memref<1x!tpu.dma_semaphore, #tpu.memory_space<semaphore_mem>>
    %dma_wait3A_96 = tpu.memref_squeeze %dma_wait3A_95 : memref<1x!tpu.dma_semaphore, #tpu.memory_space<semaphore_mem>> -> memref<!tpu.dma_semaphore, #tpu.memory_space<semaphore_mem>>
    tpu.wait_indirect_dma semaphore(%dma_wait3A_96 : memref<!tpu.dma_semaphore, #tpu.memory_space<semaphore_mem>>) src(%dma_wait3A_94 : memref<10000x128xf32, #tpu.memory_space<hbm>>) dst(%dma_wait3A_90 : memref<80x128xf32, #tpu.memory_space<vmem>>)
    %dma_start3A_97 = arith.constant 0 : i32
    %dma_start3A_98 = arith.constant 63 : i32
    %dma_start3A_99 = arith.constant 0 : i32
    %dma_start3A_100 = arith.constant 0 : i32
    %dma_start3A_101 = arith.constant 0 : i32
    %dma_start3A_102 = tpu.memref_slice %arg8[%dma_start3A_97, %dma_start3A_100, %dma_start3A_101] : memref<3x80x128xf32, #tpu.memory_space<vmem>> -> memref<1x80x128xf32, #tpu.memory_space<vmem>>
    %dma_start3A_103 = tpu.memref_squeeze %dma_start3A_102 : memref<1x80x128xf32, #tpu.memory_space<vmem>> -> memref<80x128xf32, #tpu.memory_space<vmem>>
    %dma_start3A_104 = arith.constant 0 : i32
    %dma_start3A_105 = tpu.memref_slice %arg7[%dma_start3A_98, %dma_start3A_104] : memref<64x80xi32, #tpu.memory_space<vmem>> -> memref<1x80xi32, #tpu.memory_space<vmem>>
    %dma_start3A_106 = tpu.memref_squeeze %dma_start3A_105 : memref<1x80xi32, #tpu.memory_space<vmem>> -> memref<80xi32, #tpu.memory_space<vmem>>
    %dma_start3A_107 = arith.constant 0 : i32
    %dma_start3A_108 = arith.constant 0 : i32
    %dma_start3A_109 = tpu.memref_slice %arg9[%dma_start3A_107, %dma_start3A_108] : memref<10000x128xf32, #tpu.memory_space<vmem_shared>> -> memref<10000x128xf32, #tpu.memory_space<vmem_shared>>
    %dma_start3A_110 = tpu.memref_slice %arg11[%dma_start3A_99] : memref<3x!tpu.dma_semaphore, #tpu.memory_space<semaphore_mem>> -> memref<1x!tpu.dma_semaphore, #tpu.memory_space<semaphore_mem>>
    %dma_start3A_111 = tpu.memref_squeeze %dma_start3A_110 : memref<1x!tpu.dma_semaphore, #tpu.memory_space<semaphore_mem>> -> memref<!tpu.dma_semaphore, #tpu.memory_space<semaphore_mem>>
    tpu.enqueue_indirect_dma source(%dma_start3A_103 : memref<80x128xf32, #tpu.memory_space<vmem>>) target(%dma_start3A_109 : memref<10000x128xf32, #tpu.memory_space<vmem_shared>>) offsets(%dma_start3A_106 : memref<80xi32, #tpu.memory_space<vmem>>) semaphore(%dma_start3A_111 : memref<!tpu.dma_semaphore, #tpu.memory_space<semaphore_mem>>) {add = true}
    %and3A = arith.constant false
    %and3A_112 = arith.constant true
    %and3A_113 = arith.andi %and3A, %and3A_112 : i1
    %convert_element_type3A_114 = arith.extui %and3A_113 : i1 to i32
    %cond3A_115 = arith.constant 0 : i32
    %cond3A_116 = arith.cmpi ne, %convert_element_type3A_114, %cond3A_115 : i32
    scf.if %cond3A_116 {
      %dma_wait3A_283 = arith.constant 2 : i32
      %dma_wait3A_284 = arith.constant 62 : i32
      %dma_wait3A_285 = arith.constant 2 : i32
      %dma_wait3A_286 = arith.constant 0 : i32
      %dma_wait3A_287 = arith.constant 0 : i32
      %dma_wait3A_288 = tpu.memref_slice %arg8[%dma_wait3A_283, %dma_wait3A_286, %dma_wait3A_287] : memref<3x80x128xf32, #tpu.memory_space<vmem>> -> memref<1x80x128xf32, #tpu.memory_space<vmem>>
      %dma_wait3A_289 = tpu.memref_squeeze %dma_wait3A_288 : memref<1x80x128xf32, #tpu.memory_space<vmem>> -> memref<80x128xf32, #tpu.memory_space<vmem>>
      %dma_wait3A_290 = arith.constant 0 : i32
      %dma_wait3A_291 = tpu.memref_slice %arg7[%dma_wait3A_284, %dma_wait3A_290] : memref<64x80xi32, #tpu.memory_space<vmem>> -> memref<1x80xi32, #tpu.memory_space<vmem>>
      %dma_wait3A_292 = tpu.memref_squeeze %dma_wait3A_291 : memref<1x80xi32, #tpu.memory_space<vmem>> -> memref<80xi32, #tpu.memory_space<vmem>>
      %dma_wait3A_293 = arith.constant 0 : i32
      %dma_wait3A_294 = arith.constant 0 : i32
      %dma_wait3A_295 = tpu.memref_slice %arg9[%dma_wait3A_293, %dma_wait3A_294] : memref<10000x128xf32, #tpu.memory_space<vmem_shared>> -> memref<10000x128xf32, #tpu.memory_space<vmem_shared>>
      %dma_wait3A_296 = tpu.memref_slice %arg11[%dma_wait3A_285] : memref<3x!tpu.dma_semaphore, #tpu.memory_space<semaphore_mem>> -> memref<1x!tpu.dma_semaphore, #tpu.memory_space<semaphore_mem>>
      %dma_wait3A_297 = tpu.memref_squeeze %dma_wait3A_296 : memref<1x!tpu.dma_semaphore, #tpu.memory_space<semaphore_mem>> -> memref<!tpu.dma_semaphore, #tpu.memory_space<semaphore_mem>>
      tpu.wait_indirect_dma semaphore(%dma_wait3A_297 : memref<!tpu.dma_semaphore, #tpu.memory_space<semaphore_mem>>) src(%dma_wait3A_289 : memref<80x128xf32, #tpu.memory_space<vmem>>) dst(%dma_wait3A_295 : memref<10000x128xf32, #tpu.memory_space<vmem_shared>>)
    } else {
    }
    %dma_wait3A_117 = arith.constant 1 : i32
    %dma_wait3A_118 = arith.constant 61 : i32
    %dma_wait3A_119 = arith.constant 1 : i32
    %dma_wait3A_120 = arith.constant 0 : i32
    %dma_wait3A_121 = arith.constant 0 : i32
    %dma_wait3A_122 = tpu.memref_slice %arg8[%dma_wait3A_117, %dma_wait3A_120, %dma_wait3A_121] : memref<3x80x128xf32, #tpu.memory_space<vmem>> -> memref<1x80x128xf32, #tpu.memory_space<vmem>>
    %dma_wait3A_123 = tpu.memref_squeeze %dma_wait3A_122 : memref<1x80x128xf32, #tpu.memory_space<vmem>> -> memref<80x128xf32, #tpu.memory_space<vmem>>
    %dma_wait3A_124 = arith.constant 0 : i32
    %dma_wait3A_125 = tpu.memref_slice %arg7[%dma_wait3A_118, %dma_wait3A_124] : memref<64x80xi32, #tpu.memory_space<vmem>> -> memref<1x80xi32, #tpu.memory_space<vmem>>
    %dma_wait3A_126 = tpu.memref_squeeze %dma_wait3A_125 : memref<1x80xi32, #tpu.memory_space<vmem>> -> memref<80xi32, #tpu.memory_space<vmem>>
    %dma_wait3A_127 = arith.constant 0 : i32
    %dma_wait3A_128 = arith.constant 0 : i32
    %dma_wait3A_129 = tpu.memref_slice %arg9[%dma_wait3A_127, %dma_wait3A_128] : memref<10000x128xf32, #tpu.memory_space<vmem_shared>> -> memref<10000x128xf32, #tpu.memory_space<vmem_shared>>
    %dma_wait3A_130 = tpu.memref_slice %arg11[%dma_wait3A_119] : memref<3x!tpu.dma_semaphore, #tpu.memory_space<semaphore_mem>> -> memref<1x!tpu.dma_semaphore, #tpu.memory_space<semaphore_mem>>
    %dma_wait3A_131 = tpu.memref_squeeze %dma_wait3A_130 : memref<1x!tpu.dma_semaphore, #tpu.memory_space<semaphore_mem>> -> memref<!tpu.dma_semaphore, #tpu.memory_space<semaphore_mem>>
    tpu.wait_indirect_dma semaphore(%dma_wait3A_131 : memref<!tpu.dma_semaphore, #tpu.memory_space<semaphore_mem>>) src(%dma_wait3A_123 : memref<80x128xf32, #tpu.memory_space<vmem>>) dst(%dma_wait3A_129 : memref<10000x128xf32, #tpu.memory_space<vmem_shared>>)
    %dma_wait3A_132 = arith.constant 2 : i32
    %dma_wait3A_133 = arith.constant 62 : i32
    %dma_wait3A_134 = arith.constant 2 : i32
    %dma_wait3A_135 = arith.constant 0 : i32
    %dma_wait3A_136 = arith.constant 0 : i32
    %dma_wait3A_137 = tpu.memref_slice %arg8[%dma_wait3A_132, %dma_wait3A_135, %dma_wait3A_136] : memref<3x80x128xf32, #tpu.memory_space<vmem>> -> memref<1x80x128xf32, #tpu.memory_space<vmem>>
    %dma_wait3A_138 = tpu.memref_squeeze %dma_wait3A_137 : memref<1x80x128xf32, #tpu.memory_space<vmem>> -> memref<80x128xf32, #tpu.memory_space<vmem>>
    %dma_wait3A_139 = arith.constant 0 : i32
    %dma_wait3A_140 = tpu.memref_slice %arg7[%dma_wait3A_133, %dma_wait3A_139] : memref<64x80xi32, #tpu.memory_space<vmem>> -> memref<1x80xi32, #tpu.memory_space<vmem>>
    %dma_wait3A_141 = tpu.memref_squeeze %dma_wait3A_140 : memref<1x80xi32, #tpu.memory_space<vmem>> -> memref<80xi32, #tpu.memory_space<vmem>>
    %dma_wait3A_142 = arith.constant 0 : i32
    %dma_wait3A_143 = arith.constant 0 : i32
    %dma_wait3A_144 = tpu.memref_slice %arg9[%dma_wait3A_142, %dma_wait3A_143] : memref<10000x128xf32, #tpu.memory_space<vmem_shared>> -> memref<10000x128xf32, #tpu.memory_space<vmem_shared>>
    %dma_wait3A_145 = tpu.memref_slice %arg11[%dma_wait3A_134] : memref<3x!tpu.dma_semaphore, #tpu.memory_space<semaphore_mem>> -> memref<1x!tpu.dma_semaphore, #tpu.memory_space<semaphore_mem>>
    %dma_wait3A_146 = tpu.memref_squeeze %dma_wait3A_145 : memref<1x!tpu.dma_semaphore, #tpu.memory_space<semaphore_mem>> -> memref<!tpu.dma_semaphore, #tpu.memory_space<semaphore_mem>>
    tpu.wait_indirect_dma semaphore(%dma_wait3A_146 : memref<!tpu.dma_semaphore, #tpu.memory_space<semaphore_mem>>) src(%dma_wait3A_138 : memref<80x128xf32, #tpu.memory_space<vmem>>) dst(%dma_wait3A_144 : memref<10000x128xf32, #tpu.memory_space<vmem_shared>>)
    %dma_wait3A_147 = arith.constant 0 : i32
    %dma_wait3A_148 = arith.constant 63 : i32
    %dma_wait3A_149 = arith.constant 0 : i32
    %dma_wait3A_150 = arith.constant 0 : i32
    %dma_wait3A_151 = arith.constant 0 : i32
    %dma_wait3A_152 = tpu.memref_slice %arg8[%dma_wait3A_147, %dma_wait3A_150, %dma_wait3A_151] : memref<3x80x128xf32, #tpu.memory_space<vmem>> -> memref<1x80x128xf32, #tpu.memory_space<vmem>>
    %dma_wait3A_153 = tpu.memref_squeeze %dma_wait3A_152 : memref<1x80x128xf32, #tpu.memory_space<vmem>> -> memref<80x128xf32, #tpu.memory_space<vmem>>
    %dma_wait3A_154 = arith.constant 0 : i32
    %dma_wait3A_155 = tpu.memref_slice %arg7[%dma_wait3A_148, %dma_wait3A_154] : memref<64x80xi32, #tpu.memory_space<vmem>> -> memref<1x80xi32, #tpu.memory_space<vmem>>
    %dma_wait3A_156 = tpu.memref_squeeze %dma_wait3A_155 : memref<1x80xi32, #tpu.memory_space<vmem>> -> memref<80xi32, #tpu.memory_space<vmem>>
    %dma_wait3A_157 = arith.constant 0 : i32
    %dma_wait3A_158 = arith.constant 0 : i32
    %dma_wait3A_159 = tpu.memref_slice %arg9[%dma_wait3A_157, %dma_wait3A_158] : memref<10000x128xf32, #tpu.memory_space<vmem_shared>> -> memref<10000x128xf32, #tpu.memory_space<vmem_shared>>
    %dma_wait3A_160 = tpu.memref_slice %arg11[%dma_wait3A_149] : memref<3x!tpu.dma_semaphore, #tpu.memory_space<semaphore_mem>> -> memref<1x!tpu.dma_semaphore, #tpu.memory_space<semaphore_mem>>
    %dma_wait3A_161 = tpu.memref_squeeze %dma_wait3A_160 : memref<1x!tpu.dma_semaphore, #tpu.memory_space<semaphore_mem>> -> memref<!tpu.dma_semaphore, #tpu.memory_space<semaphore_mem>>
    tpu.wait_indirect_dma semaphore(%dma_wait3A_161 : memref<!tpu.dma_semaphore, #tpu.memory_space<semaphore_mem>>) src(%dma_wait3A_153 : memref<80x128xf32, #tpu.memory_space<vmem>>) dst(%dma_wait3A_159 : memref<10000x128xf32, #tpu.memory_space<vmem_shared>>)
    %run_scoped3A_162 = arith.constant 1 : i32
    "tpu.region"() ({
      %run_scoped3A_283 = tpu.sem_alloc : memref<!tpu.dma_semaphore, #tpu.memory_space<semaphore_mem>>
      %dma_start3A_284 = arith.constant 0 : i32
      %dma_start3A_285 = arith.constant 0 : i32
      %dma_start3A_286 = tpu.memref_slice %arg7[%dma_start3A_284, %dma_start3A_285] : memref<64x80xi32, #tpu.memory_space<vmem>> -> memref<61x80xi32, #tpu.memory_space<vmem>>
      %dma_start3A_287 = arith.constant 0 : i32
      %dma_start3A_288 = arith.constant 0 : i32
      %dma_start3A_289 = tpu.memref_slice %arg3[%run_scoped3A_162, %add3A, %dma_start3A_287, %dma_start3A_288] : memref<2x32x125x80xi32, #tpu.memory_space<hbm>> -> memref<1x1x125x80xi32, #tpu.memory_space<hbm>>
      %dma_start3A_290 = tpu.memref_squeeze %dma_start3A_289 : memref<1x1x125x80xi32, #tpu.memory_space<hbm>> -> memref<125x80xi32, #tpu.memory_space<hbm>>
      %dma_start3A_291 = arith.constant 64 : i32
      %dma_start3A_292 = arith.constant 0 : i32
      %dma_start3A_293 = tpu.memref_slice %dma_start3A_290[%dma_start3A_291, %dma_start3A_292] : memref<125x80xi32, #tpu.memory_space<hbm>> -> memref<61x80xi32, #tpu.memory_space<hbm>>
      %dma_start3A_294 = arith.constant 0 : i32
      %dma_start3A_295 = arith.constant 0 : i32
      %dma_start3A_296 = tpu.memref_slice %arg7[%dma_start3A_294, %dma_start3A_295] : memref<64x80xi32, #tpu.memory_space<vmem>> -> memref<61x80xi32, #tpu.memory_space<vmem>>
      %dma_start3A_297 = arith.constant 0 : i32
      %dma_start3A_298 = arith.constant 0 : i32
      %dma_start3A_299 = tpu.memref_slice %arg3[%run_scoped3A_162, %add3A, %dma_start3A_297, %dma_start3A_298] : memref<2x32x125x80xi32, #tpu.memory_space<hbm>> -> memref<1x1x125x80xi32, #tpu.memory_space<hbm>>
      %dma_start3A_300 = tpu.memref_squeeze %dma_start3A_299 : memref<1x1x125x80xi32, #tpu.memory_space<hbm>> -> memref<125x80xi32, #tpu.memory_space<hbm>>
      %dma_start3A_301 = arith.constant 64 : i32
      %dma_start3A_302 = arith.constant 0 : i32
      %dma_start3A_303 = tpu.memref_slice %dma_start3A_300[%dma_start3A_301, %dma_start3A_302] : memref<125x80xi32, #tpu.memory_space<hbm>> -> memref<61x80xi32, #tpu.memory_space<hbm>>
      tpu.enqueue_dma source(%dma_start3A_303 : memref<61x80xi32, #tpu.memory_space<hbm>>) target(%dma_start3A_296 : memref<61x80xi32, #tpu.memory_space<vmem>>) target_semaphore(%run_scoped3A_283 : memref<!tpu.dma_semaphore, #tpu.memory_space<semaphore_mem>>)
      %dma_wait3A_304 = arith.constant 0 : i32
      %dma_wait3A_305 = arith.constant 0 : i32
      %dma_wait3A_306 = tpu.memref_slice %arg7[%dma_wait3A_304, %dma_wait3A_305] : memref<64x80xi32, #tpu.memory_space<vmem>> -> memref<61x80xi32, #tpu.memory_space<vmem>>
      %dma_wait3A_307 = arith.constant 0 : i32
      %dma_wait3A_308 = arith.constant 0 : i32
      %dma_wait3A_309 = tpu.memref_slice %arg3[%run_scoped3A_162, %add3A, %dma_wait3A_307, %dma_wait3A_308] : memref<2x32x125x80xi32, #tpu.memory_space<hbm>> -> memref<1x1x125x80xi32, #tpu.memory_space<hbm>>
      %dma_wait3A_310 = tpu.memref_squeeze %dma_wait3A_309 : memref<1x1x125x80xi32, #tpu.memory_space<hbm>> -> memref<125x80xi32, #tpu.memory_space<hbm>>
      %dma_wait3A_311 = arith.constant 64 : i32
      %dma_wait3A_312 = arith.constant 0 : i32
      %dma_wait3A_313 = tpu.memref_slice %dma_wait3A_310[%dma_wait3A_311, %dma_wait3A_312] : memref<125x80xi32, #tpu.memory_space<hbm>> -> memref<61x80xi32, #tpu.memory_space<hbm>>
      %dma_wait3A_314 = arith.constant 0 : i32
      %dma_wait3A_315 = arith.constant 0 : i32
      %dma_wait3A_316 = tpu.memref_slice %arg7[%dma_wait3A_314, %dma_wait3A_315] : memref<64x80xi32, #tpu.memory_space<vmem>> -> memref<61x80xi32, #tpu.memory_space<vmem>>
      %dma_wait3A_317 = arith.constant 0 : i32
      %dma_wait3A_318 = arith.constant 0 : i32
      %dma_wait3A_319 = tpu.memref_slice %arg3[%run_scoped3A_162, %add3A, %dma_wait3A_317, %dma_wait3A_318] : memref<2x32x125x80xi32, #tpu.memory_space<hbm>> -> memref<1x1x125x80xi32, #tpu.memory_space<hbm>>
      %dma_wait3A_320 = tpu.memref_squeeze %dma_wait3A_319 : memref<1x1x125x80xi32, #tpu.memory_space<hbm>> -> memref<125x80xi32, #tpu.memory_space<hbm>>
      %dma_wait3A_321 = arith.constant 64 : i32
      %dma_wait3A_322 = arith.constant 0 : i32
      %dma_wait3A_323 = tpu.memref_slice %dma_wait3A_320[%dma_wait3A_321, %dma_wait3A_322] : memref<125x80xi32, #tpu.memory_space<hbm>> -> memref<61x80xi32, #tpu.memory_space<hbm>>
      tpu.wait_dma2 semaphore(%run_scoped3A_283 : memref<!tpu.dma_semaphore, #tpu.memory_space<semaphore_mem>>) src(%dma_wait3A_323 : memref<61x80xi32, #tpu.memory_space<hbm>>) dst(%dma_wait3A_316 : memref<61x80xi32, #tpu.memory_space<vmem>>)
      tpu.yield
    }) : () -> ()
    %multiple_of3A_163 = arith.constant 5120 : i32
    %multiple_of3A_164 = tpu.assume_multiple %multiple_of3A_163, 80 : i32
    %dma_start3A_165 = arith.constant 0 : i32
    %dma_start3A_166 = arith.constant 0 : i32
    %dma_start3A_167 = arith.constant 0 : i32
    %dma_start3A_168 = arith.constant 0 : i32
    %dma_start3A_169 = tpu.memref_slice %arg8[%dma_start3A_165, %dma_start3A_167, %dma_start3A_168] : memref<3x80x128xf32, #tpu.memory_space<vmem>> -> memref<1x80x128xf32, #tpu.memory_space<vmem>>
    %dma_start3A_170 = tpu.memref_squeeze %dma_start3A_169 : memref<1x80x128xf32, #tpu.memory_space<vmem>> -> memref<80x128xf32, #tpu.memory_space<vmem>>
    %dma_start3A_171 = tpu.memref_slice %arg6[%multiple_of3A_164] : memref<10000xi32, #tpu.memory_space<vmem>> -> memref<80xi32, #tpu.memory_space<vmem>>
    %dma_start3A_172 = arith.constant 0 : i32
    %dma_start3A_173 = arith.constant 0 : i32
    %dma_start3A_174 = tpu.memref_slice %arg4[%dma_start3A_172, %dma_start3A_173] : memref<10000x128xf32, #tpu.memory_space<hbm>> -> memref<10000x128xf32, #tpu.memory_space<hbm>>
    %dma_start3A_175 = tpu.memref_slice %arg10[%dma_start3A_166] : memref<3x!tpu.dma_semaphore, #tpu.memory_space<semaphore_mem>> -> memref<1x!tpu.dma_semaphore, #tpu.memory_space<semaphore_mem>>
    %dma_start3A_176 = tpu.memref_squeeze %dma_start3A_175 : memref<1x!tpu.dma_semaphore, #tpu.memory_space<semaphore_mem>> -> memref<!tpu.dma_semaphore, #tpu.memory_space<semaphore_mem>>
    tpu.enqueue_indirect_dma source(%dma_start3A_174 : memref<10000x128xf32, #tpu.memory_space<hbm>>) target(%dma_start3A_170 : memref<80x128xf32, #tpu.memory_space<vmem>>) offsets(%dma_start3A_171 : memref<80xi32, #tpu.memory_space<vmem>>) semaphore(%dma_start3A_176 : memref<!tpu.dma_semaphore, #tpu.memory_space<semaphore_mem>>)
    %multiple_of3A_177 = arith.constant 5200 : i32
    %multiple_of3A_178 = tpu.assume_multiple %multiple_of3A_177, 80 : i32
    %dma_start3A_179 = arith.constant 1 : i32
    %dma_start3A_180 = arith.constant 1 : i32
    %dma_start3A_181 = arith.constant 0 : i32
    %dma_start3A_182 = arith.constant 0 : i32
    %dma_start3A_183 = tpu.memref_slice %arg8[%dma_start3A_179, %dma_start3A_181, %dma_start3A_182] : memref<3x80x128xf32, #tpu.memory_space<vmem>> -> memref<1x80x128xf32, #tpu.memory_space<vmem>>
    %dma_start3A_184 = tpu.memref_squeeze %dma_start3A_183 : memref<1x80x128xf32, #tpu.memory_space<vmem>> -> memref<80x128xf32, #tpu.memory_space<vmem>>
    %dma_start3A_185 = tpu.memref_slice %arg6[%multiple_of3A_178] : memref<10000xi32, #tpu.memory_space<vmem>> -> memref<80xi32, #tpu.memory_space<vmem>>
    %dma_start3A_186 = arith.constant 0 : i32
    %dma_start3A_187 = arith.constant 0 : i32
    %dma_start3A_188 = tpu.memref_slice %arg4[%dma_start3A_186, %dma_start3A_187] : memref<10000x128xf32, #tpu.memory_space<hbm>> -> memref<10000x128xf32, #tpu.memory_space<hbm>>
    %dma_start3A_189 = tpu.memref_slice %arg10[%dma_start3A_180] : memref<3x!tpu.dma_semaphore, #tpu.memory_space<semaphore_mem>> -> memref<1x!tpu.dma_semaphore, #tpu.memory_space<semaphore_mem>>
    %dma_start3A_190 = tpu.memref_squeeze %dma_start3A_189 : memref<1x!tpu.dma_semaphore, #tpu.memory_space<semaphore_mem>> -> memref<!tpu.dma_semaphore, #tpu.memory_space<semaphore_mem>>
    tpu.enqueue_indirect_dma source(%dma_start3A_188 : memref<10000x128xf32, #tpu.memory_space<hbm>>) target(%dma_start3A_184 : memref<80x128xf32, #tpu.memory_space<vmem>>) offsets(%dma_start3A_185 : memref<80xi32, #tpu.memory_space<vmem>>) semaphore(%dma_start3A_190 : memref<!tpu.dma_semaphore, #tpu.memory_space<semaphore_mem>>)
    %scan3A_191 = arith.constant 0 : i32
    %scan3A_192 = arith.constant 0 : i32
    %scan3A_193 = arith.constant 20 : i32
    %scan3A_194 = arith.addi %scan3A_192, %scan3A_193 : i32
    %scan3A_195 = arith.constant 1 : i32
    scf.for %scan3A_283 = %scan3A_192 to %scan3A_194 step %scan3A_195  : i32 {
      %mul3A_284 = arith.constant 3 : i32
      %mul3A_285 = arith.muli %scan3A_283, %mul3A_284 : i32
      %add3A_286 = arith.constant 0 : i32
      %add3A_287 = arith.addi %mul3A_285, %add3A_286 : i32
      %add3A_288 = arith.constant 64 : i32
      %add3A_289 = arith.addi %add3A_288, %add3A_287 : i32
      %mul3A_290 = arith.constant 80 : i32
      %mul3A_291 = arith.muli %add3A_289, %mul3A_290 : i32
      %multiple_of3A_292 = tpu.assume_multiple %mul3A_291, 80 : i32
      %dma_wait3A_293 = arith.constant 0 : i32
      %dma_wait3A_294 = arith.constant 0 : i32
      %dma_wait3A_295 = arith.constant 0 : i32
      %dma_wait3A_296 = arith.constant 0 : i32
      %dma_wait3A_297 = tpu.memref_slice %arg8[%dma_wait3A_293, %dma_wait3A_295, %dma_wait3A_296] : memref<3x80x128xf32, #tpu.memory_space<vmem>> -> memref<1x80x128xf32, #tpu.memory_space<vmem>>
      %dma_wait3A_298 = tpu.memref_squeeze %dma_wait3A_297 : memref<1x80x128xf32, #tpu.memory_space<vmem>> -> memref<80x128xf32, #tpu.memory_space<vmem>>
      %dma_wait3A_299 = tpu.memref_slice %arg6[%multiple_of3A_292] : memref<10000xi32, #tpu.memory_space<vmem>> -> memref<80xi32, #tpu.memory_space<vmem>>
      %dma_wait3A_300 = arith.constant 0 : i32
      %dma_wait3A_301 = arith.constant 0 : i32
      %dma_wait3A_302 = tpu.memref_slice %arg4[%dma_wait3A_300, %dma_wait3A_301] : memref<10000x128xf32, #tpu.memory_space<hbm>> -> memref<10000x128xf32, #tpu.memory_space<hbm>>
      %dma_wait3A_303 = tpu.memref_slice %arg10[%dma_wait3A_294] : memref<3x!tpu.dma_semaphore, #tpu.memory_space<semaphore_mem>> -> memref<1x!tpu.dma_semaphore, #tpu.memory_space<semaphore_mem>>
      %dma_wait3A_304 = tpu.memref_squeeze %dma_wait3A_303 : memref<1x!tpu.dma_semaphore, #tpu.memory_space<semaphore_mem>> -> memref<!tpu.dma_semaphore, #tpu.memory_space<semaphore_mem>>
      tpu.wait_indirect_dma semaphore(%dma_wait3A_304 : memref<!tpu.dma_semaphore, #tpu.memory_space<semaphore_mem>>) src(%dma_wait3A_302 : memref<10000x128xf32, #tpu.memory_space<hbm>>) dst(%dma_wait3A_298 : memref<80x128xf32, #tpu.memory_space<vmem>>)
      %dma_start3A_305 = arith.constant 0 : i32
      %dma_start3A_306 = arith.constant 0 : i32
      %dma_start3A_307 = arith.constant 0 : i32
      %dma_start3A_308 = arith.constant 0 : i32
      %dma_start3A_309 = tpu.memref_slice %arg8[%dma_start3A_305, %dma_start3A_307, %dma_start3A_308] : memref<3x80x128xf32, #tpu.memory_space<vmem>> -> memref<1x80x128xf32, #tpu.memory_space<vmem>>
      %dma_start3A_310 = tpu.memref_squeeze %dma_start3A_309 : memref<1x80x128xf32, #tpu.memory_space<vmem>> -> memref<80x128xf32, #tpu.memory_space<vmem>>
      %dma_start3A_311 = arith.constant 0 : i32
      %dma_start3A_312 = tpu.memref_slice %arg7[%add3A_287, %dma_start3A_311] : memref<64x80xi32, #tpu.memory_space<vmem>> -> memref<1x80xi32, #tpu.memory_space<vmem>>
      %dma_start3A_313 = tpu.memref_squeeze %dma_start3A_312 : memref<1x80xi32, #tpu.memory_space<vmem>> -> memref<80xi32, #tpu.memory_space<vmem>>
      %dma_start3A_314 = arith.constant 0 : i32
      %dma_start3A_315 = arith.constant 0 : i32
      %dma_start3A_316 = tpu.memref_slice %arg9[%dma_start3A_314, %dma_start3A_315] : memref<10000x128xf32, #tpu.memory_space<vmem_shared>> -> memref<10000x128xf32, #tpu.memory_space<vmem_shared>>
      %dma_start3A_317 = tpu.memref_slice %arg11[%dma_start3A_306] : memref<3x!tpu.dma_semaphore, #tpu.memory_space<semaphore_mem>> -> memref<1x!tpu.dma_semaphore, #tpu.memory_space<semaphore_mem>>
      %dma_start3A_318 = tpu.memref_squeeze %dma_start3A_317 : memref<1x!tpu.dma_semaphore, #tpu.memory_space<semaphore_mem>> -> memref<!tpu.dma_semaphore, #tpu.memory_space<semaphore_mem>>
      tpu.enqueue_indirect_dma source(%dma_start3A_310 : memref<80x128xf32, #tpu.memory_space<vmem>>) target(%dma_start3A_316 : memref<10000x128xf32, #tpu.memory_space<vmem_shared>>) offsets(%dma_start3A_313 : memref<80xi32, #tpu.memory_space<vmem>>) semaphore(%dma_start3A_318 : memref<!tpu.dma_semaphore, #tpu.memory_space<semaphore_mem>>) {add = true}
      %add3A_319 = arith.constant 2 : i32
      %add3A_320 = arith.addi %add3A_287, %add3A_319 : i32
      %lt3A = arith.constant 61 : i32
      %lt3A_321 = arith.cmpi slt, %add3A_320, %lt3A : i32
      %ge3A = arith.constant 1 : i32
      %ge3A_322 = arith.cmpi sge, %add3A_287, %ge3A : i32
      %and3A_323 = arith.andi %lt3A_321, %ge3A_322 : i1
      %convert_element_type3A_324 = arith.extui %and3A_323 : i1 to i32
      %cond3A_325 = arith.constant 0 : i32
      %cond3A_326 = arith.cmpi ne, %convert_element_type3A_324, %cond3A_325 : i32
      scf.if %cond3A_326 {
        %sub3A = arith.constant 1 : i32
        %sub3A_438 = arith.subi %add3A_287, %sub3A : i32
        %dma_wait3A_439 = arith.constant 2 : i32
        %dma_wait3A_440 = arith.constant 2 : i32
        %dma_wait3A_441 = arith.constant 0 : i32
        %dma_wait3A_442 = arith.constant 0 : i32
        %dma_wait3A_443 = tpu.memref_slice %arg8[%dma_wait3A_439, %dma_wait3A_441, %dma_wait3A_442] : memref<3x80x128xf32, #tpu.memory_space<vmem>> -> memref<1x80x128xf32, #tpu.memory_space<vmem>>
        %dma_wait3A_444 = tpu.memref_squeeze %dma_wait3A_443 : memref<1x80x128xf32, #tpu.memory_space<vmem>> -> memref<80x128xf32, #tpu.memory_space<vmem>>
        %dma_wait3A_445 = arith.constant 0 : i32
        %dma_wait3A_446 = tpu.memref_slice %arg7[%sub3A_438, %dma_wait3A_445] : memref<64x80xi32, #tpu.memory_space<vmem>> -> memref<1x80xi32, #tpu.memory_space<vmem>>
        %dma_wait3A_447 = tpu.memref_squeeze %dma_wait3A_446 : memref<1x80xi32, #tpu.memory_space<vmem>> -> memref<80xi32, #tpu.memory_space<vmem>>
        %dma_wait3A_448 = arith.constant 0 : i32
        %dma_wait3A_449 = arith.constant 0 : i32
        %dma_wait3A_450 = tpu.memref_slice %arg9[%dma_wait3A_448, %dma_wait3A_449] : memref<10000x128xf32, #tpu.memory_space<vmem_shared>> -> memref<10000x128xf32, #tpu.memory_space<vmem_shared>>
        %dma_wait3A_451 = tpu.memref_slice %arg11[%dma_wait3A_440] : memref<3x!tpu.dma_semaphore, #tpu.memory_space<semaphore_mem>> -> memref<1x!tpu.dma_semaphore, #tpu.memory_space<semaphore_mem>>
        %dma_wait3A_452 = tpu.memref_squeeze %dma_wait3A_451 : memref<1x!tpu.dma_semaphore, #tpu.memory_space<semaphore_mem>> -> memref<!tpu.dma_semaphore, #tpu.memory_space<semaphore_mem>>
        tpu.wait_indirect_dma semaphore(%dma_wait3A_452 : memref<!tpu.dma_semaphore, #tpu.memory_space<semaphore_mem>>) src(%dma_wait3A_444 : memref<80x128xf32, #tpu.memory_space<vmem>>) dst(%dma_wait3A_450 : memref<10000x128xf32, #tpu.memory_space<vmem_shared>>)
      } else {
      }
      %add3A_327 = arith.constant 2 : i32
      %add3A_328 = arith.addi %add3A_287, %add3A_327 : i32
      %lt3A_329 = arith.constant 61 : i32
      %lt3A_330 = arith.cmpi slt, %add3A_328, %lt3A_329 : i32
      %convert_element_type3A_331 = arith.extui %lt3A_330 : i1 to i32
      %cond3A_332 = arith.constant 0 : i32
      %cond3A_333 = arith.cmpi ne, %convert_element_type3A_331, %cond3A_332 : i32
      scf.if %cond3A_333 {
        %add3A_438 = arith.constant 64 : i32
        %add3A_439 = arith.addi %add3A_438, %add3A_287 : i32
        %add3A_440 = arith.constant 2 : i32
        %add3A_441 = arith.addi %add3A_439, %add3A_440 : i32
        %mul3A_442 = arith.constant 80 : i32
        %mul3A_443 = arith.muli %add3A_441, %mul3A_442 : i32
        %multiple_of3A_444 = tpu.assume_multiple %mul3A_443, 80 : i32
        %dma_start3A_445 = arith.constant 2 : i32
        %dma_start3A_446 = arith.constant 2 : i32
        %dma_start3A_447 = arith.constant 0 : i32
        %dma_start3A_448 = arith.constant 0 : i32
        %dma_start3A_449 = tpu.memref_slice %arg8[%dma_start3A_445, %dma_start3A_447, %dma_start3A_448] : memref<3x80x128xf32, #tpu.memory_space<vmem>> -> memref<1x80x128xf32, #tpu.memory_space<vmem>>
        %dma_start3A_450 = tpu.memref_squeeze %dma_start3A_449 : memref<1x80x128xf32, #tpu.memory_space<vmem>> -> memref<80x128xf32, #tpu.memory_space<vmem>>
        %dma_start3A_451 = tpu.memref_slice %arg6[%multiple_of3A_444] : memref<10000xi32, #tpu.memory_space<vmem>> -> memref<80xi32, #tpu.memory_space<vmem>>
        %dma_start3A_452 = arith.constant 0 : i32
        %dma_start3A_453 = arith.constant 0 : i32
        %dma_start3A_454 = tpu.memref_slice %arg4[%dma_start3A_452, %dma_start3A_453] : memref<10000x128xf32, #tpu.memory_space<hbm>> -> memref<10000x128xf32, #tpu.memory_space<hbm>>
        %dma_start3A_455 = tpu.memref_slice %arg10[%dma_start3A_446] : memref<3x!tpu.dma_semaphore, #tpu.memory_space<semaphore_mem>> -> memref<1x!tpu.dma_semaphore, #tpu.memory_space<semaphore_mem>>
        %dma_start3A_456 = tpu.memref_squeeze %dma_start3A_455 : memref<1x!tpu.dma_semaphore, #tpu.memory_space<semaphore_mem>> -> memref<!tpu.dma_semaphore, #tpu.memory_space<semaphore_mem>>
        tpu.enqueue_indirect_dma source(%dma_start3A_454 : memref<10000x128xf32, #tpu.memory_space<hbm>>) target(%dma_start3A_450 : memref<80x128xf32, #tpu.memory_space<vmem>>) offsets(%dma_start3A_451 : memref<80xi32, #tpu.memory_space<vmem>>) semaphore(%dma_start3A_456 : memref<!tpu.dma_semaphore, #tpu.memory_space<semaphore_mem>>)
      } else {
      }
      %mul3A_334 = arith.constant 3 : i32
      %mul3A_335 = arith.muli %scan3A_283, %mul3A_334 : i32
      %add3A_336 = arith.constant 1 : i32
      %add3A_337 = arith.addi %mul3A_335, %add3A_336 : i32
      %add3A_338 = arith.constant 64 : i32
      %add3A_339 = arith.addi %add3A_338, %add3A_337 : i32
      %mul3A_340 = arith.constant 80 : i32
      %mul3A_341 = arith.muli %add3A_339, %mul3A_340 : i32
      %multiple_of3A_342 = tpu.assume_multiple %mul3A_341, 80 : i32
      %dma_wait3A_343 = arith.constant 1 : i32
      %dma_wait3A_344 = arith.constant 1 : i32
      %dma_wait3A_345 = arith.constant 0 : i32
      %dma_wait3A_346 = arith.constant 0 : i32
      %dma_wait3A_347 = tpu.memref_slice %arg8[%dma_wait3A_343, %dma_wait3A_345, %dma_wait3A_346] : memref<3x80x128xf32, #tpu.memory_space<vmem>> -> memref<1x80x128xf32, #tpu.memory_space<vmem>>
      %dma_wait3A_348 = tpu.memref_squeeze %dma_wait3A_347 : memref<1x80x128xf32, #tpu.memory_space<vmem>> -> memref<80x128xf32, #tpu.memory_space<vmem>>
      %dma_wait3A_349 = tpu.memref_slice %arg6[%multiple_of3A_342] : memref<10000xi32, #tpu.memory_space<vmem>> -> memref<80xi32, #tpu.memory_space<vmem>>
      %dma_wait3A_350 = arith.constant 0 : i32
      %dma_wait3A_351 = arith.constant 0 : i32
      %dma_wait3A_352 = tpu.memref_slice %arg4[%dma_wait3A_350, %dma_wait3A_351] : memref<10000x128xf32, #tpu.memory_space<hbm>> -> memref<10000x128xf32, #tpu.memory_space<hbm>>
      %dma_wait3A_353 = tpu.memref_slice %arg10[%dma_wait3A_344] : memref<3x!tpu.dma_semaphore, #tpu.memory_space<semaphore_mem>> -> memref<1x!tpu.dma_semaphore, #tpu.memory_space<semaphore_mem>>
      %dma_wait3A_354 = tpu.memref_squeeze %dma_wait3A_353 : memref<1x!tpu.dma_semaphore, #tpu.memory_space<semaphore_mem>> -> memref<!tpu.dma_semaphore, #tpu.memory_space<semaphore_mem>>
      tpu.wait_indirect_dma semaphore(%dma_wait3A_354 : memref<!tpu.dma_semaphore, #tpu.memory_space<semaphore_mem>>) src(%dma_wait3A_352 : memref<10000x128xf32, #tpu.memory_space<hbm>>) dst(%dma_wait3A_348 : memref<80x128xf32, #tpu.memory_space<vmem>>)
      %dma_start3A_355 = arith.constant 1 : i32
      %dma_start3A_356 = arith.constant 1 : i32
      %dma_start3A_357 = arith.constant 0 : i32
      %dma_start3A_358 = arith.constant 0 : i32
      %dma_start3A_359 = tpu.memref_slice %arg8[%dma_start3A_355, %dma_start3A_357, %dma_start3A_358] : memref<3x80x128xf32, #tpu.memory_space<vmem>> -> memref<1x80x128xf32, #tpu.memory_space<vmem>>
      %dma_start3A_360 = tpu.memref_squeeze %dma_start3A_359 : memref<1x80x128xf32, #tpu.memory_space<vmem>> -> memref<80x128xf32, #tpu.memory_space<vmem>>
      %dma_start3A_361 = arith.constant 0 : i32
      %dma_start3A_362 = tpu.memref_slice %arg7[%add3A_337, %dma_start3A_361] : memref<64x80xi32, #tpu.memory_space<vmem>> -> memref<1x80xi32, #tpu.memory_space<vmem>>
      %dma_start3A_363 = tpu.memref_squeeze %dma_start3A_362 : memref<1x80xi32, #tpu.memory_space<vmem>> -> memref<80xi32, #tpu.memory_space<vmem>>
      %dma_start3A_364 = arith.constant 0 : i32
      %dma_start3A_365 = arith.constant 0 : i32
      %dma_start3A_366 = tpu.memref_slice %arg9[%dma_start3A_364, %dma_start3A_365] : memref<10000x128xf32, #tpu.memory_space<vmem_shared>> -> memref<10000x128xf32, #tpu.memory_space<vmem_shared>>
      %dma_start3A_367 = tpu.memref_slice %arg11[%dma_start3A_356] : memref<3x!tpu.dma_semaphore, #tpu.memory_space<semaphore_mem>> -> memref<1x!tpu.dma_semaphore, #tpu.memory_space<semaphore_mem>>
      %dma_start3A_368 = tpu.memref_squeeze %dma_start3A_367 : memref<1x!tpu.dma_semaphore, #tpu.memory_space<semaphore_mem>> -> memref<!tpu.dma_semaphore, #tpu.memory_space<semaphore_mem>>
      tpu.enqueue_indirect_dma source(%dma_start3A_360 : memref<80x128xf32, #tpu.memory_space<vmem>>) target(%dma_start3A_366 : memref<10000x128xf32, #tpu.memory_space<vmem_shared>>) offsets(%dma_start3A_363 : memref<80xi32, #tpu.memory_space<vmem>>) semaphore(%dma_start3A_368 : memref<!tpu.dma_semaphore, #tpu.memory_space<semaphore_mem>>) {add = true}
      %add3A_369 = arith.constant 2 : i32
      %add3A_370 = arith.addi %add3A_337, %add3A_369 : i32
      %lt3A_371 = arith.constant 61 : i32
      %lt3A_372 = arith.cmpi slt, %add3A_370, %lt3A_371 : i32
      %ge3A_373 = arith.constant 1 : i32
      %ge3A_374 = arith.cmpi sge, %add3A_337, %ge3A_373 : i32
      %and3A_375 = arith.andi %lt3A_372, %ge3A_374 : i1
      %convert_element_type3A_376 = arith.extui %and3A_375 : i1 to i32
      %cond3A_377 = arith.constant 0 : i32
      %cond3A_378 = arith.cmpi ne, %convert_element_type3A_376, %cond3A_377 : i32
      scf.if %cond3A_378 {
        %sub3A = arith.constant 1 : i32
        %sub3A_438 = arith.subi %add3A_337, %sub3A : i32
        %dma_wait3A_439 = arith.constant 0 : i32
        %dma_wait3A_440 = arith.constant 0 : i32
        %dma_wait3A_441 = arith.constant 0 : i32
        %dma_wait3A_442 = arith.constant 0 : i32
        %dma_wait3A_443 = tpu.memref_slice %arg8[%dma_wait3A_439, %dma_wait3A_441, %dma_wait3A_442] : memref<3x80x128xf32, #tpu.memory_space<vmem>> -> memref<1x80x128xf32, #tpu.memory_space<vmem>>
        %dma_wait3A_444 = tpu.memref_squeeze %dma_wait3A_443 : memref<1x80x128xf32, #tpu.memory_space<vmem>> -> memref<80x128xf32, #tpu.memory_space<vmem>>
        %dma_wait3A_445 = arith.constant 0 : i32
        %dma_wait3A_446 = tpu.memref_slice %arg7[%sub3A_438, %dma_wait3A_445] : memref<64x80xi32, #tpu.memory_space<vmem>> -> memref<1x80xi32, #tpu.memory_space<vmem>>
        %dma_wait3A_447 = tpu.memref_squeeze %dma_wait3A_446 : memref<1x80xi32, #tpu.memory_space<vmem>> -> memref<80xi32, #tpu.memory_space<vmem>>
        %dma_wait3A_448 = arith.constant 0 : i32
        %dma_wait3A_449 = arith.constant 0 : i32
        %dma_wait3A_450 = tpu.memref_slice %arg9[%dma_wait3A_448, %dma_wait3A_449] : memref<10000x128xf32, #tpu.memory_space<vmem_shared>> -> memref<10000x128xf32, #tpu.memory_space<vmem_shared>>
        %dma_wait3A_451 = tpu.memref_slice %arg11[%dma_wait3A_440] : memref<3x!tpu.dma_semaphore, #tpu.memory_space<semaphore_mem>> -> memref<1x!tpu.dma_semaphore, #tpu.memory_space<semaphore_mem>>
        %dma_wait3A_452 = tpu.memref_squeeze %dma_wait3A_451 : memref<1x!tpu.dma_semaphore, #tpu.memory_space<semaphore_mem>> -> memref<!tpu.dma_semaphore, #tpu.memory_space<semaphore_mem>>
        tpu.wait_indirect_dma semaphore(%dma_wait3A_452 : memref<!tpu.dma_semaphore, #tpu.memory_space<semaphore_mem>>) src(%dma_wait3A_444 : memref<80x128xf32, #tpu.memory_space<vmem>>) dst(%dma_wait3A_450 : memref<10000x128xf32, #tpu.memory_space<vmem_shared>>)
      } else {
      }
      %add3A_379 = arith.constant 2 : i32
      %add3A_380 = arith.addi %add3A_337, %add3A_379 : i32
      %lt3A_381 = arith.constant 61 : i32
      %lt3A_382 = arith.cmpi slt, %add3A_380, %lt3A_381 : i32
      %convert_element_type3A_383 = arith.extui %lt3A_382 : i1 to i32
      %cond3A_384 = arith.constant 0 : i32
      %cond3A_385 = arith.cmpi ne, %convert_element_type3A_383, %cond3A_384 : i32
      scf.if %cond3A_385 {
        %add3A_438 = arith.constant 64 : i32
        %add3A_439 = arith.addi %add3A_438, %add3A_337 : i32
        %add3A_440 = arith.constant 2 : i32
        %add3A_441 = arith.addi %add3A_439, %add3A_440 : i32
        %mul3A_442 = arith.constant 80 : i32
        %mul3A_443 = arith.muli %add3A_441, %mul3A_442 : i32
        %multiple_of3A_444 = tpu.assume_multiple %mul3A_443, 80 : i32
        %dma_start3A_445 = arith.constant 0 : i32
        %dma_start3A_446 = arith.constant 0 : i32
        %dma_start3A_447 = arith.constant 0 : i32
        %dma_start3A_448 = arith.constant 0 : i32
        %dma_start3A_449 = tpu.memref_slice %arg8[%dma_start3A_445, %dma_start3A_447, %dma_start3A_448] : memref<3x80x128xf32, #tpu.memory_space<vmem>> -> memref<1x80x128xf32, #tpu.memory_space<vmem>>
        %dma_start3A_450 = tpu.memref_squeeze %dma_start3A_449 : memref<1x80x128xf32, #tpu.memory_space<vmem>> -> memref<80x128xf32, #tpu.memory_space<vmem>>
        %dma_start3A_451 = tpu.memref_slice %arg6[%multiple_of3A_444] : memref<10000xi32, #tpu.memory_space<vmem>> -> memref<80xi32, #tpu.memory_space<vmem>>
        %dma_start3A_452 = arith.constant 0 : i32
        %dma_start3A_453 = arith.constant 0 : i32
        %dma_start3A_454 = tpu.memref_slice %arg4[%dma_start3A_452, %dma_start3A_453] : memref<10000x128xf32, #tpu.memory_space<hbm>> -> memref<10000x128xf32, #tpu.memory_space<hbm>>
        %dma_start3A_455 = tpu.memref_slice %arg10[%dma_start3A_446] : memref<3x!tpu.dma_semaphore, #tpu.memory_space<semaphore_mem>> -> memref<1x!tpu.dma_semaphore, #tpu.memory_space<semaphore_mem>>
        %dma_start3A_456 = tpu.memref_squeeze %dma_start3A_455 : memref<1x!tpu.dma_semaphore, #tpu.memory_space<semaphore_mem>> -> memref<!tpu.dma_semaphore, #tpu.memory_space<semaphore_mem>>
        tpu.enqueue_indirect_dma source(%dma_start3A_454 : memref<10000x128xf32, #tpu.memory_space<hbm>>) target(%dma_start3A_450 : memref<80x128xf32, #tpu.memory_space<vmem>>) offsets(%dma_start3A_451 : memref<80xi32, #tpu.memory_space<vmem>>) semaphore(%dma_start3A_456 : memref<!tpu.dma_semaphore, #tpu.memory_space<semaphore_mem>>)
      } else {
      }
      %mul3A_386 = arith.constant 3 : i32
      %mul3A_387 = arith.muli %scan3A_283, %mul3A_386 : i32
      %add3A_388 = arith.constant 2 : i32
      %add3A_389 = arith.addi %mul3A_387, %add3A_388 : i32
      %add3A_390 = arith.constant 64 : i32
      %add3A_391 = arith.addi %add3A_390, %add3A_389 : i32
      %mul3A_392 = arith.constant 80 : i32
      %mul3A_393 = arith.muli %add3A_391, %mul3A_392 : i32
      %multiple_of3A_394 = tpu.assume_multiple %mul3A_393, 80 : i32
      %dma_wait3A_395 = arith.constant 2 : i32
      %dma_wait3A_396 = arith.constant 2 : i32
      %dma_wait3A_397 = arith.constant 0 : i32
      %dma_wait3A_398 = arith.constant 0 : i32
      %dma_wait3A_399 = tpu.memref_slice %arg8[%dma_wait3A_395, %dma_wait3A_397, %dma_wait3A_398] : memref<3x80x128xf32, #tpu.memory_space<vmem>> -> memref<1x80x128xf32, #tpu.memory_space<vmem>>
      %dma_wait3A_400 = tpu.memref_squeeze %dma_wait3A_399 : memref<1x80x128xf32, #tpu.memory_space<vmem>> -> memref<80x128xf32, #tpu.memory_space<vmem>>
      %dma_wait3A_401 = tpu.memref_slice %arg6[%multiple_of3A_394] : memref<10000xi32, #tpu.memory_space<vmem>> -> memref<80xi32, #tpu.memory_space<vmem>>
      %dma_wait3A_402 = arith.constant 0 : i32
      %dma_wait3A_403 = arith.constant 0 : i32
      %dma_wait3A_404 = tpu.memref_slice %arg4[%dma_wait3A_402, %dma_wait3A_403] : memref<10000x128xf32, #tpu.memory_space<hbm>> -> memref<10000x128xf32, #tpu.memory_space<hbm>>
      %dma_wait3A_405 = tpu.memref_slice %arg10[%dma_wait3A_396] : memref<3x!tpu.dma_semaphore, #tpu.memory_space<semaphore_mem>> -> memref<1x!tpu.dma_semaphore, #tpu.memory_space<semaphore_mem>>
      %dma_wait3A_406 = tpu.memref_squeeze %dma_wait3A_405 : memref<1x!tpu.dma_semaphore, #tpu.memory_space<semaphore_mem>> -> memref<!tpu.dma_semaphore, #tpu.memory_space<semaphore_mem>>
      tpu.wait_indirect_dma semaphore(%dma_wait3A_406 : memref<!tpu.dma_semaphore, #tpu.memory_space<semaphore_mem>>) src(%dma_wait3A_404 : memref<10000x128xf32, #tpu.memory_space<hbm>>) dst(%dma_wait3A_400 : memref<80x128xf32, #tpu.memory_space<vmem>>)
      %dma_start3A_407 = arith.constant 2 : i32
      %dma_start3A_408 = arith.constant 2 : i32
      %dma_start3A_409 = arith.constant 0 : i32
      %dma_start3A_410 = arith.constant 0 : i32
      %dma_start3A_411 = tpu.memref_slice %arg8[%dma_start3A_407, %dma_start3A_409, %dma_start3A_410] : memref<3x80x128xf32, #tpu.memory_space<vmem>> -> memref<1x80x128xf32, #tpu.memory_space<vmem>>
      %dma_start3A_412 = tpu.memref_squeeze %dma_start3A_411 : memref<1x80x128xf32, #tpu.memory_space<vmem>> -> memref<80x128xf32, #tpu.memory_space<vmem>>
      %dma_start3A_413 = arith.constant 0 : i32
      %dma_start3A_414 = tpu.memref_slice %arg7[%add3A_389, %dma_start3A_413] : memref<64x80xi32, #tpu.memory_space<vmem>> -> memref<1x80xi32, #tpu.memory_space<vmem>>
      %dma_start3A_415 = tpu.memref_squeeze %dma_start3A_414 : memref<1x80xi32, #tpu.memory_space<vmem>> -> memref<80xi32, #tpu.memory_space<vmem>>
      %dma_start3A_416 = arith.constant 0 : i32
      %dma_start3A_417 = arith.constant 0 : i32
      %dma_start3A_418 = tpu.memref_slice %arg9[%dma_start3A_416, %dma_start3A_417] : memref<10000x128xf32, #tpu.memory_space<vmem_shared>> -> memref<10000x128xf32, #tpu.memory_space<vmem_shared>>
      %dma_start3A_419 = tpu.memref_slice %arg11[%dma_start3A_408] : memref<3x!tpu.dma_semaphore, #tpu.memory_space<semaphore_mem>> -> memref<1x!tpu.dma_semaphore, #tpu.memory_space<semaphore_mem>>
      %dma_start3A_420 = tpu.memref_squeeze %dma_start3A_419 : memref<1x!tpu.dma_semaphore, #tpu.memory_space<semaphore_mem>> -> memref<!tpu.dma_semaphore, #tpu.memory_space<semaphore_mem>>
      tpu.enqueue_indirect_dma source(%dma_start3A_412 : memref<80x128xf32, #tpu.memory_space<vmem>>) target(%dma_start3A_418 : memref<10000x128xf32, #tpu.memory_space<vmem_shared>>) offsets(%dma_start3A_415 : memref<80xi32, #tpu.memory_space<vmem>>) semaphore(%dma_start3A_420 : memref<!tpu.dma_semaphore, #tpu.memory_space<semaphore_mem>>) {add = true}
      %add3A_421 = arith.constant 2 : i32
      %add3A_422 = arith.addi %add3A_389, %add3A_421 : i32
      %lt3A_423 = arith.constant 61 : i32
      %lt3A_424 = arith.cmpi slt, %add3A_422, %lt3A_423 : i32
      %ge3A_425 = arith.constant 1 : i32
      %ge3A_426 = arith.cmpi sge, %add3A_389, %ge3A_425 : i32
      %and3A_427 = arith.andi %lt3A_424, %ge3A_426 : i1
      %convert_element_type3A_428 = arith.extui %and3A_427 : i1 to i32
      %cond3A_429 = arith.constant 0 : i32
      %cond3A_430 = arith.cmpi ne, %convert_element_type3A_428, %cond3A_429 : i32
      scf.if %cond3A_430 {
        %sub3A = arith.constant 1 : i32
        %sub3A_438 = arith.subi %add3A_389, %sub3A : i32
        %dma_wait3A_439 = arith.constant 1 : i32
        %dma_wait3A_440 = arith.constant 1 : i32
        %dma_wait3A_441 = arith.constant 0 : i32
        %dma_wait3A_442 = arith.constant 0 : i32
        %dma_wait3A_443 = tpu.memref_slice %arg8[%dma_wait3A_439, %dma_wait3A_441, %dma_wait3A_442] : memref<3x80x128xf32, #tpu.memory_space<vmem>> -> memref<1x80x128xf32, #tpu.memory_space<vmem>>
        %dma_wait3A_444 = tpu.memref_squeeze %dma_wait3A_443 : memref<1x80x128xf32, #tpu.memory_space<vmem>> -> memref<80x128xf32, #tpu.memory_space<vmem>>
        %dma_wait3A_445 = arith.constant 0 : i32
        %dma_wait3A_446 = tpu.memref_slice %arg7[%sub3A_438, %dma_wait3A_445] : memref<64x80xi32, #tpu.memory_space<vmem>> -> memref<1x80xi32, #tpu.memory_space<vmem>>
        %dma_wait3A_447 = tpu.memref_squeeze %dma_wait3A_446 : memref<1x80xi32, #tpu.memory_space<vmem>> -> memref<80xi32, #tpu.memory_space<vmem>>
        %dma_wait3A_448 = arith.constant 0 : i32
        %dma_wait3A_449 = arith.constant 0 : i32
        %dma_wait3A_450 = tpu.memref_slice %arg9[%dma_wait3A_448, %dma_wait3A_449] : memref<10000x128xf32, #tpu.memory_space<vmem_shared>> -> memref<10000x128xf32, #tpu.memory_space<vmem_shared>>
        %dma_wait3A_451 = tpu.memref_slice %arg11[%dma_wait3A_440] : memref<3x!tpu.dma_semaphore, #tpu.memory_space<semaphore_mem>> -> memref<1x!tpu.dma_semaphore, #tpu.memory_space<semaphore_mem>>
        %dma_wait3A_452 = tpu.memref_squeeze %dma_wait3A_451 : memref<1x!tpu.dma_semaphore, #tpu.memory_space<semaphore_mem>> -> memref<!tpu.dma_semaphore, #tpu.memory_space<semaphore_mem>>
        tpu.wait_indirect_dma semaphore(%dma_wait3A_452 : memref<!tpu.dma_semaphore, #tpu.memory_space<semaphore_mem>>) src(%dma_wait3A_444 : memref<80x128xf32, #tpu.memory_space<vmem>>) dst(%dma_wait3A_450 : memref<10000x128xf32, #tpu.memory_space<vmem_shared>>)
      } else {
      }
      %add3A_431 = arith.constant 2 : i32
      %add3A_432 = arith.addi %add3A_389, %add3A_431 : i32
      %lt3A_433 = arith.constant 61 : i32
      %lt3A_434 = arith.cmpi slt, %add3A_432, %lt3A_433 : i32
      %convert_element_type3A_435 = arith.extui %lt3A_434 : i1 to i32
      %cond3A_436 = arith.constant 0 : i32
      %cond3A_437 = arith.cmpi ne, %convert_element_type3A_435, %cond3A_436 : i32
      scf.if %cond3A_437 {
        %add3A_438 = arith.constant 64 : i32
        %add3A_439 = arith.addi %add3A_438, %add3A_389 : i32
        %add3A_440 = arith.constant 2 : i32
        %add3A_441 = arith.addi %add3A_439, %add3A_440 : i32
        %mul3A_442 = arith.constant 80 : i32
        %mul3A_443 = arith.muli %add3A_441, %mul3A_442 : i32
        %multiple_of3A_444 = tpu.assume_multiple %mul3A_443, 80 : i32
        %dma_start3A_445 = arith.constant 1 : i32
        %dma_start3A_446 = arith.constant 1 : i32
        %dma_start3A_447 = arith.constant 0 : i32
        %dma_start3A_448 = arith.constant 0 : i32
        %dma_start3A_449 = tpu.memref_slice %arg8[%dma_start3A_445, %dma_start3A_447, %dma_start3A_448] : memref<3x80x128xf32, #tpu.memory_space<vmem>> -> memref<1x80x128xf32, #tpu.memory_space<vmem>>
        %dma_start3A_450 = tpu.memref_squeeze %dma_start3A_449 : memref<1x80x128xf32, #tpu.memory_space<vmem>> -> memref<80x128xf32, #tpu.memory_space<vmem>>
        %dma_start3A_451 = tpu.memref_slice %arg6[%multiple_of3A_444] : memref<10000xi32, #tpu.memory_space<vmem>> -> memref<80xi32, #tpu.memory_space<vmem>>
        %dma_start3A_452 = arith.constant 0 : i32
        %dma_start3A_453 = arith.constant 0 : i32
        %dma_start3A_454 = tpu.memref_slice %arg4[%dma_start3A_452, %dma_start3A_453] : memref<10000x128xf32, #tpu.memory_space<hbm>> -> memref<10000x128xf32, #tpu.memory_space<hbm>>
        %dma_start3A_455 = tpu.memref_slice %arg10[%dma_start3A_446] : memref<3x!tpu.dma_semaphore, #tpu.memory_space<semaphore_mem>> -> memref<1x!tpu.dma_semaphore, #tpu.memory_space<semaphore_mem>>
        %dma_start3A_456 = tpu.memref_squeeze %dma_start3A_455 : memref<1x!tpu.dma_semaphore, #tpu.memory_space<semaphore_mem>> -> memref<!tpu.dma_semaphore, #tpu.memory_space<semaphore_mem>>
        tpu.enqueue_indirect_dma source(%dma_start3A_454 : memref<10000x128xf32, #tpu.memory_space<hbm>>) target(%dma_start3A_450 : memref<80x128xf32, #tpu.memory_space<vmem>>) offsets(%dma_start3A_451 : memref<80xi32, #tpu.memory_space<vmem>>) semaphore(%dma_start3A_456 : memref<!tpu.dma_semaphore, #tpu.memory_space<semaphore_mem>>)
      } else {
      }
    }
    %scan3A_196 = arith.constant 20 : i32
    %multiple_of3A_197 = arith.constant 9920 : i32
    %multiple_of3A_198 = tpu.assume_multiple %multiple_of3A_197, 80 : i32
    %dma_wait3A_199 = arith.constant 0 : i32
    %dma_wait3A_200 = arith.constant 0 : i32
    %dma_wait3A_201 = arith.constant 0 : i32
    %dma_wait3A_202 = arith.constant 0 : i32
    %dma_wait3A_203 = tpu.memref_slice %arg8[%dma_wait3A_199, %dma_wait3A_201, %dma_wait3A_202] : memref<3x80x128xf32, #tpu.memory_space<vmem>> -> memref<1x80x128xf32, #tpu.memory_space<vmem>>
    %dma_wait3A_204 = tpu.memref_squeeze %dma_wait3A_203 : memref<1x80x128xf32, #tpu.memory_space<vmem>> -> memref<80x128xf32, #tpu.memory_space<vmem>>
    %dma_wait3A_205 = tpu.memref_slice %arg6[%multiple_of3A_198] : memref<10000xi32, #tpu.memory_space<vmem>> -> memref<80xi32, #tpu.memory_space<vmem>>
    %dma_wait3A_206 = arith.constant 0 : i32
    %dma_wait3A_207 = arith.constant 0 : i32
    %dma_wait3A_208 = tpu.memref_slice %arg4[%dma_wait3A_206, %dma_wait3A_207] : memref<10000x128xf32, #tpu.memory_space<hbm>> -> memref<10000x128xf32, #tpu.memory_space<hbm>>
    %dma_wait3A_209 = tpu.memref_slice %arg10[%dma_wait3A_200] : memref<3x!tpu.dma_semaphore, #tpu.memory_space<semaphore_mem>> -> memref<1x!tpu.dma_semaphore, #tpu.memory_space<semaphore_mem>>
    %dma_wait3A_210 = tpu.memref_squeeze %dma_wait3A_209 : memref<1x!tpu.dma_semaphore, #tpu.memory_space<semaphore_mem>> -> memref<!tpu.dma_semaphore, #tpu.memory_space<semaphore_mem>>
    tpu.wait_indirect_dma semaphore(%dma_wait3A_210 : memref<!tpu.dma_semaphore, #tpu.memory_space<semaphore_mem>>) src(%dma_wait3A_208 : memref<10000x128xf32, #tpu.memory_space<hbm>>) dst(%dma_wait3A_204 : memref<80x128xf32, #tpu.memory_space<vmem>>)
    %dma_start3A_211 = arith.constant 0 : i32
    %dma_start3A_212 = arith.constant 60 : i32
    %dma_start3A_213 = arith.constant 0 : i32
    %dma_start3A_214 = arith.constant 0 : i32
    %dma_start3A_215 = arith.constant 0 : i32
    %dma_start3A_216 = tpu.memref_slice %arg8[%dma_start3A_211, %dma_start3A_214, %dma_start3A_215] : memref<3x80x128xf32, #tpu.memory_space<vmem>> -> memref<1x80x128xf32, #tpu.memory_space<vmem>>
    %dma_start3A_217 = tpu.memref_squeeze %dma_start3A_216 : memref<1x80x128xf32, #tpu.memory_space<vmem>> -> memref<80x128xf32, #tpu.memory_space<vmem>>
    %dma_start3A_218 = arith.constant 0 : i32
    %dma_start3A_219 = tpu.memref_slice %arg7[%dma_start3A_212, %dma_start3A_218] : memref<64x80xi32, #tpu.memory_space<vmem>> -> memref<1x80xi32, #tpu.memory_space<vmem>>
    %dma_start3A_220 = tpu.memref_squeeze %dma_start3A_219 : memref<1x80xi32, #tpu.memory_space<vmem>> -> memref<80xi32, #tpu.memory_space<vmem>>
    %dma_start3A_221 = arith.constant 0 : i32
    %dma_start3A_222 = arith.constant 0 : i32
    %dma_start3A_223 = tpu.memref_slice %arg9[%dma_start3A_221, %dma_start3A_222] : memref<10000x128xf32, #tpu.memory_space<vmem_shared>> -> memref<10000x128xf32, #tpu.memory_space<vmem_shared>>
    %dma_start3A_224 = tpu.memref_slice %arg11[%dma_start3A_213] : memref<3x!tpu.dma_semaphore, #tpu.memory_space<semaphore_mem>> -> memref<1x!tpu.dma_semaphore, #tpu.memory_space<semaphore_mem>>
    %dma_start3A_225 = tpu.memref_squeeze %dma_start3A_224 : memref<1x!tpu.dma_semaphore, #tpu.memory_space<semaphore_mem>> -> memref<!tpu.dma_semaphore, #tpu.memory_space<semaphore_mem>>
    tpu.enqueue_indirect_dma source(%dma_start3A_217 : memref<80x128xf32, #tpu.memory_space<vmem>>) target(%dma_start3A_223 : memref<10000x128xf32, #tpu.memory_space<vmem_shared>>) offsets(%dma_start3A_220 : memref<80xi32, #tpu.memory_space<vmem>>) semaphore(%dma_start3A_225 : memref<!tpu.dma_semaphore, #tpu.memory_space<semaphore_mem>>) {add = true}
    %and3A_226 = arith.constant false
    %and3A_227 = arith.constant true
    %and3A_228 = arith.andi %and3A_226, %and3A_227 : i1
    %convert_element_type3A_229 = arith.extui %and3A_228 : i1 to i32
    %cond3A_230 = arith.constant 0 : i32
    %cond3A_231 = arith.cmpi ne, %convert_element_type3A_229, %cond3A_230 : i32
    scf.if %cond3A_231 {
      %dma_wait3A_283 = arith.constant 2 : i32
      %dma_wait3A_284 = arith.constant 59 : i32
      %dma_wait3A_285 = arith.constant 2 : i32
      %dma_wait3A_286 = arith.constant 0 : i32
      %dma_wait3A_287 = arith.constant 0 : i32
      %dma_wait3A_288 = tpu.memref_slice %arg8[%dma_wait3A_283, %dma_wait3A_286, %dma_wait3A_287] : memref<3x80x128xf32, #tpu.memory_space<vmem>> -> memref<1x80x128xf32, #tpu.memory_space<vmem>>
      %dma_wait3A_289 = tpu.memref_squeeze %dma_wait3A_288 : memref<1x80x128xf32, #tpu.memory_space<vmem>> -> memref<80x128xf32, #tpu.memory_space<vmem>>
      %dma_wait3A_290 = arith.constant 0 : i32
      %dma_wait3A_291 = tpu.memref_slice %arg7[%dma_wait3A_284, %dma_wait3A_290] : memref<64x80xi32, #tpu.memory_space<vmem>> -> memref<1x80xi32, #tpu.memory_space<vmem>>
      %dma_wait3A_292 = tpu.memref_squeeze %dma_wait3A_291 : memref<1x80xi32, #tpu.memory_space<vmem>> -> memref<80xi32, #tpu.memory_space<vmem>>
      %dma_wait3A_293 = arith.constant 0 : i32
      %dma_wait3A_294 = arith.constant 0 : i32
      %dma_wait3A_295 = tpu.memref_slice %arg9[%dma_wait3A_293, %dma_wait3A_294] : memref<10000x128xf32, #tpu.memory_space<vmem_shared>> -> memref<10000x128xf32, #tpu.memory_space<vmem_shared>>
      %dma_wait3A_296 = tpu.memref_slice %arg11[%dma_wait3A_285] : memref<3x!tpu.dma_semaphore, #tpu.memory_space<semaphore_mem>> -> memref<1x!tpu.dma_semaphore, #tpu.memory_space<semaphore_mem>>
      %dma_wait3A_297 = tpu.memref_squeeze %dma_wait3A_296 : memref<1x!tpu.dma_semaphore, #tpu.memory_space<semaphore_mem>> -> memref<!tpu.dma_semaphore, #tpu.memory_space<semaphore_mem>>
      tpu.wait_indirect_dma semaphore(%dma_wait3A_297 : memref<!tpu.dma_semaphore, #tpu.memory_space<semaphore_mem>>) src(%dma_wait3A_289 : memref<80x128xf32, #tpu.memory_space<vmem>>) dst(%dma_wait3A_295 : memref<10000x128xf32, #tpu.memory_space<vmem_shared>>)
    } else {
    }
    %dma_wait3A_232 = arith.constant 1 : i32
    %dma_wait3A_233 = arith.constant 58 : i32
    %dma_wait3A_234 = arith.constant 1 : i32
    %dma_wait3A_235 = arith.constant 0 : i32
    %dma_wait3A_236 = arith.constant 0 : i32
    %dma_wait3A_237 = tpu.memref_slice %arg8[%dma_wait3A_232, %dma_wait3A_235, %dma_wait3A_236] : memref<3x80x128xf32, #tpu.memory_space<vmem>> -> memref<1x80x128xf32, #tpu.memory_space<vmem>>
    %dma_wait3A_238 = tpu.memref_squeeze %dma_wait3A_237 : memref<1x80x128xf32, #tpu.memory_space<vmem>> -> memref<80x128xf32, #tpu.memory_space<vmem>>
    %dma_wait3A_239 = arith.constant 0 : i32
    %dma_wait3A_240 = tpu.memref_slice %arg7[%dma_wait3A_233, %dma_wait3A_239] : memref<64x80xi32, #tpu.memory_space<vmem>> -> memref<1x80xi32, #tpu.memory_space<vmem>>
    %dma_wait3A_241 = tpu.memref_squeeze %dma_wait3A_240 : memref<1x80xi32, #tpu.memory_space<vmem>> -> memref<80xi32, #tpu.memory_space<vmem>>
    %dma_wait3A_242 = arith.constant 0 : i32
    %dma_wait3A_243 = arith.constant 0 : i32
    %dma_wait3A_244 = tpu.memref_slice %arg9[%dma_wait3A_242, %dma_wait3A_243] : memref<10000x128xf32, #tpu.memory_space<vmem_shared>> -> memref<10000x128xf32, #tpu.memory_space<vmem_shared>>
    %dma_wait3A_245 = tpu.memref_slice %arg11[%dma_wait3A_234] : memref<3x!tpu.dma_semaphore, #tpu.memory_space<semaphore_mem>> -> memref<1x!tpu.dma_semaphore, #tpu.memory_space<semaphore_mem>>
    %dma_wait3A_246 = tpu.memref_squeeze %dma_wait3A_245 : memref<1x!tpu.dma_semaphore, #tpu.memory_space<semaphore_mem>> -> memref<!tpu.dma_semaphore, #tpu.memory_space<semaphore_mem>>
    tpu.wait_indirect_dma semaphore(%dma_wait3A_246 : memref<!tpu.dma_semaphore, #tpu.memory_space<semaphore_mem>>) src(%dma_wait3A_238 : memref<80x128xf32, #tpu.memory_space<vmem>>) dst(%dma_wait3A_244 : memref<10000x128xf32, #tpu.memory_space<vmem_shared>>)
    %dma_wait3A_247 = arith.constant 2 : i32
    %dma_wait3A_248 = arith.constant 59 : i32
    %dma_wait3A_249 = arith.constant 2 : i32
    %dma_wait3A_250 = arith.constant 0 : i32
    %dma_wait3A_251 = arith.constant 0 : i32
    %dma_wait3A_252 = tpu.memref_slice %arg8[%dma_wait3A_247, %dma_wait3A_250, %dma_wait3A_251] : memref<3x80x128xf32, #tpu.memory_space<vmem>> -> memref<1x80x128xf32, #tpu.memory_space<vmem>>
    %dma_wait3A_253 = tpu.memref_squeeze %dma_wait3A_252 : memref<1x80x128xf32, #tpu.memory_space<vmem>> -> memref<80x128xf32, #tpu.memory_space<vmem>>
    %dma_wait3A_254 = arith.constant 0 : i32
    %dma_wait3A_255 = tpu.memref_slice %arg7[%dma_wait3A_248, %dma_wait3A_254] : memref<64x80xi32, #tpu.memory_space<vmem>> -> memref<1x80xi32, #tpu.memory_space<vmem>>
    %dma_wait3A_256 = tpu.memref_squeeze %dma_wait3A_255 : memref<1x80xi32, #tpu.memory_space<vmem>> -> memref<80xi32, #tpu.memory_space<vmem>>
    %dma_wait3A_257 = arith.constant 0 : i32
    %dma_wait3A_258 = arith.constant 0 : i32
    %dma_wait3A_259 = tpu.memref_slice %arg9[%dma_wait3A_257, %dma_wait3A_258] : memref<10000x128xf32, #tpu.memory_space<vmem_shared>> -> memref<10000x128xf32, #tpu.memory_space<vmem_shared>>
    %dma_wait3A_260 = tpu.memref_slice %arg11[%dma_wait3A_249] : memref<3x!tpu.dma_semaphore, #tpu.memory_space<semaphore_mem>> -> memref<1x!tpu.dma_semaphore, #tpu.memory_space<semaphore_mem>>
    %dma_wait3A_261 = tpu.memref_squeeze %dma_wait3A_260 : memref<1x!tpu.dma_semaphore, #tpu.memory_space<semaphore_mem>> -> memref<!tpu.dma_semaphore, #tpu.memory_space<semaphore_mem>>
    tpu.wait_indirect_dma semaphore(%dma_wait3A_261 : memref<!tpu.dma_semaphore, #tpu.memory_space<semaphore_mem>>) src(%dma_wait3A_253 : memref<80x128xf32, #tpu.memory_space<vmem>>) dst(%dma_wait3A_259 : memref<10000x128xf32, #tpu.memory_space<vmem_shared>>)
    %dma_wait3A_262 = arith.constant 0 : i32
    %dma_wait3A_263 = arith.constant 60 : i32
    %dma_wait3A_264 = arith.constant 0 : i32
    %dma_wait3A_265 = arith.constant 0 : i32
    %dma_wait3A_266 = arith.constant 0 : i32
    %dma_wait3A_267 = tpu.memref_slice %arg8[%dma_wait3A_262, %dma_wait3A_265, %dma_wait3A_266] : memref<3x80x128xf32, #tpu.memory_space<vmem>> -> memref<1x80x128xf32, #tpu.memory_space<vmem>>
    %dma_wait3A_268 = tpu.memref_squeeze %dma_wait3A_267 : memref<1x80x128xf32, #tpu.memory_space<vmem>> -> memref<80x128xf32, #tpu.memory_space<vmem>>
    %dma_wait3A_269 = arith.constant 0 : i32
    %dma_wait3A_270 = tpu.memref_slice %arg7[%dma_wait3A_263, %dma_wait3A_269] : memref<64x80xi32, #tpu.memory_space<vmem>> -> memref<1x80xi32, #tpu.memory_space<vmem>>
    %dma_wait3A_271 = tpu.memref_squeeze %dma_wait3A_270 : memref<1x80xi32, #tpu.memory_space<vmem>> -> memref<80xi32, #tpu.memory_space<vmem>>
    %dma_wait3A_272 = arith.constant 0 : i32
    %dma_wait3A_273 = arith.constant 0 : i32
    %dma_wait3A_274 = tpu.memref_slice %arg9[%dma_wait3A_272, %dma_wait3A_273] : memref<10000x128xf32, #tpu.memory_space<vmem_shared>> -> memref<10000x128xf32, #tpu.memory_space<vmem_shared>>
    %dma_wait3A_275 = tpu.memref_slice %arg11[%dma_wait3A_264] : memref<3x!tpu.dma_semaphore, #tpu.memory_space<semaphore_mem>> -> memref<1x!tpu.dma_semaphore, #tpu.memory_space<semaphore_mem>>
    %dma_wait3A_276 = tpu.memref_squeeze %dma_wait3A_275 : memref<1x!tpu.dma_semaphore, #tpu.memory_space<semaphore_mem>> -> memref<!tpu.dma_semaphore, #tpu.memory_space<semaphore_mem>>
    tpu.wait_indirect_dma semaphore(%dma_wait3A_276 : memref<!tpu.dma_semaphore, #tpu.memory_space<semaphore_mem>>) src(%dma_wait3A_268 : memref<80x128xf32, #tpu.memory_space<vmem>>) dst(%dma_wait3A_274 : memref<10000x128xf32, #tpu.memory_space<vmem_shared>>)
    %barrier3A_277 = arith.constant 0 : index
    tpu.barrier barrier_id(%barrier3A_277)
    "tpu.region"() ({
      %run_scoped3A_283 = tpu.sem_alloc : memref<!tpu.dma_semaphore, #tpu.memory_space<semaphore_mem>>
      %dma_start3A_284 = arith.constant 0 : i32
      %dma_start3A_285 = tpu.memref_slice %arg5[%arg0, %mul3A_8, %dma_start3A_284] : memref<2x10000x128xf32, #tpu.memory_space<hbm>> -> memref<1x624x128xf32, #tpu.memory_space<hbm>>
      %dma_start3A_286 = tpu.memref_squeeze %dma_start3A_285 : memref<1x624x128xf32, #tpu.memory_space<hbm>> -> memref<624x128xf32, #tpu.memory_space<hbm>>
      %dma_start3A_287 = arith.constant 0 : i32
      %dma_start3A_288 = tpu.memref_slice %arg9[%mul3A_8, %dma_start3A_287] : memref<10000x128xf32, #tpu.memory_space<vmem_shared>> -> memref<624x128xf32, #tpu.memory_space<vmem_shared>>
      tpu.enqueue_dma source(%dma_start3A_288 : memref<624x128xf32, #tpu.memory_space<vmem_shared>>) target(%dma_start3A_286 : memref<624x128xf32, #tpu.memory_space<hbm>>) target_semaphore(%run_scoped3A_283 : memref<!tpu.dma_semaphore, #tpu.memory_space<semaphore_mem>>)
      %dma_wait3A_289 = arith.constant 0 : i32
      %dma_wait3A_290 = tpu.memref_slice %arg5[%arg0, %mul3A_8, %dma_wait3A_289] : memref<2x10000x128xf32, #tpu.memory_space<hbm>> -> memref<1x624x128xf32, #tpu.memory_space<hbm>>
      %dma_wait3A_291 = tpu.memref_squeeze %dma_wait3A_290 : memref<1x624x128xf32, #tpu.memory_space<hbm>> -> memref<624x128xf32, #tpu.memory_space<hbm>>
      %dma_wait3A_292 = arith.constant 0 : i32
      %dma_wait3A_293 = tpu.memref_slice %arg9[%mul3A_8, %dma_wait3A_292] : memref<10000x128xf32, #tpu.memory_space<vmem_shared>> -> memref<624x128xf32, #tpu.memory_space<vmem_shared>>
      tpu.wait_dma2 semaphore(%run_scoped3A_283 : memref<!tpu.dma_semaphore, #tpu.memory_space<semaphore_mem>>) src(%dma_wait3A_293 : memref<624x128xf32, #tpu.memory_space<vmem_shared>>) dst(%dma_wait3A_291 : memref<624x128xf32, #tpu.memory_space<hbm>>)
      tpu.yield
    }) : () -> ()
    %eq3A_278 = arith.constant 0 : i32
    %eq3A_279 = arith.cmpi eq, %arg1, %eq3A_278 : i32
    %convert_element_type3A_280 = arith.extui %eq3A_279 : i1 to i32
    %cond3A_281 = arith.constant 0 : i32
    %cond3A_282 = arith.cmpi ne, %convert_element_type3A_280, %cond3A_281 : i32
    scf.if %cond3A_282 {
      "tpu.region"() ({
        %run_scoped3A_283 = tpu.sem_alloc : memref<!tpu.dma_semaphore, #tpu.memory_space<semaphore_mem>>
        %dma_start3A_284 = arith.constant 9984 : i32
        %dma_start3A_285 = arith.constant 0 : i32
        %dma_start3A_286 = tpu.memref_slice %arg5[%arg0, %dma_start3A_284, %dma_start3A_285] : memref<2x10000x128xf32, #tpu.memory_space<hbm>> -> memref<1x16x128xf32, #tpu.memory_space<hbm>>
        %dma_start3A_287 = tpu.memref_squeeze %dma_start3A_286 : memref<1x16x128xf32, #tpu.memory_space<hbm>> -> memref<16x128xf32, #tpu.memory_space<hbm>>
        %dma_start3A_288 = arith.constant 9984 : i32
        %dma_start3A_289 = arith.constant 0 : i32
        %dma_start3A_290 = tpu.memref_slice %arg9[%dma_start3A_288, %dma_start3A_289] : memref<10000x128xf32, #tpu.memory_space<vmem_shared>> -> memref<16x128xf32, #tpu.memory_space<vmem_shared>>
        tpu.enqueue_dma source(%dma_start3A_290 : memref<16x128xf32, #tpu.memory_space<vmem_shared>>) target(%dma_start3A_287 : memref<16x128xf32, #tpu.memory_space<hbm>>) target_semaphore(%run_scoped3A_283 : memref<!tpu.dma_semaphore, #tpu.memory_space<semaphore_mem>>)
        %dma_wait3A_291 = arith.constant 9984 : i32
        %dma_wait3A_292 = arith.constant 0 : i32
        %dma_wait3A_293 = tpu.memref_slice %arg5[%arg0, %dma_wait3A_291, %dma_wait3A_292] : memref<2x10000x128xf32, #tpu.memory_space<hbm>> -> memref<1x16x128xf32, #tpu.memory_space<hbm>>
        %dma_wait3A_294 = tpu.memref_squeeze %dma_wait3A_293 : memref<1x16x128xf32, #tpu.memory_space<hbm>> -> memref<16x128xf32, #tpu.memory_space<hbm>>
        %dma_wait3A_295 = arith.constant 9984 : i32
        %dma_wait3A_296 = arith.constant 0 : i32
        %dma_wait3A_297 = tpu.memref_slice %arg9[%dma_wait3A_295, %dma_wait3A_296] : memref<10000x128xf32, #tpu.memory_space<vmem_shared>> -> memref<16x128xf32, #tpu.memory_space<vmem_shared>>
        tpu.wait_dma2 semaphore(%run_scoped3A_283 : memref<!tpu.dma_semaphore, #tpu.memory_space<semaphore_mem>>) src(%dma_wait3A_297 : memref<16x128xf32, #tpu.memory_space<vmem_shared>>) dst(%dma_wait3A_294 : memref<16x128xf32, #tpu.memory_space<hbm>>)
        tpu.yield
      }) : () -> ()
    } else {
    }
    return
  }
}

module attributes {stable_mosaic.version = 14 : i64} {
  func.func @_ep_body(%arg0: memref<2x10000x128xf32, #tpu.memory_space<vmem>>, %arg1: memref<2x2x1x10240xf32, #tpu.memory_space<vmem>>, %arg2: memref<1x128xf32, #tpu.memory_space<vmem>>, %arg3: memref<10000x128xf32, #tpu.memory_space<vmem>>) attributes {dimension_semantics = [], scalar_prefetch = 0 : i64, scratch_operands = 0 : i64, tpu.core_type = #tpu.core_type<tc>} {
    %get3A = arith.constant 0 : index
    %get3A_0 = arith.constant 0 : index
    %get3A_1 = arith.constant 0 : index
    %get3A_2 = vector.load %arg0[%get3A, %get3A_0, %get3A_1] : memref<2x10000x128xf32, #tpu.memory_space<vmem>>, vector<1x10000x128xf32>
    %get3A_3 = vector.shape_cast %get3A_2 : vector<1x10000x128xf32> to vector<10000x128xf32>
    %get3A_4 = arith.constant 1 : index
    %get3A_5 = arith.constant 0 : index
    %get3A_6 = arith.constant 0 : index
    %get3A_7 = vector.load %arg0[%get3A_4, %get3A_5, %get3A_6] : memref<2x10000x128xf32, #tpu.memory_space<vmem>>, vector<1x10000x128xf32>
    %get3A_8 = vector.shape_cast %get3A_7 : vector<1x10000x128xf32> to vector<10000x128xf32>
    %add3A = arith.addf %get3A_3, %get3A_8 : vector<10000x128xf32>
    %get3A_9 = arith.constant 0 : index
    %get3A_10 = arith.constant 1 : index
    %get3A_11 = arith.constant 0 : index
    %get3A_12 = arith.constant 0 : index
    %get3A_13 = vector.load %arg1[%get3A_9, %get3A_10, %get3A_11, %get3A_12] : memref<2x2x1x10240xf32, #tpu.memory_space<vmem>>, vector<1x1x1x10240xf32>
    %get3A_14 = vector.shape_cast %get3A_13 : vector<1x1x1x10240xf32> to vector<10240xf32>
    %get3A_15 = arith.constant 1 : index
    %get3A_16 = arith.constant 1 : index
    %get3A_17 = arith.constant 0 : index
    %get3A_18 = arith.constant 0 : index
    %get3A_19 = vector.load %arg1[%get3A_15, %get3A_16, %get3A_17, %get3A_18] : memref<2x2x1x10240xf32, #tpu.memory_space<vmem>>, vector<1x1x1x10240xf32>
    %get3A_20 = vector.shape_cast %get3A_19 : vector<1x1x1x10240xf32> to vector<10240xf32>
    %add3A_21 = arith.addf %get3A_14, %get3A_20 : vector<10240xf32>
    %slice3A = vector.extract_strided_slice %add3A_21 {offsets = [0], sizes = [10000], strides = [1]} : vector<10240xf32> to vector<10000xf32>
    %max3A = arith.constant 1.000000e+00 : f32
    %max3A_22 = vector.broadcast %max3A : f32 to vector<10000xf32>
    %max3A_23 = arith.maximumf %slice3A, %max3A_22 : vector<10000xf32>
    %rsqrt3A = math.rsqrt %max3A_23 : vector<10000xf32>
    %broadcast_in_dim3A = vector.shape_cast %rsqrt3A : vector<10000xf32> to vector<10000x1xf32>
    %mul3A = vector.broadcast %broadcast_in_dim3A : vector<10000x1xf32> to vector<10000x128xf32>
    %mul3A_24 = arith.mulf %add3A, %mul3A : vector<10000x128xf32>
    %get3A_25 = arith.constant 0 : index
    %get3A_26 = arith.constant 0 : index
    %get3A_27 = vector.load %arg2[%get3A_25, %get3A_26] : memref<1x128xf32, #tpu.memory_space<vmem>>, vector<1x128xf32>
    %add3A_28 = vector.broadcast %get3A_27 : vector<1x128xf32> to vector<10000x128xf32>
    %add3A_29 = arith.addf %mul3A_24, %add3A_28 : vector<10000x128xf32>
    %max3A_30 = arith.constant 0.000000e+00 : f32
    %max3A_31 = vector.broadcast %max3A_30 : f32 to vector<10000x128xf32>
    %max3A_32 = arith.maximumf %add3A_29, %max3A_31 : vector<10000x128xf32>
    %swap3A = arith.constant 0 : index
    %swap3A_33 = arith.constant 0 : index
    %swap3A_34 = vector.load %arg3[%swap3A, %swap3A_33] : memref<10000x128xf32, #tpu.memory_space<vmem>>, vector<10000x128xf32>
    tpu.vector_store %arg3[%swap3A, %swap3A_33], %max3A_32 {strides = array<i32>} : memref<10000x128xf32, #tpu.memory_space<vmem>>, vector<10000x128xf32>,
    return
  }
}

module attributes {stable_mosaic.version = 14 : i64} {
  func.func @_mm_body(%arg0: memref<10000x128xf32, #tpu.memory_space<vmem>>, %arg1: memref<128x128xf32, #tpu.memory_space<vmem>>, %arg2: memref<2x2x1x10240xf32, #tpu.memory_space<vmem>>, %arg3: memref<10000x128xf32, #tpu.memory_space<vmem>>) attributes {dimension_semantics = [], scalar_prefetch = 0 : i64, scratch_operands = 0 : i64, tpu.core_type = #tpu.core_type<tc>} {
    %get3A = arith.constant 0 : index
    %get3A_0 = arith.constant 0 : index
    %get3A_1 = arith.constant 0 : index
    %get3A_2 = arith.constant 0 : index
    %get3A_3 = vector.load %arg2[%get3A, %get3A_0, %get3A_1, %get3A_2] : memref<2x2x1x10240xf32, #tpu.memory_space<vmem>>, vector<1x1x1x10240xf32>
    %get3A_4 = vector.shape_cast %get3A_3 : vector<1x1x1x10240xf32> to vector<10240xf32>
    %get3A_5 = arith.constant 1 : index
    %get3A_6 = arith.constant 0 : index
    %get3A_7 = arith.constant 0 : index
    %get3A_8 = arith.constant 0 : index
    %get3A_9 = vector.load %arg2[%get3A_5, %get3A_6, %get3A_7, %get3A_8] : memref<2x2x1x10240xf32, #tpu.memory_space<vmem>>, vector<1x1x1x10240xf32>
    %get3A_10 = vector.shape_cast %get3A_9 : vector<1x1x1x10240xf32> to vector<10240xf32>
    %add3A = arith.addf %get3A_4, %get3A_10 : vector<10240xf32>
    %slice3A = vector.extract_strided_slice %add3A {offsets = [0], sizes = [10000], strides = [1]} : vector<10240xf32> to vector<10000xf32>
    %max3A = arith.constant 1.000000e+00 : f32
    %max3A_11 = vector.broadcast %max3A : f32 to vector<10000xf32>
    %max3A_12 = arith.maximumf %slice3A, %max3A_11 : vector<10000xf32>
    %rsqrt3A = math.rsqrt %max3A_12 : vector<10000xf32>
    %get3A_13 = arith.constant 0 : index
    %get3A_14 = arith.constant 0 : index
    %get3A_15 = vector.load %arg0[%get3A_13, %get3A_14] : memref<10000x128xf32, #tpu.memory_space<vmem>>, vector<10000x128xf32>
    %get3A_16 = arith.constant 0 : index
    %get3A_17 = arith.constant 0 : index
    %get3A_18 = vector.load %arg1[%get3A_16, %get3A_17] : memref<128x128xf32, #tpu.memory_space<vmem>>, vector<128x128xf32>
    %dot_general3A = arith.constant dense<0.000000e+00> : vector<10000x128xf32>
    %dot_general3A_19 = tpu.matmul %get3A_15, %get3A_18, %dot_general3A {dimension_numbers = #tpu.dot_dimension_numbers<[1], [0], [0], [1], [0, 0, 1, 1], [], []>, transpose_lhs_hint = false} : vector<10000x128xf32>, vector<128x128xf32>, vector<10000x128xf32> -> vector<10000x128xf32>
    %broadcast_in_dim3A = vector.shape_cast %rsqrt3A : vector<10000xf32> to vector<10000x1xf32>
    %mul3A = vector.broadcast %broadcast_in_dim3A : vector<10000x1xf32> to vector<10000x128xf32>
    %mul3A_20 = arith.mulf %dot_general3A_19, %mul3A : vector<10000x128xf32>
    %swap3A = arith.constant 0 : index
    %swap3A_21 = arith.constant 0 : index
    %swap3A_22 = vector.load %arg3[%swap3A, %swap3A_21] : memref<10000x128xf32, #tpu.memory_space<vmem>>, vector<10000x128xf32>
    tpu.vector_store %arg3[%swap3A, %swap3A_21], %mul3A_20 {strides = array<i32>} : memref<10000x128xf32, #tpu.memory_space<vmem>>, vector<10000x128xf32>,
    return
  }
}

</mosaic_0001>

<sc_bundles>
// kernel: kernel.6.cloned.1.call-start
scs
__scs_entry_jumppad:
0x0: {  	(pc) =	sbr.rel $0x88, $3  }
0x1: {  	(tag) =	ssettag $0x0;
	lr =	simm.s32 $0x1  }
0x2: {  	[smem:$0x3F9D] =	sst lr;
	_ =	strace $0xD0000000  }
0x3: {  	_ = 	snop  }
0x4: {  	_ = 	snop  }
0x5: {  	_ = 	snop  }
0x6: {  	_ = 	snop  }
0x7: {  	_ = 	snop  }
__scs_overlays_trampoline_lowered:
0x8: {  	[smem:$0x3FAC] =	sst s0  }
0x9: {  	[smem:$0x3FAD] =	sst s1  }
0xa: {  	[smem:$0x3FAE] =	sst s2  }
0xb: {  	[smem:$0x3FAF] =	sst s3  }
0xc: {  	[smem:$0x3FB0] =	sst s4  }
0xd: {  	[smem:$0x3FB1] =	sst s5  }
0xe: {  	[smem:$0x3FB2] =	sst s6  }
0xf: {  	[smem:$0x3FB3] =	sst s7  }
0x10: {  	[smem:$0x3FB4] =	sst s8  }
0x11: {  	[smem:$0x3FB5] =	sst s9;
	s0 =	simm.s32 @!p0 $0x0  }
0x12: {  	s1 =	sld [smem:$0x3F9B];
	s0 =	simm.s32 @p0 $0x1  }
0x13: {  	[smem:$0x3FB6] =	sst s0;
	s0 =	simm.s32 @!p1 $0x0  }
0x14: {  	s2 =	sld [smem:$0x3F9A];
	s0 =	simm.s32 @p1 $0x1  }
0x15: {  	[smem:$0x3FB7] =	sst s0;
	s0 =	simm.s32 @!p2 $0x0  }
0x16: {  	s3 =	sld [smem:$0x3FDB];
	s0 =	simm.s32 @p2 $0x1  }
0x17: {  	s4 =	simm.s32 $0x1BF5;
	[smem:$0x3FB9] =	sst s0  }
0x18: {  	s0 =	sld [smem:$0x3F9C];
	_ =	swait.ge [sflag:s4], $0x0  }
0x19: {  	s7 =	sld [smem:$0x3F9D]  }
0x1a: {  	s8 =	sadd.s32 $0xFFFFE003, lr  }
0x1b: {  	s9 =	sadd.s32 $0xFFFFFEF7, lr;
	s5 =	simm.s32 $0xFFFFFFFF;
	p2 =	slt.u32 s8, $0xFFFFF086  }
0x1c: {  	p1 =	slt.u32 s9, $0xF7A;
	s5 =	simm.s32 @!p2 $0x0  }
0x1d: {  	s5 =	simm.s32 @p1 $0x1;
	p0 =	seq.s32 s7, s2  }
0x1e: {  	s7 =	smul.u32 @!p0 $0xF7A, s2;
	p2 =	seq.s32 @!p0 s5, $0x0  }
0x1f: {  	s9 =	smul.u32 $0xF7A, s1;
	s8 =	simm.s32 @!p0 $0x1BF5;
	p2 =	por !p2, p0  }
0x20: {  	[sflag:s8] =	ssyncset.s32 @!p0 $0xFFFFF086;
	s6 =	sadd.s32 @!p0 s3, s7;
	s7 =	simm.s32 @!p0 $0x108  }
0x21: {  	s3 =	sadd.s32 s3, s9;
	s6 =	sadd.s32 @!p0 $0x88, s6;
	s7 =	simm.s32 @p2 $0x1082  }
0x22: {  	[simem:s7], [sflag:s8] =	dma.local @!p0 [hbm:s6], $0xF7A  }
0x23: {  	s9 =	sor.u32 $0xD0000000, s2;
	s6 =	simm.s32 $0x108;
	_ =	swait.ge @!p0 [sflag:s8], $0x0  }
0x24: {  	s3 =	sadd.s32 $0x88, s3;
	s6 =	simm.s32 @!p1 $0x1082;
	[sflag:s4] =	ssyncset.s32 $0xFFFFF086  }
0x25: {  	[simem:s6], [sflag:s4] =	dma.local [hbm:s3], $0xF7A  }
0x26: {  	[smem:$0x3F9D] =	sst s1;
	(tag) =	ssettag s2;
	_ =	strace s9  }
0x27: {  	s1 =	sld [smem:$0x3FAD]  }
0x28: {  	s2 =	sld [smem:$0x3FAE]  }
0x29: {  	s4 =	sld [smem:$0x3FB0]  }
0x2a: {  	p0 =	seq.s32 s5, $0x0;
	s5 =	sld [smem:$0x3FB1]  }
0x2b: {  	s6 =	sld [smem:$0x3FB2]  }
0x2c: {  	s7 =	sld [smem:$0x3FB3]  }
0x2d: {  	s3 =	simm.s32 $0x108;
	s8 =	sld [smem:$0x3FB4]  }
0x2e: {  	s3 =	simm.s32 @!p0 $0x1082;
	s9 =	sld [smem:$0x3FB5]  }
0x2f: {  	lr =	sadd.s32 s0, s3;
	s0 =	sld [smem:$0x3FAC]  }
0x30: {  	s3 =	sld [smem:$0x3FAF]  }
0x31: {  	[smem:$0x3FB8] =	sst s10  }
0x32: {  	s10 =	sld [smem:$0x3FB6];
	_ =	sdelay $0x3  }
0x33: {  	p0 =	seq.s32 s10, $0x1;
	s10 =	sld [smem:$0x3FB8];
	_ =	sdelay $0x3  }
0x34: {  	[smem:$0x3FB8] =	sst s10  }
0x35: {  	s10 =	sld [smem:$0x3FB7];
	_ =	sdelay $0x3  }
0x36: {  	p1 =	seq.s32 s10, $0x1;
	s10 =	sld [smem:$0x3FB8];
	_ =	sdelay $0x3  }
0x37: {  	[smem:$0x3FB8] =	sst s10  }
0x38: {  	s10 =	sld [smem:$0x3FB9]  }
0x39: {  	_ = 	snop;
	(pc) =	sbr.ind lr, $3  }
0x3a: {  	_ = 	snop  }
0x3b: {  	_ = 	snop  }
0x3c: {  	p2 =	seq.s32 s10, $0x1;
	s10 =	sld [smem:$0x3FB8]  }
0x3d: {  	_ =	shalt  }
0x3e: {  	_ =	shalt  }
0x3f: {  	_ =	shalt  }
0x40: {  	_ =	shalt  }
0x41: {  	_ =	shalt  }
0x42: {  	_ =	shalt  }
0x43: {  	_ =	shalt  }
0x44: {  	_ =	shalt  }
0x45: {  	_ =	shalt  }
0x46: {  	_ =	shalt  }
0x47: {  	_ =	shalt  }
0x48: {  	_ =	shalt  }
0x49: {  	_ =	shalt  }
0x4a: {  	_ =	shalt  }
0x4b: {  	_ =	shalt  }
0x4c: {  	_ =	shalt  }
0x4d: {  	_ =	shalt  }
0x4e: {  	_ =	shalt  }
0x4f: {  	_ =	shalt  }
0x50: {  	_ =	shalt  }
0x51: {  	_ =	shalt  }
0x52: {  	_ =	shalt  }
0x53: {  	_ =	shalt  }
0x54: {  	_ =	shalt  }
0x55: {  	_ =	shalt  }
0x56: {  	_ =	shalt  }
0x57: {  	_ =	shalt  }
0x58: {  	_ =	shalt  }
0x59: {  	_ =	shalt  }
0x5a: {  	_ =	shalt  }
0x5b: {  	_ =	shalt  }
0x5c: {  	_ =	shalt  }
0x5d: {  	_ =	shalt  }
0x5e: {  	_ =	shalt  }
0x5f: {  	_ =	shalt  }
0x60: {  	_ =	shalt  }
0x61: {  	_ =	shalt  }
0x62: {  	_ =	shalt  }
0x63: {  	_ =	shalt  }
0x64: {  	_ =	shalt  }
0x65: {  	_ =	shalt  }
0x66: {  	_ =	shalt  }
0x67: {  	_ =	shalt  }
0x68: {  	_ =	shalt  }
0x69: {  	_ =	shalt  }
0x6a: {  	_ =	shalt  }
0x6b: {  	_ =	shalt  }
0x6c: {  	_ =	shalt  }
0x6d: {  	_ =	shalt  }
0x6e: {  	_ =	shalt  }
0x6f: {  	_ =	shalt  }
0x70: {  	_ =	shalt  }
0x71: {  	_ =	shalt  }
0x72: {  	_ =	shalt  }
0x73: {  	_ =	shalt  }
0x74: {  	_ =	shalt  }
0x75: {  	_ =	shalt  }
0x76: {  	_ =	shalt  }
0x77: {  	_ =	shalt  }
0x78: {  	_ =	shalt  }
0x79: {  	_ =	shalt  }
0x7a: {  	_ =	shalt  }
0x7b: {  	_ =	shalt  }
0x7c: {  	_ =	shalt  }
0x7d: {  	_ =	shalt  }
0x7e: {  	_ =	shalt  }
0x7f: {  	_ =	shalt  }
0x80: {  	_ =	shalt  }
0x81: {  	_ =	shalt  }
0x82: {  	_ =	shalt  }
0x83: {  	_ =	shalt  }
0x84: {  	_ =	shalt  }
0x85: {  	_ =	shalt  }
0x86: {  	_ =	shalt  }
0x87: {  	_ =	shalt  }
.Lfunc_end0:
.L_simem_size_0:
called_computation_lowered:
.L_overlay_start_0:
0x88: {  	s2 =	sld [smem:$0x3FD9]  }
0x89: {  	s3 =	sld [smem:$0x3FFE];
	_ =	sdelay $0x1  }
0x8a: {  	s1 =	srdreg.scid  }
0x8b: {  	s0 =	sand.u32 $0x1, s1  }
0x8c: {  	s17 =	sshll.u32 s0, $0xA;
	s2 =	sadd.s32 s3, s2  }
0x8d: {  	s2 =	sadd.s32 s2, s17  }
0x8e: {  	[smem:$0x3FC4] =	sst s2  }
0x8f: {  	_ = 	snop  }
0x90: {  	s2 =	sld [smem:$0x3FD0];
	(tm) =	ssettm $0x1  }
0x91: {  	s18 =	sld [smem:$0x3FFB];
	_ =	sdelay $0x3  }
0x92: {  	_ =	strace s18  }
0x93: {  	s3 =	sld [smem:$0x3FFC];
	_ =	sdelay $0x3  }
0x94: {  	_ =	strace s3  }
0x95: {  	s3 =	sld [smem:$0x3FFD];
	_ =	sdelay $0x3  }
0x96: {  	_ =	strace s3  }
0x97: {  	_ =	strace $0x8FFFFFFF  }
0x98: {  	s19 =	sld [smem:$0x3FDB];
	_ =	sdelay $0x1  }
0x99: {  	s4 =	simm.s32 $_scs_section_size  }
0x9a: {  	s5 =	simm.s32 $_size__tile_overlayer_lowered;
	s6 =	simm.s32 $_tile_overlayer_lowered  }
0x9b: {  	s22 =	simm.s32 $0x1BFF;
	s21 =	sshll.u32 s6, $0x1;
	s3 =	sadd.s32 s4, s19  }
0x9c: {  	s7 =	simm.s32 $0x0;
	s20 =	sshll.u32 s5, $0x1;
	s5 =	sadd.s32 s21, s3  }
0x9d: {  	[timem:s7], [sflag:s22] =	dma.local [hbm:s5], s20  }
0x9e: {  	_ =	swait.ge [sflag:s22], s20  }
0x9f: {  	s4 =	ssub.s32 $0x0, s20;
	[sflag:s22] =	ssyncset.done $0x0  }
0xa0: {  	[sflag:s22] =	ssyncadd.s32 s4;
	_ =	sdelay $0x1  }
0xa1: {  	s23 =	simm.s32 $0x1B8B  }
0xa2: {  	_ =	swait.ge [sflag:s23], $0x1  }
0xa3: {  	[sflag:s23] =	ssyncset.done $0x0  }
0xa4: {  	s25 =	simm.s32 $0x1B8E;
	s24 =	sld [smem:$0x3FFE];
	[sflag:s23] =	ssyncadd.s32 $0xFFFFFFFF  }
0xa5: {  	s26 =	simm.s32 $execute0_lowered;
	[smem:$0x3FD2] =	sst s25  }
0xa6: {  	s5 =	sshll.u32 s26, $0x1;
	_ =	strace $0x80000046;
	[dreg:$0x1] =	wrdreg $0xFFFFFFFF  }
0xa7: {  	s28 =	simm.s32 $_size_execute0_lowered;
	s3 =	sadd.s32 s3, s5;
	[dreg:$0x0] =	wrdreg $0x0  }
0xa8: {  	s5 =	sshll.u32 s28, $0x1;
	[dreg:$0x2] =	wrdreg s3  }
0xa9: {  	[dreg:$0x3] =	wrdreg s5  }
0xaa: {  	[dreg:$0x4] =	wrdreg $0xC0  }
0xab: {  	_ =	task [dreg:s7], $0x5FFFF  }
0xac: {  	[dreg:$0x1] =	wrdreg $0xFFFFFFFF  }
0xad: {  	[dreg:$0x0] =	wrdreg $0x60  }
0xae: {  	[dreg:$0x2] =	wrdreg s24  }
0xaf: {  	[dreg:$0x3] =	wrdreg s2  }
0xb0: {  	[dreg:$0x4] =	wrdreg $0x83000  }
0xb1: {  	[dreg:$0x5] =	wrdreg $0x85800  }
0xb2: {  	[dreg:$0x6] =	wrdreg $0x9  }
0xb3: {  	_ =	task.clear_ibuf [dreg:s7], $0x7FFFF;
	_ =	strace $0x90000046  }
0xb4: {  	s29 =	simm.s32 $0x9;
	_ =	strace $0x80000048  }
0xb5: {  	_ =	swait.ge [sflag:s29], $0x1  }
0xb6: {  	[sflag:s29] =	ssyncadd.s32 $0xFFFFFFFF  }
0xb7: {  	_ =	strace $0x90000048  }
0xb8: {  	_ =	sfence  }
0xb9: {  	s30 =	sld [smem:$0x0];
	_ =	sdelay $0x2  }
0xba: {  	s31 =	sshll.u32 s1, $0xD;
	s1 =	sshrl.u32 s1, $0x2  }
0xbb: {  	s3 =	sand.u32 $0x4000, s31;
	s1 =	sadd.s32 s1, s30  }
0xbc: {  	s0 =	sor.u32 s3, s0;
	s1 =	sshll.u32 s1, $0x11  }
0xbd: {  	s0 =	sor.u32 s1, s0  }
0xbe: {  	s0 =	sadd.s32 $0x8F2B, s0  }
0xbf: {  	[sflag:s0] =	ssyncadd.remote.s32 $0x1  }
0xc0: {  	_ =	sfence.sel $0xFFFF  }
0xc1: {  	[dreg:$0x0] =	wrdreg $0xFFFFFFFF;
	(pc) =	sbr.abs _section_cstart, $3  }
0xc2: {  	[dreg:$0x1] =	wrdreg $0xFFFFFFFF  }
0xc3: {  	_ =	task.clear_ibuf [dreg:s7], $0x2FFFF;
	_ =	strace $0x9FFFFFFF  }
0xc4: {  	(tm) =	ssettm $0x7FFFFFFF  }
0xc5: {  	_ =	shalt  }
tec
execute0_lowered:
.L_overlay_start_1:
0x0: {  	(tag) =	ssettag $0x1  }
0x1: {  	s4 =	rddreg [dreg:$0x0]  }
0x2: {  	s6 =	rddreg [dreg:$0x1]  }
0x3: {  	s1 =	rddreg [dreg:$0x2]  }
0x4: {  	s2 =	rddreg [dreg:$0x3]  }
0x5: {  	s0 =	rddreg [dreg:$0x4];
	s3 =	simm.s32 $0x0  }
0x6: {  	s5 =	srdreg.scid;
	s22 =	stileid.u32;
	s13 =	simm.s32 $0x4000  }
0x7: {  	s14 =	simm.s32 $0x50;
	s15 =	simm.s32 $0x8000;
	s16 =	simm.s32 $0x80  }
0x8: {  	s17 =	simm.s32 $0x4080;
	s18 =	simm.s32 $0x1;
	s19 =	simm.s32 $0x2  }
0x9: {  	s20 =	simm.s32 $0x3;
	s21 =	simm.s32 $0x4;
	s23 =	simm.s32 $0x7E00  }
0xa: {  	s26 =	simm.s32 $0x0;
	[smem:$0x7FF] =	sst s3;
	s5 =	sand.u32 $0x1, s5  }
0xb: {  	s7 =	sshll.u32 s22, $0xC;
	s10 =	smul.u32 $0x280, s22;
	p0 =	sne.s32 s22, $0x0  }
0xc: {  	s22 =	simm.s32 $0x3E00;
	_ =	strace $0x80000047;
	s8 =	sshll.u32 s5, $0xB  }
0xd: {  	s9 =	ssub.s32 $0x2, s5;
	s5 =	smul.u32 $0x5000, s5;
	s24 =	sshrl.u32 @!p0 s1, $0x3  }
0xe: {  	s25 =	sshrl.u32 @!p0 s2, $0x3;
	s7 =	sor.u32 s8, s7;
	s30 =	sshrl.u32 s9, $0x1  }
0xf: {  	s11 =	sadd.s32 s7, s4;
	s12 =	ssub.s32 s9, s30;
	s31 =	sshrl.u32 s5, $0x3  }
0x10: {  	s4 =	sadd.s32 s10, s1;
	s5 =	sadd.s32 s10, s2;
	s6 =	sadd.s32 s6, s31  }
0x11: {  	s7 =	sadd.s32 $0x1C00, s11;
	s8 =	sadd.s32 $0x11C00, s11;
	s10 =	smax.u32 s12, $0x1  }
0x12: {  	v0 =	vimm.f32 $1.000000000e+00;
	v1 =	vimm.f32 $0.0e+00;
	s11 =	simm.s32 $0x8080;
	s12 =	simm.s32 $0x5;
	s9 =	sadd.s32 $0x500, s6  }
.LBB2_1:
0x13: {  	[tilespmem:$0x8000] =	vst v0  }
0x14: {  	[tilespmem:$0x8010] =	vst v0  }
0x15: {  	[tilespmem:$0x8020] =	vst v0  }
0x16: {  	[tilespmem:$0x8030] =	vst v0  }
0x17: {  	[tilespmem:$0x8040] =	vst v0  }
0x18: {  	[tilespmem:$0x8050] =	vst v0  }
0x19: {  	[tilespmem:$0x8060] =	vst v0  }
0x1a: {  	[tilespmem:$0x8070] =	vst v0  }
0x1b: {  	[tilespmem:$0x8080] =	vst v1  }
0x1c: {  	[tilespmem:$0x8090] =	vst v1  }
0x1d: {  	[tilespmem:$0x80A0] =	vst v1  }
0x1e: {  	[tilespmem:$0x80B0] =	vst v1  }
0x1f: {  	[tilespmem:$0x80C0] =	vst v1  }
0x20: {  	[tilespmem:$0x80D0] =	vst v1  }
0x21: {  	[tilespmem:$0x80E0] =	vst v1  }
0x22: {  	[tilespmem:$0x80F0] =	vst v1  }
0x23: {  	[tilespmem:$0x8100] =	vst v1  }
0x24: {  	[tilespmem:$0x8110] =	vst v1  }
0x25: {  	[tilespmem:$0x8120] =	vst v1  }
0x26: {  	[tilespmem:$0x8130] =	vst v1  }
0x27: {  	[tilespmem:$0x8140] =	vst v1  }
0x28: {  	[tilespmem:$0x8150] =	vst v1  }
0x29: {  	[tilespmem:$0x8160] =	vst v1  }
0x2a: {  	[tilespmem:$0x8170] =	vst v1  }
0x2b: {  	[tilespmem:$0x8180] =	vst v1  }
0x2c: {  	[tilespmem:$0x8190] =	vst v1  }
0x2d: {  	[tilespmem:$0x81A0] =	vst v1  }
0x2e: {  	[tilespmem:$0x81B0] =	vst v1  }
0x2f: {  	[tilespmem:$0x81C0] =	vst v1  }
0x30: {  	[tilespmem:$0x81D0] =	vst v1  }
0x31: {  	[tilespmem:$0x81E0] =	vst v1  }
0x32: {  	[tilespmem:$0x81F0] =	vst v1  }
0x33: {  	[tilespmem:$0x8200] =	vst v1  }
0x34: {  	[tilespmem:$0x8210] =	vst v1  }
0x35: {  	[tilespmem:$0x8220] =	vst v1  }
0x36: {  	[tilespmem:$0x8230] =	vst v1  }
0x37: {  	[tilespmem:$0x8240] =	vst v1  }
0x38: {  	[tilespmem:$0x8250] =	vst v1  }
0x39: {  	[tilespmem:$0x8260] =	vst v1  }
0x3a: {  	[tilespmem:$0x8270] =	vst v1  }
0x3b: {  	[tilespmem:$0x8280] =	vst v1  }
0x3c: {  	[tilespmem:$0x8290] =	vst v1  }
0x3d: {  	[tilespmem:$0x82A0] =	vst v1  }
0x3e: {  	[tilespmem:$0x82B0] =	vst v1  }
0x3f: {  	[tilespmem:$0x82C0] =	vst v1  }
0x40: {  	[tilespmem:$0x82D0] =	vst v1  }
0x41: {  	[tilespmem:$0x82E0] =	vst v1  }
0x42: {  	[tilespmem:$0x82F0] =	vst v1  }
0x43: {  	[spmem:s4] =	stream.linear.scatter [tilespmem:s11], [sflag:$0x5], $0x280, $0x38;
	[tilespmem:$0x8800] =	vst v63  }
0x44: {  	_ =	swait.ge [sflag:s12], $0x280  }
0x45: {  	[sflag:s12] =	ssyncset.done $0x0  }
0x46: {  	[sflag:s12] =	ssyncadd.s32 $0xFFFFFD80  }
0x47: {  	[spmem:s5] =	stream.linear.scatter [tilespmem:s11], [sflag:$0x5], $0x280, $0x38;
	[tilespmem:$0x8800] =	vst v63  }
0x48: {  	_ =	swait.ge [sflag:s12], $0x280  }
0x49: {  	[sflag:s12] =	ssyncset.done $0x0  }
0x4a: {  	[sflag:s12] =	ssyncadd.s32 $0xFFFFFD80  }
0x4b: {  	[bflag:$0x0] =	sbarrier.arrive $0xFFFF  }
0x4c: {  	[tilespmem:s3], [sflag:$0x5] =	stream.linear.gather [hbm4b:s7+s3], $0x3E80, $0x38;
	[tilespmem:$0x8800] =	vst v63  }
0x4d: {  	_ =	swait.ge [sflag:s12], $0x3E80  }
0x4e: {  	[sflag:s12] =	ssyncset.done $0x0  }
0x4f: {  	[sflag:s12] =	ssyncadd.s32 $0xFFFFC180  }
0x50: {  	[tilespmem:s13], [sflag:$0x5] =	stream.linear.gather [hbm4b:s8+s3], $0x3E80, $0x38;
	[tilespmem:$0x8800] =	vst v63  }
0x51: {  	_ =	swait.ge [sflag:s12], $0x3E80  }
0x52: {  	[sflag:s12] =	ssyncset.done $0x0  }
0x53: {  	[sflag:s12] =	ssyncadd.s32 $0xFFFFC180  }
0x54: {  	[spmem:s1] =	stream.indirect.scatter.add.f32 [tilespmem:s15], [sflag:$0x1], $0x1, s3, s14, $0xb8;
	[tilespmem:$0x8800] =	vst v63  }
0x55: {  	_ = 	snop  }
0x56: {  	[spmem:s2] =	stream.indirect.scatter.add.f32 [tilespmem:s15], [sflag:$0x2], $0x1, s13, s14, $0xb8;
	[tilespmem:$0x8800] =	vst v63  }
0x57: {  	_ = 	snop  }
0x58: {  	[spmem:s1] =	stream.indirect.scatter.add.f32 [tilespmem:s15], [sflag:$0x3], $0x1, s16, s14, $0xb8;
	[tilespmem:$0x8800] =	vst v63  }
0x59: {  	_ = 	snop  }
0x5a: {  	[spmem:s2] =	stream.indirect.scatter.add.f32 [tilespmem:s15], [sflag:$0x4], $0x1, s17, s14, $0xb8;
	[tilespmem:$0x8800] =	vst v63  }
0x5b: {  	_ =	swait.ge [sflag:s18], $0x50  }
0x5c: {  	[sflag:s18] =	ssyncset.done $0x0  }
0x5d: {  	[sflag:s18] =	ssyncadd.s32 $0xFFFFFFB0  }
0x5e: {  	_ =	swait.ge [sflag:s19], $0x50  }
0x5f: {  	[sflag:s19] =	ssyncset.done $0x0  }
0x60: {  	s28 =	simm.s32 $0x100;
	[sflag:s19] =	ssyncadd.s32 $0xFFFFFFB0  }
0x61: {  	[spmem:s1] =	stream.indirect.scatter.add.f32 [tilespmem:s15], [sflag:$0x1], $0x1, s28, s14, $0xb8;
	[tilespmem:$0x8800] =	vst v63  }
0x62: {  	s28 =	simm.s32 $0x4100  }
0x63: {  	[spmem:s2] =	stream.indirect.scatter.add.f32 [tilespmem:s15], [sflag:$0x2], $0x1, s28, s14, $0xb8;
	[tilespmem:$0x8800] =	vst v63  }
0x64: {  	_ =	swait.ge [sflag:s20], $0x50  }
0x65: {  	[sflag:s20] =	ssyncset.done $0x0  }
0x66: {  	[sflag:s20] =	ssyncadd.s32 $0xFFFFFFB0  }
0x67: {  	_ =	swait.ge [sflag:s21], $0x50  }
0x68: {  	[sflag:s21] =	ssyncset.done $0x0  }
0x69: {  	s28 =	simm.s32 $0x180;
	[sflag:s21] =	ssyncadd.s32 $0xFFFFFFB0  }
0x6a: {  	[spmem:s1] =	stream.indirect.scatter.add.f32 [tilespmem:s15], [sflag:$0x3], $0x1, s28, s14, $0xb8;
	[tilespmem:$0x8800] =	vst v63  }
0x6b: {  	s29 =	simm.s32 $0x4180;
	s28 =	simm.s32 $0xFFFF1000  }
.LBB2_2:
0x6c: {  	[spmem:s2] =	stream.indirect.scatter.add.f32 [tilespmem:s15], [sflag:$0x4], $0x1, s29, s14, $0xb8;
	[tilespmem:$0x8800] =	vst v63  }
0x6d: {  	s29 =	smov.u32 s28  }
0x6e: {  	p1 =	sne.s32 s28, $0xFFFFFC00;
	s28 =	sadd.s32 $0x400, s28;
	_ =	swait.ge [sflag:s18], $0x50  }
0x6f: {  	[sflag:s18] =	ssyncset.done $0x0  }
0x70: {  	[sflag:s18] =	ssyncadd.s32 $0xFFFFFFB0  }
0x71: {  	_ =	swait.ge [sflag:s19], $0x50  }
0x72: {  	s29 =	sshra.s32 s29, $0x2;
	[sflag:s19] =	ssyncset.done $0x0  }
0x73: {  	s30 =	sadd.s32 $0x3E00, s29;
	[sflag:s19] =	ssyncadd.s32 $0xFFFFFFB0  }
0x74: {  	[spmem:s1] =	stream.indirect.scatter.add.f32 [tilespmem:s15], [sflag:$0x1], $0x1, s30, s14, $0xb8;
	[tilespmem:$0x8800] =	vst v63  }
0x75: {  	s30 =	sadd.s32 $0x7E00, s29  }
0x76: {  	[spmem:s2] =	stream.indirect.scatter.add.f32 [tilespmem:s15], [sflag:$0x2], $0x1, s30, s14, $0xb8;
	[tilespmem:$0x8800] =	vst v63  }
0x77: {  	_ =	swait.ge [sflag:s20], $0x50  }
0x78: {  	[sflag:s20] =	ssyncset.done $0x0  }
0x79: {  	[sflag:s20] =	ssyncadd.s32 $0xFFFFFFB0  }
.Ltmp0:
0x7a: {  	_ =	swait.ge [sflag:s21], $0x50;
	(pc) =	sbr.rel @p1 .LBB2_2-.Ltmp0, $4  }
0x7b: {  	[sflag:s21] =	ssyncset.done $0x0  }
0x7c: {  	s30 =	sadd.s32 $0x3E80, s29;
	[sflag:s21] =	ssyncadd.s32 $0xFFFFFFB0  }
0x7d: {  	[spmem:s1] =	stream.indirect.scatter.add.f32 [tilespmem:s15], [sflag:$0x3], $0x1, s30, s14, $0xb8;
	[tilespmem:$0x8800] =	vst v63  }
0x7e: {  	s29 =	sadd.s32 $0x7E80, s29  }
0x7f: {  	[spmem:s2] =	stream.indirect.scatter.add.f32 [tilespmem:s15], [sflag:$0x4], $0x1, s29, s14, $0xb8;
	[tilespmem:$0x8800] =	vst v63  }
0x80: {  	_ =	swait.ge [sflag:s18], $0x50  }
0x81: {  	[sflag:s18] =	ssyncset.done $0x0  }
0x82: {  	[sflag:s18] =	ssyncadd.s32 $0xFFFFFFB0  }
0x83: {  	_ =	swait.ge [sflag:s19], $0x50  }
0x84: {  	[sflag:s19] =	ssyncset.done $0x0  }
0x85: {  	[sflag:s19] =	ssyncadd.s32 $0xFFFFFFB0  }
0x86: {  	[spmem:s1] =	stream.indirect.scatter.add.f32 [tilespmem:s15], [sflag:$0x1], $0x1, s22, s14, $0xb8;
	[tilespmem:$0x8800] =	vst v63  }
0x87: {  	_ = 	snop  }
0x88: {  	[spmem:s2] =	stream.indirect.scatter.add.f32 [tilespmem:s15], [sflag:$0x2], $0x1, s23, s14, $0xb8;
	[tilespmem:$0x8800] =	vst v63  }
0x89: {  	_ =	swait.ge [sflag:s20], $0x50  }
0x8a: {  	[sflag:s20] =	ssyncset.done $0x0  }
0x8b: {  	[sflag:s20] =	ssyncadd.s32 $0xFFFFFFB0  }
0x8c: {  	_ =	swait.ge [sflag:s21], $0x50  }
0x8d: {  	[sflag:s21] =	ssyncset.done $0x0  }
0x8e: {  	[sflag:s21] =	ssyncadd.s32 $0xFFFFFFB0  }
0x8f: {  	_ =	swait.ge [sflag:s18], $0x50  }
0x90: {  	[sflag:s18] =	ssyncset.done $0x0  }
0x91: {  	[sflag:s18] =	ssyncadd.s32 $0xFFFFFFB0  }
0x92: {  	_ =	swait.ge [sflag:s19], $0x50  }
0x93: {  	[sflag:s19] =	ssyncset.done $0x0  }
0x94: {  	[sflag:s19] =	ssyncadd.s32 $0xFFFFFFB0  }
0x95: {  	s28 =	simm.s32 @!p0 $0x1C05;
	s29 =	simm.s32 @!p0 $0x5;
	[bflag:$0x0] =	sbarrier.arrive $0xFFFF  }
0x96: {  	[hbm:s6], [sflag:s28] =	dma.local @!p0 [spmem:s24], $0x500  }
0x97: {  	s26 =	sadd.s32 $0x1, s26;
	_ =	swait.ge @!p0 [sflag:s29], $0x500  }
0x98: {  	p1 =	sne.s32 s26, s10;
	[sflag:s29] =	ssyncset.done @!p0 $0x0  }
.Ltmp1:
0x99: {  	[sflag:s29] =	ssyncadd.s32 @!p0 $0xFFFFFB00;
	(pc) =	sbr.rel @p1 .LBB2_1-.Ltmp1, $4  }
0x9a: {  	[hbm:s9], [sflag:s28] =	dma.local @!p0 [spmem:s25], $0x500  }
0x9b: {  	_ =	swait.ge @!p0 [sflag:s29], $0x500  }
0x9c: {  	[sflag:s29] =	ssyncset.done @!p0 $0x0  }
0x9d: {  	[sflag:s29] =	ssyncadd.s32 @!p0 $0xFFFFFB00  }
0x9e: {  	_ =	sfence.sel $0x180000  }
0x9f: {  	[bflag:$0x0] =	sbarrier.arrive $0xFFFF  }
0xa0: {  	_ =	strace $0x90000047  }
0xa1: {  	s0 =	sadd.s32 @!p0 $0x100000, s0;
	[bflag:$0x2] =	sbarrier.arrive $0xFFFF  }
0xa2: {  	[sflag:s0] =	ssyncadd.tile.s32 @!p0 $0x1;
	_ =	shalt  }
.Lfunc_end2:
_tile_overlayer_lowered:
.L_overlay_start_2:
0xa3: {  	(tag) =	ssettag $0x2  }
0xa4: {  	s0 =	rddreg [dreg:$0x0];
	s2 =	stileid.u32  }
0xa5: {  	s1 =	rddreg [dreg:$0x1];
	p0 =	sne.s32 s2, $0x0  }
0xa6: {  	s3 =	rddreg [dreg:$0x2];
	[bflag:$0x3] =	sbarrier.arrive $0xFFFF;
	s2 =	simm.s32 @!p0 $0x1C05  }
0xa7: {  	[timem:s3], [sflag:s2] =	dma.local @!p0 [hbm:s0], s1  }
0xa8: {  	s0 =	simm.s32 @!p0 $0x5  }
0xa9: {  	_ =	swait.ge @!p0 [sflag:s0], s1  }
0xaa: {  	s1 =	ssub.s32 @!p0 $0x0, s1;
	[sflag:s0] =	ssyncset.done @!p0 $0x0  }
0xab: {  	[sflag:s0] =	ssyncadd.s32 @!p0 s1  }
0xac: {  	[bflag:$0x3] =	sbarrier.arrive $0xFFFF  }
0xad: {  	_ =	shalt  }

// kernel: kernel.9.cloned.1.call-start
scs
__scs_entry_jumppad:
0x0: {  	(pc) =	sbr.rel $0x88, $3  }
0x1: {  	(tag) =	ssettag $0x0;
	lr =	simm.s32 $0x1  }
0x2: {  	[smem:$0x3F9D] =	sst lr;
	_ =	strace $0xD0000000  }
0x3: {  	_ = 	snop  }
0x4: {  	_ = 	snop  }
0x5: {  	_ = 	snop  }
0x6: {  	_ = 	snop  }
0x7: {  	_ = 	snop  }
__scs_overlays_trampoline_lowered:
0x8: {  	[smem:$0x3FAC] =	sst s0  }
0x9: {  	[smem:$0x3FAD] =	sst s1  }
0xa: {  	[smem:$0x3FAE] =	sst s2  }
0xb: {  	[smem:$0x3FAF] =	sst s3  }
0xc: {  	[smem:$0x3FB0] =	sst s4  }
0xd: {  	[smem:$0x3FB1] =	sst s5  }
0xe: {  	[smem:$0x3FB2] =	sst s6  }
0xf: {  	[smem:$0x3FB3] =	sst s7  }
0x10: {  	[smem:$0x3FB4] =	sst s8  }
0x11: {  	[smem:$0x3FB5] =	sst s9;
	s0 =	simm.s32 @!p0 $0x0  }
0x12: {  	s1 =	sld [smem:$0x3F9B];
	s0 =	simm.s32 @p0 $0x1  }
0x13: {  	[smem:$0x3FB6] =	sst s0;
	s0 =	simm.s32 @!p1 $0x0  }
0x14: {  	s2 =	sld [smem:$0x3F9A];
	s0 =	simm.s32 @p1 $0x1  }
0x15: {  	[smem:$0x3FB7] =	sst s0;
	s0 =	simm.s32 @!p2 $0x0  }
0x16: {  	s3 =	sld [smem:$0x3FDB];
	s0 =	simm.s32 @p2 $0x1  }
0x17: {  	s4 =	simm.s32 $0x1BF5;
	[smem:$0x3FB9] =	sst s0  }
0x18: {  	s0 =	sld [smem:$0x3F9C];
	_ =	swait.ge [sflag:s4], $0x0  }
0x19: {  	s7 =	sld [smem:$0x3F9D]  }
0x1a: {  	s8 =	sadd.s32 $0xFFFFE003, lr  }
0x1b: {  	s9 =	sadd.s32 $0xFFFFFEF7, lr;
	s5 =	simm.s32 $0xFFFFFFFF;
	p2 =	slt.u32 s8, $0xFFFFF086  }
0x1c: {  	p1 =	slt.u32 s9, $0xF7A;
	s5 =	simm.s32 @!p2 $0x0  }
0x1d: {  	s5 =	simm.s32 @p1 $0x1;
	p0 =	seq.s32 s7, s2  }
0x1e: {  	s7 =	smul.u32 @!p0 $0xF7A, s2;
	p2 =	seq.s32 @!p0 s5, $0x0  }
0x1f: {  	s9 =	smul.u32 $0xF7A, s1;
	s8 =	simm.s32 @!p0 $0x1BF5;
	p2 =	por !p2, p0  }
0x20: {  	[sflag:s8] =	ssyncset.s32 @!p0 $0xFFFFF086;
	s6 =	sadd.s32 @!p0 s3, s7;
	s7 =	simm.s32 @!p0 $0x108  }
0x21: {  	s3 =	sadd.s32 s3, s9;
	s6 =	sadd.s32 @!p0 $0x88, s6;
	s7 =	simm.s32 @p2 $0x1082  }
0x22: {  	[simem:s7], [sflag:s8] =	dma.local @!p0 [hbm:s6], $0xF7A  }
0x23: {  	s9 =	sor.u32 $0xD0000000, s2;
	s6 =	simm.s32 $0x108;
	_ =	swait.ge @!p0 [sflag:s8], $0x0  }
0x24: {  	s3 =	sadd.s32 $0x88, s3;
	s6 =	simm.s32 @!p1 $0x1082;
	[sflag:s4] =	ssyncset.s32 $0xFFFFF086  }
0x25: {  	[simem:s6], [sflag:s4] =	dma.local [hbm:s3], $0xF7A  }
0x26: {  	[smem:$0x3F9D] =	sst s1;
	(tag) =	ssettag s2;
	_ =	strace s9  }
0x27: {  	s1 =	sld [smem:$0x3FAD]  }
0x28: {  	s2 =	sld [smem:$0x3FAE]  }
0x29: {  	s4 =	sld [smem:$0x3FB0]  }
0x2a: {  	p0 =	seq.s32 s5, $0x0;
	s5 =	sld [smem:$0x3FB1]  }
0x2b: {  	s6 =	sld [smem:$0x3FB2]  }
0x2c: {  	s7 =	sld [smem:$0x3FB3]  }
0x2d: {  	s3 =	simm.s32 $0x108;
	s8 =	sld [smem:$0x3FB4]  }
0x2e: {  	s3 =	simm.s32 @!p0 $0x1082;
	s9 =	sld [smem:$0x3FB5]  }
0x2f: {  	lr =	sadd.s32 s0, s3;
	s0 =	sld [smem:$0x3FAC]  }
0x30: {  	s3 =	sld [smem:$0x3FAF]  }
0x31: {  	[smem:$0x3FB8] =	sst s10  }
0x32: {  	s10 =	sld [smem:$0x3FB6];
	_ =	sdelay $0x3  }
0x33: {  	p0 =	seq.s32 s10, $0x1;
	s10 =	sld [smem:$0x3FB8];
	_ =	sdelay $0x3  }
0x34: {  	[smem:$0x3FB8] =	sst s10  }
0x35: {  	s10 =	sld [smem:$0x3FB7];
	_ =	sdelay $0x3  }
0x36: {  	p1 =	seq.s32 s10, $0x1;
	s10 =	sld [smem:$0x3FB8];
	_ =	sdelay $0x3  }
0x37: {  	[smem:$0x3FB8] =	sst s10  }
0x38: {  	s10 =	sld [smem:$0x3FB9]  }
0x39: {  	_ = 	snop;
	(pc) =	sbr.ind lr, $3  }
0x3a: {  	_ = 	snop  }
0x3b: {  	_ = 	snop  }
0x3c: {  	p2 =	seq.s32 s10, $0x1;
	s10 =	sld [smem:$0x3FB8]  }
0x3d: {  	_ =	shalt  }
0x3e: {  	_ =	shalt  }
0x3f: {  	_ =	shalt  }
0x40: {  	_ =	shalt  }
0x41: {  	_ =	shalt  }
0x42: {  	_ =	shalt  }
0x43: {  	_ =	shalt  }
0x44: {  	_ =	shalt  }
0x45: {  	_ =	shalt  }
0x46: {  	_ =	shalt  }
0x47: {  	_ =	shalt  }
0x48: {  	_ =	shalt  }
0x49: {  	_ =	shalt  }
0x4a: {  	_ =	shalt  }
0x4b: {  	_ =	shalt  }
0x4c: {  	_ =	shalt  }
0x4d: {  	_ =	shalt  }
0x4e: {  	_ =	shalt  }
0x4f: {  	_ =	shalt  }
0x50: {  	_ =	shalt  }
0x51: {  	_ =	shalt  }
0x52: {  	_ =	shalt  }
0x53: {  	_ =	shalt  }
0x54: {  	_ =	shalt  }
0x55: {  	_ =	shalt  }
0x56: {  	_ =	shalt  }
0x57: {  	_ =	shalt  }
0x58: {  	_ =	shalt  }
0x59: {  	_ =	shalt  }
0x5a: {  	_ =	shalt  }
0x5b: {  	_ =	shalt  }
0x5c: {  	_ =	shalt  }
0x5d: {  	_ =	shalt  }
0x5e: {  	_ =	shalt  }
0x5f: {  	_ =	shalt  }
0x60: {  	_ =	shalt  }
0x61: {  	_ =	shalt  }
0x62: {  	_ =	shalt  }
0x63: {  	_ =	shalt  }
0x64: {  	_ =	shalt  }
0x65: {  	_ =	shalt  }
0x66: {  	_ =	shalt  }
0x67: {  	_ =	shalt  }
0x68: {  	_ =	shalt  }
0x69: {  	_ =	shalt  }
0x6a: {  	_ =	shalt  }
0x6b: {  	_ =	shalt  }
0x6c: {  	_ =	shalt  }
0x6d: {  	_ =	shalt  }
0x6e: {  	_ =	shalt  }
0x6f: {  	_ =	shalt  }
0x70: {  	_ =	shalt  }
0x71: {  	_ =	shalt  }
0x72: {  	_ =	shalt  }
0x73: {  	_ =	shalt  }
0x74: {  	_ =	shalt  }
0x75: {  	_ =	shalt  }
0x76: {  	_ =	shalt  }
0x77: {  	_ =	shalt  }
0x78: {  	_ =	shalt  }
0x79: {  	_ =	shalt  }
0x7a: {  	_ =	shalt  }
0x7b: {  	_ =	shalt  }
0x7c: {  	_ =	shalt  }
0x7d: {  	_ =	shalt  }
0x7e: {  	_ =	shalt  }
0x7f: {  	_ =	shalt  }
0x80: {  	_ =	shalt  }
0x81: {  	_ =	shalt  }
0x82: {  	_ =	shalt  }
0x83: {  	_ =	shalt  }
0x84: {  	_ =	shalt  }
0x85: {  	_ =	shalt  }
0x86: {  	_ =	shalt  }
0x87: {  	_ =	shalt  }
.Lfunc_end0:
.L_simem_size_0:
called_computation.1_lowered:
.L_overlay_start_0:
0x88: {  	s2 =	sld [smem:$0x3FD9]  }
0x89: {  	s3 =	sld [smem:$0x3FFE];
	_ =	sdelay $0x1  }
0x8a: {  	s1 =	srdreg.scid  }
0x8b: {  	s0 =	sand.u32 $0x1, s1  }
0x8c: {  	s17 =	sshll.u32 s0, $0xA;
	s2 =	sadd.s32 s3, s2  }
0x8d: {  	s2 =	sadd.s32 s2, s17  }
0x8e: {  	[smem:$0x3FC4] =	sst s2  }
0x8f: {  	_ = 	snop  }
0x90: {  	s2 =	sld [smem:$0x3FD0];
	(tm) =	ssettm $0x1  }
0x91: {  	s18 =	sld [smem:$0x3FFB];
	_ =	sdelay $0x3  }
0x92: {  	_ =	strace s18  }
0x93: {  	s3 =	sld [smem:$0x3FFC];
	_ =	sdelay $0x3  }
0x94: {  	_ =	strace s3  }
0x95: {  	s3 =	sld [smem:$0x3FFD];
	_ =	sdelay $0x3  }
0x96: {  	_ =	strace s3  }
0x97: {  	_ =	strace $0x8FFFFFFF  }
0x98: {  	s19 =	sld [smem:$0x3FDB];
	_ =	sdelay $0x1  }
0x99: {  	s4 =	simm.s32 $_scs_section_size  }
0x9a: {  	s5 =	simm.s32 $_size__tile_overlayer_lowered;
	s6 =	simm.s32 $_tile_overlayer_lowered  }
0x9b: {  	s22 =	simm.s32 $0x1BFF;
	s21 =	sshll.u32 s6, $0x1;
	s3 =	sadd.s32 s4, s19  }
0x9c: {  	s7 =	simm.s32 $0x0;
	s20 =	sshll.u32 s5, $0x1;
	s5 =	sadd.s32 s21, s3  }
0x9d: {  	[timem:s7], [sflag:s22] =	dma.local [hbm:s5], s20  }
0x9e: {  	_ =	swait.ge [sflag:s22], s20  }
0x9f: {  	s4 =	ssub.s32 $0x0, s20;
	[sflag:s22] =	ssyncset.done $0x0  }
0xa0: {  	[sflag:s22] =	ssyncadd.s32 s4;
	_ =	sdelay $0x1  }
0xa1: {  	s23 =	simm.s32 $0x1B8B  }
0xa2: {  	_ =	swait.ge [sflag:s23], $0x1  }
0xa3: {  	[sflag:s23] =	ssyncset.done $0x0  }
0xa4: {  	s25 =	simm.s32 $0x1B8E;
	s24 =	sld [smem:$0x3FFE];
	[sflag:s23] =	ssyncadd.s32 $0xFFFFFFFF  }
0xa5: {  	s26 =	simm.s32 $execute0_lowered;
	[smem:$0x3FD2] =	sst s25  }
0xa6: {  	s5 =	sshll.u32 s26, $0x1;
	_ =	strace $0x80000049;
	[dreg:$0x1] =	wrdreg $0xFFFFFFFF  }
0xa7: {  	s28 =	simm.s32 $_size_execute0_lowered;
	s3 =	sadd.s32 s3, s5;
	[dreg:$0x0] =	wrdreg $0x0  }
0xa8: {  	s5 =	sshll.u32 s28, $0x1;
	[dreg:$0x2] =	wrdreg s3  }
0xa9: {  	[dreg:$0x3] =	wrdreg s5  }
0xaa: {  	[dreg:$0x4] =	wrdreg $0xC0  }
0xab: {  	_ =	task [dreg:s7], $0x5FFFF  }
0xac: {  	[dreg:$0x1] =	wrdreg $0xFFFFFFFF  }
0xad: {  	[dreg:$0x0] =	wrdreg $0x60  }
0xae: {  	[dreg:$0x2] =	wrdreg s24  }
0xaf: {  	[dreg:$0x3] =	wrdreg s2  }
0xb0: {  	[dreg:$0x4] =	wrdreg $0xBF800  }
0xb1: {  	[dreg:$0x5] =	wrdreg $0x9  }
0xb2: {  	_ =	task.clear_ibuf [dreg:s7], $0x6FFFF;
	_ =	strace $0x90000049  }
0xb3: {  	s29 =	simm.s32 $0x9;
	_ =	strace $0x8000004B  }
0xb4: {  	_ =	swait.ge [sflag:s29], $0x1  }
0xb5: {  	[sflag:s29] =	ssyncadd.s32 $0xFFFFFFFF  }
0xb6: {  	_ =	strace $0x9000004B  }
0xb7: {  	_ =	sfence  }
0xb8: {  	s30 =	sld [smem:$0x0];
	_ =	sdelay $0x2  }
0xb9: {  	s31 =	sshll.u32 s1, $0xD;
	s1 =	sshrl.u32 s1, $0x2  }
0xba: {  	s3 =	sand.u32 $0x4000, s31;
	s1 =	sadd.s32 s1, s30  }
0xbb: {  	s0 =	sor.u32 s3, s0;
	s1 =	sshll.u32 s1, $0x11  }
0xbc: {  	s0 =	sor.u32 s1, s0  }
0xbd: {  	s0 =	sadd.s32 $0x8F2B, s0  }
0xbe: {  	[sflag:s0] =	ssyncadd.remote.s32 $0x1  }
0xbf: {  	_ =	sfence.sel $0xFFFF  }
0xc0: {  	[dreg:$0x0] =	wrdreg $0xFFFFFFFF;
	(pc) =	sbr.abs _section_cstart, $3  }
0xc1: {  	[dreg:$0x1] =	wrdreg $0xFFFFFFFF  }
0xc2: {  	_ =	task.clear_ibuf [dreg:s7], $0x2FFFF;
	_ =	strace $0x9FFFFFFF  }
0xc3: {  	(tm) =	ssettm $0x7FFFFFFF  }
tec
execute0_lowered:
.L_overlay_start_1:
0x0: {  	(tag) =	ssettag $0x1  }
0x1: {  	s0 =	rddreg [dreg:$0x0]  }
0x2: {  	s1 =	srdreg.scid;
	s2 =	rddreg [dreg:$0x1]  }
0x3: {  	s11 =	stileid.u32;
	s3 =	rddreg [dreg:$0x2]  }
0x4: {  	s28 =	simm.s32 $0x50;
	s29 =	simm.s32 $0x6F80;
	s30 =	simm.s32 $0x1  }
0x5: {  	s1 =	sand.u32 $0x1, s1;
	s4 =	sshll.u32 s11, $0x1;
	s7 =	smul.u32 $0x4E000, s11  }
0x6: {  	s31 =	simm.s32 $0x2800;
	s24 =	smul.u32 $0x13800, s11;
	s5 =	sor.u32 s1, s4  }
0x7: {  	s4 =	simm.s32 $0x0;
	s8 =	ssub.s32 $0x2, s1;
	s1 =	smul.u32 $0x138800, s1  }
0x8: {  	p0 =	sne.s32 s11, $0x0;
	s6 =	smul.u32 $0x4F0, s5;
	[smem:$0x7FF] =	sst s4  }
0x9: {  	s5 =	sshll.u32 s5, $0xB;
	s7 =	sshrl.u32 s7, $0x2;
	s10 =	sshrl.u32 s8, $0x1  }
0xa: {  	_ =	strace $0x8000004A;
	s9 =	sadd.s32 s5, s0;
	s5 =	sadd.s32 s7, s3  }
0xb: {  	s14 =	ssub.s32 s8, s10;
	s8 =	sadd.s32 s24, s1;
	s16 =	sadd.s32 $0x1800, s5  }
0xc: {  	s1 =	sshrl.u32 s1, $0x3;
	s17 =	sadd.s32 $0x3000, s5;
	[dreg:$0x4] =	wrdreg s16  }
0xd: {  	s24 =	simm.s32 $0x4780;
	s18 =	sadd.s32 $0x4800, s5;
	[dreg:$0x5] =	wrdreg s17  }
0xe: {  	s7 =	simm.s32 $0x3;
	s19 =	sadd.s32 $0x6000, s5;
	[dreg:$0x6] =	wrdreg s18  }
0xf: {  	s10 =	simm.s32 $0x6;
	s20 =	sadd.s32 $0x7800, s5;
	[dreg:$0x7] =	wrdreg s19  }
0x10: {  	s6 =	sadd.s32 s6, s0;
	s21 =	sadd.s32 $0x9000, s5;
	[dreg:$0x8] =	wrdreg s20  }
0x11: {  	s0 =	sadd.s32 $0x35800, s0;
	s22 =	sadd.s32 $0xA800, s5;
	[dreg:$0x9] =	wrdreg s21  }
0x12: {  	s23 =	sadd.s32 $0xC000, s5;
	s25 =	sadd.s32 $0xD800, s5;
	[dreg:$0xa] =	wrdreg s22  }
0x13: {  	s15 =	sadd.s32 $0xF000, s5;
	s26 =	sshrl.u32 s8, $0x3;
	[dreg:$0xb] =	wrdreg s23  }
0x14: {  	s8 =	simm.s32 $0x2880;
	[dreg:$0xc] =	wrdreg s25;
	s16 =	sadd.s32 $0x10800, s5  }
.Ltmp0:
0x15: {  	s17 =	sadd.s32 $0x12000, s5;
	s18 =	sadd.s32 $0x138000, s3;
	(pc) =	sbr.rel .LBB2_1-.Ltmp0, $4  }
0x16: {  	s19 =	sadd.s32 $0x21C00, s6;
	s20 =	sadd.s32 $0x11C00, s9;
	s21 =	sadd.s32 s0, s26  }
0x17: {  	s0 =	sadd.s32 s0, s1;
	s23 =	smax.u32 s14, $0x1;
	s25 =	simm.s32 $0x7  }
0x18: {  	s26 =	simm.s32 $0x2780;
	s1 =	simm.s32 $0x9780;
	s6 =	simm.s32 $0x4  }
0x19: {  	v0 =	vimm.f32 $0.0e+00;
	s9 =	simm.s32 $0x5;
	s22 =	sadd.s32 $0x27000, s0;
	s0 =	simm.s32 $0x2  }
.LBB2_9:
0x1a: {  	_ =	swait.ge [sflag:s30], $0x2800  }
0x1b: {  	[sflag:s30] =	ssyncset.done $0x0  }
0x1c: {  	s11 =	simm.s32 $0x4580;
	[sflag:s30] =	ssyncadd.s32 $0xFFFFD800  }
0x1d: {  	[spmem:s3] =	stream.indirect.scatter.add.f32 [tilespmem:s24], [sflag:$0x4], $0x80, s11, s28, $0xb8;
	[tilespmem:$0x1F800] =	vst v63  }
0x1e: {  	_ =	swait.ge [sflag:s9], $0x2800  }
0x1f: {  	[sflag:s9] =	ssyncset.done $0x0  }
0x20: {  	[sflag:s9] =	ssyncadd.s32 $0xFFFFD800  }
0x21: {  	_ =	swait.ge [sflag:s10], $0x2800  }
0x22: {  	[sflag:s10] =	ssyncset.done $0x0  }
0x23: {  	[sflag:s10] =	ssyncadd.s32 $0xFFFFD800  }
0x24: {  	_ =	swait.ge [sflag:s6], $0x2800  }
0x25: {  	s14 =	stileid.u32;
	[sflag:s6] =	ssyncset.done $0x0  }
0x26: {  	s11 =	sshll.u32 s14, $0x6;
	[sflag:s6] =	ssyncadd.s32 $0xFFFFD800  }
0x27: {  	s12 =	sshrl.u32 s5, $0x3;
	s11 =	sor.u32 $0x1C07, s11;
	[bflag:$0x0] =	sbarrier.arrive $0xFFFF  }
0x28: {  	[hbm:s21], [sflag:s11] =	dma.local [spmem:s12], $0x2700  }
0x29: {  	_ =	swait.ge [sflag:s25], $0x2700  }
0x2a: {  	s4 =	sadd.s32 $0x1, s4;
	[sflag:s25] =	ssyncset.done $0x0  }
0x2b: {  	p1 =	sne.s32 s4, s23;
	s12 =	sshrl.u32 @!p0 s18, $0x3;
	[sflag:s25] =	ssyncadd.s32 $0xFFFFD900  }
0x2c: {  	[hbm:s22], [sflag:s11] =	dma.local @!p0 [spmem:s12], $0x100  }
.Ltmp1:
0x2d: {  	_ = 	snop;
	(pc) =	sbr.rel @!p1 .LBB2_10-.Ltmp1, $4  }
0x2e: {  	s11 =	simm.s32 @!p0 $0x7  }
0x2f: {  	_ =	swait.ge @!p0 [sflag:s11], $0x100  }
0x30: {  	[sflag:s11] =	ssyncset.done @!p0 $0x0  }
0x31: {  	[sflag:s11] =	ssyncadd.s32 @!p0 $0xFFFFFF00  }
.LBB2_1:
0x32: {  	s11 =	simm.s32 $0x70;
	s12 =	simm.s32 $0x3C0  }
.LBB2_2:
0x33: {  	p1 =	sne.s32 s12, $0x5FC0;
	[tilespmem:s11+$0x4780] =	vst v0  }
0x34: {  	[tilespmem:s11+$0x4710] =	vst v0  }
0x35: {  	[tilespmem:s11+$0x4720] =	vst v0  }
.Ltmp2:
0x36: {  	[tilespmem:s11+$0x4730] =	vst v0;
	(pc) =	sbr.rel @p1 .LBB2_2-.Ltmp2, $4  }
0x37: {  	[tilespmem:s11+$0x4740] =	vst v0  }
0x38: {  	[tilespmem:s11+$0x4750] =	vst v0  }
0x39: {  	[tilespmem:s11+$0x4760] =	vst v0  }
0x3a: {  	[tilespmem:s11+$0x4770] =	vst v0;
	s11 =	sshra.s32 s12, $0x2;
	s12 =	sadd.s32 $0x200, s12  }
0x3b: {  	[tilespmem:s11+$0x4780] =	vst v0  }
0x3c: {  	[tilespmem:s11+$0x4710] =	vst v0  }
0x3d: {  	[tilespmem:s11+$0x4720] =	vst v0  }
0x3e: {  	[tilespmem:s11+$0x4730] =	vst v0  }
0x3f: {  	[tilespmem:s11+$0x4740] =	vst v0  }
0x40: {  	[tilespmem:s11+$0x4750] =	vst v0  }
0x41: {  	[tilespmem:s11+$0x4760] =	vst v0  }
0x42: {  	[tilespmem:s11+$0x4770] =	vst v0  }
0x43: {  	[spmem:s5] =	stream.linear.scatter [tilespmem:s24], [sflag:$0x7], $0x1800, $0x38;
	[tilespmem:$0x1F800] =	vst v63  }
0x44: {  	_ =	swait.ge [sflag:s25], $0x1800  }
0x45: {  	[sflag:s25] =	ssyncset.done $0x0  }
0x46: {  	s13 =	rddreg [dreg:$0x4];
	[sflag:s25] =	ssyncadd.s32 $0xFFFFE800  }
0x47: {  	[spmem:s13] =	stream.linear.scatter [tilespmem:s24], [sflag:$0x7], $0x1800, $0x38;
	[tilespmem:$0x1F800] =	vst v63  }
0x48: {  	_ =	swait.ge [sflag:s25], $0x1800  }
0x49: {  	[sflag:s25] =	ssyncset.done $0x0  }
0x4a: {  	s14 =	rddreg [dreg:$0x5];
	[sflag:s25] =	ssyncadd.s32 $0xFFFFE800  }
0x4b: {  	[spmem:s14] =	stream.linear.scatter [tilespmem:s24], [sflag:$0x7], $0x1800, $0x38;
	[tilespmem:$0x1F800] =	vst v63  }
0x4c: {  	_ =	swait.ge [sflag:s25], $0x1800  }
0x4d: {  	[sflag:s25] =	ssyncset.done $0x0  }
0x4e: {  	s12 =	rddreg [dreg:$0x6];
	[sflag:s25] =	ssyncadd.s32 $0xFFFFE800  }
0x4f: {  	[spmem:s12] =	stream.linear.scatter [tilespmem:s24], [sflag:$0x7], $0x1800, $0x38;
	[tilespmem:$0x1F800] =	vst v63  }
0x50: {  	_ =	swait.ge [sflag:s25], $0x1800  }
0x51: {  	[sflag:s25] =	ssyncset.done $0x0  }
0x52: {  	s13 =	rddreg [dreg:$0x7];
	[sflag:s25] =	ssyncadd.s32 $0xFFFFE800  }
0x53: {  	[spmem:s13] =	stream.linear.scatter [tilespmem:s24], [sflag:$0x7], $0x1800, $0x38;
	[tilespmem:$0x1F800] =	vst v63  }
0x54: {  	_ =	swait.ge [sflag:s25], $0x1800  }
0x55: {  	[sflag:s25] =	ssyncset.done $0x0  }
0x56: {  	s14 =	rddreg [dreg:$0x8];
	[sflag:s25] =	ssyncadd.s32 $0xFFFFE800  }
0x57: {  	[spmem:s14] =	stream.linear.scatter [tilespmem:s24], [sflag:$0x7], $0x1800, $0x38;
	[tilespmem:$0x1F800] =	vst v63  }
0x58: {  	_ =	swait.ge [sflag:s25], $0x1800  }
0x59: {  	[sflag:s25] =	ssyncset.done $0x0  }
0x5a: {  	s12 =	rddreg [dreg:$0x9];
	[sflag:s25] =	ssyncadd.s32 $0xFFFFE800  }
0x5b: {  	[spmem:s12] =	stream.linear.scatter [tilespmem:s24], [sflag:$0x7], $0x1800, $0x38;
	[tilespmem:$0x1F800] =	vst v63  }
0x5c: {  	_ =	swait.ge [sflag:s25], $0x1800  }
0x5d: {  	[sflag:s25] =	ssyncset.done $0x0  }
0x5e: {  	s13 =	rddreg [dreg:$0xa];
	[sflag:s25] =	ssyncadd.s32 $0xFFFFE800  }
0x5f: {  	[spmem:s13] =	stream.linear.scatter [tilespmem:s24], [sflag:$0x7], $0x1800, $0x38;
	[tilespmem:$0x1F800] =	vst v63  }
0x60: {  	_ =	swait.ge [sflag:s25], $0x1800  }
0x61: {  	[sflag:s25] =	ssyncset.done $0x0  }
0x62: {  	s14 =	rddreg [dreg:$0xb];
	[sflag:s25] =	ssyncadd.s32 $0xFFFFE800  }
0x63: {  	[spmem:s14] =	stream.linear.scatter [tilespmem:s24], [sflag:$0x7], $0x1800, $0x38;
	[tilespmem:$0x1F800] =	vst v63  }
0x64: {  	_ =	swait.ge [sflag:s25], $0x1800  }
0x65: {  	[sflag:s25] =	ssyncset.done $0x0  }
0x66: {  	s12 =	rddreg [dreg:$0xc];
	[sflag:s25] =	ssyncadd.s32 $0xFFFFE800  }
0x67: {  	[spmem:s12] =	stream.linear.scatter [tilespmem:s24], [sflag:$0x7], $0x1800, $0x38;
	[tilespmem:$0x1F800] =	vst v63  }
0x68: {  	_ =	swait.ge [sflag:s25], $0x1800  }
0x69: {  	[sflag:s25] =	ssyncset.done $0x0  }
0x6a: {  	[sflag:s25] =	ssyncadd.s32 $0xFFFFE800  }
0x6b: {  	[spmem:s15] =	stream.linear.scatter [tilespmem:s24], [sflag:$0x7], $0x1800, $0x38;
	[tilespmem:$0x1F800] =	vst v63  }
0x6c: {  	_ =	swait.ge [sflag:s25], $0x1800  }
0x6d: {  	[sflag:s25] =	ssyncset.done $0x0  }
0x6e: {  	[sflag:s25] =	ssyncadd.s32 $0xFFFFE800  }
0x6f: {  	[spmem:s16] =	stream.linear.scatter [tilespmem:s24], [sflag:$0x7], $0x1800, $0x38;
	[tilespmem:$0x1F800] =	vst v63  }
0x70: {  	_ =	swait.ge [sflag:s25], $0x1800  }
0x71: {  	[sflag:s25] =	ssyncset.done $0x0  }
0x72: {  	[sflag:s25] =	ssyncadd.s32 $0xFFFFE800  }
0x73: {  	[spmem:s17] =	stream.linear.scatter [tilespmem:s24], [sflag:$0x7], $0x1800, $0x38;
	[tilespmem:$0x1F800] =	vst v63  }
0x74: {  	_ =	swait.ge [sflag:s25], $0x1800  }
0x75: {  	[sflag:s25] =	ssyncset.done $0x0  }
0x76: {  	s11 =	simm.s32 @!p0 $0x4780;
	[sflag:s25] =	ssyncadd.s32 $0xFFFFE800  }
0x77: {  	[spmem:s18] =	stream.linear.scatter @!p0 [tilespmem:s11], [sflag:$0x7], $0x800, $0x38;
	[tilespmem:$0x1F800] =	vst v63  }
0x78: {  	s11 =	simm.s32 @!p0 $0x7  }
0x79: {  	_ =	swait.ge @!p0 [sflag:s11], $0x800  }
0x7a: {  	[sflag:s11] =	ssyncset.done @!p0 $0x0  }
0x7b: {  	[sflag:s11] =	ssyncadd.s32 @!p0 $0xFFFFF800  }
0x7c: {  	s11 =	simm.s32 $0x0;
	[bflag:$0x0] =	sbarrier.arrive $0xFFFF  }
0x7d: {  	[tilespmem:s11], [sflag:$0x7] =	stream.linear.gather [hbm4b:s19+s11], $0x2780, $0x38;
	[tilespmem:$0x1F800] =	vst v63  }
0x7e: {  	_ =	swait.ge [sflag:s25], $0x2780  }
0x7f: {  	[sflag:s25] =	ssyncset.done $0x0  }
0x80: {  	[sflag:s25] =	ssyncadd.s32 $0xFFFFD880  }
0x81: {  	[tilespmem:s26], [sflag:$0x7] =	stream.linear.gather [hbm4b:s20+s11], $0x2000, $0x38;
	[tilespmem:$0x1F800] =	vst v63  }
0x82: {  	_ =	swait.ge [sflag:s25], $0x2000  }
0x83: {  	[sflag:s25] =	ssyncset.done $0x0  }
0x84: {  	[sflag:s25] =	ssyncadd.s32 $0xFFFFE000  }
0x85: {  	[tilespmem:s24], [sflag:$0x1] =	stream.indirect.gather [hbm4b:s2+s28], $0x80, s11, s28, $0xb8;
	[tilespmem:$0x1F800] =	vst v63  }
0x86: {  	_ = 	snop  }
0x87: {  	[tilespmem:s29], [sflag:$0x2] =	stream.indirect.gather [hbm4b:s2+s28], $0x80, s28, s28, $0xb8;
	[tilespmem:$0x1F800] =	vst v63  }
0x88: {  	_ =	swait.ge [sflag:s30], $0x2800  }
0x89: {  	[sflag:s30] =	ssyncset.done $0x0  }
0x8a: {  	[sflag:s30] =	ssyncadd.s32 $0xFFFFD800  }
0x8b: {  	[spmem:s3] =	stream.indirect.scatter.add.f32 [tilespmem:s24], [sflag:$0x4], $0x80, s26, s28, $0xb8;
	[tilespmem:$0x1F800] =	vst v63  }
0x8c: {  	s12 =	simm.s32 $0xA0  }
0x8d: {  	[tilespmem:s1], [sflag:$0x3] =	stream.indirect.gather [hbm4b:s2+s28], $0x80, s12, s28, $0xb8;
	[tilespmem:$0x1F800] =	vst v63  }
0x8e: {  	_ =	swait.ge [sflag:s0], $0x2800  }
0x8f: {  	[sflag:s0] =	ssyncset.done $0x0  }
0x90: {  	[sflag:s0] =	ssyncadd.s32 $0xFFFFD800  }
0x91: {  	[spmem:s3] =	stream.indirect.scatter.add.f32 [tilespmem:s29], [sflag:$0x5], $0x80, s31, s28, $0xb8;
	[tilespmem:$0x1F800] =	vst v63  }
0x92: {  	_ =	swait.ge [sflag:s6], $0x2800  }
0x93: {  	[sflag:s6] =	ssyncset.done $0x0  }
0x94: {  	s13 =	simm.s32 $0xF0;
	[sflag:s6] =	ssyncadd.s32 $0xFFFFD800  }
0x95: {  	[tilespmem:s24], [sflag:$0x1] =	stream.indirect.gather [hbm4b:s2+s28], $0x80, s13, s28, $0xb8;
	[tilespmem:$0x1F800] =	vst v63  }
0x96: {  	_ =	swait.ge [sflag:s7], $0x2800  }
0x97: {  	[sflag:s7] =	ssyncset.done $0x0  }
0x98: {  	[sflag:s7] =	ssyncadd.s32 $0xFFFFD800  }
0x99: {  	[spmem:s3] =	stream.indirect.scatter.add.f32 [tilespmem:s1], [sflag:$0x6], $0x80, s8, s28, $0xb8;
	[tilespmem:$0x1F800] =	vst v63  }
0x9a: {  	_ =	swait.ge [sflag:s9], $0x2800  }
0x9b: {  	[sflag:s9] =	ssyncset.done $0x0  }
0x9c: {  	s14 =	simm.s32 $0x140;
	s12 =	simm.s32 $0x2A00;
	[sflag:s9] =	ssyncadd.s32 $0xFFFFD800  }
0x9d: {  	[tilespmem:s29], [sflag:$0x2] =	stream.indirect.gather [hbm4b:s2+s28], $0x80, s14, s28, $0xb8;
	[tilespmem:$0x1F800] =	vst v63  }
.LBB2_4:
0x9e: {  	_ =	swait.ge [sflag:s30], $0x2800  }
0x9f: {  	[sflag:s30] =	ssyncset.done $0x0  }
0xa0: {  	s13 =	sadd.s32 $0xFFFFFF00, s12;
	[sflag:s30] =	ssyncadd.s32 $0xFFFFD800  }
0xa1: {  	[spmem:s3] =	stream.indirect.scatter.add.f32 [tilespmem:s24], [sflag:$0x4], $0x80, s13, s28, $0xb8;
	[tilespmem:$0x1F800] =	vst v63  }
0xa2: {  	_ =	swait.ge [sflag:s10], $0x2800  }
0xa3: {  	s13 =	sshra.s32 s11, $0x2;
	[sflag:s10] =	ssyncset.done $0x0  }
0xa4: {  	s14 =	sadd.s32 $0x190, s13;
	[sflag:s10] =	ssyncadd.s32 $0xFFFFD800  }
0xa5: {  	[tilespmem:s1], [sflag:$0x3] =	stream.indirect.gather [hbm4b:s2+s28], $0x80, s14, s28, $0xb8;
	[tilespmem:$0x1F800] =	vst v63  }
0xa6: {  	_ =	swait.ge [sflag:s0], $0x2800  }
0xa7: {  	[sflag:s0] =	ssyncset.done $0x0  }
0xa8: {  	s14 =	sadd.s32 $0xFFFFFF80, s12;
	[sflag:s0] =	ssyncadd.s32 $0xFFFFD800  }
0xa9: {  	[spmem:s3] =	stream.indirect.scatter.add.f32 [tilespmem:s29], [sflag:$0x5], $0x80, s14, s28, $0xb8;
	[tilespmem:$0x1F800] =	vst v63  }
0xaa: {  	_ =	swait.ge [sflag:s6], $0x2800  }
0xab: {  	[sflag:s6] =	ssyncset.done $0x0  }
0xac: {  	p1 =	seq.s32 s11, $0x4740;
	s14 =	sadd.s32 $0x1E0, s13;
	[sflag:s6] =	ssyncadd.s32 $0xFFFFD800  }
0xad: {  	[tilespmem:s24], [sflag:$0x1] =	stream.indirect.gather [hbm4b:s2+s28], $0x80, s14, s28, $0xb8;
	[tilespmem:$0x1F800] =	vst v63  }
.Ltmp3:
0xae: {  	_ = 	snop;
	(pc) =	sbr.rel @p1 .LBB2_6-.Ltmp3, $4  }
0xaf: {  	_ =	swait.ge [sflag:s7], $0x2800  }
0xb0: {  	[sflag:s7] =	ssyncset.done $0x0  }
0xb1: {  	[sflag:s7] =	ssyncadd.s32 $0xFFFFD800  }
0xb2: {  	[spmem:s3] =	stream.indirect.scatter.add.f32 [tilespmem:s1], [sflag:$0x6], $0x80, s12, s28, $0xb8;
	[tilespmem:$0x1F800] =	vst v63  }
.Ltmp4:
0xb3: {  	(pc) =	sbr.rel .LBB2_4-.Ltmp4, $4  }
0xb4: {  	_ =	swait.ge [sflag:s9], $0x2800  }
0xb5: {  	s13 =	sadd.s32 $0x230, s13;
	[sflag:s9] =	ssyncset.done $0x0  }
0xb6: {  	s11 =	sadd.s32 $0x3C0, s11;
	s12 =	sadd.s32 $0x180, s12;
	[sflag:s9] =	ssyncadd.s32 $0xFFFFD800  }
0xb7: {  	[tilespmem:s29], [sflag:$0x2] =	stream.indirect.gather [hbm4b:s2+s28], $0x80, s13, s28, $0xb8;
	[tilespmem:$0x1F800] =	vst v63  }
.LBB2_6:
0xb8: {  	_ =	swait.ge [sflag:s30], $0x2800  }
0xb9: {  	[sflag:s30] =	ssyncset.done $0x0  }
0xba: {  	s11 =	simm.s32 $0x4700;
	[sflag:s30] =	ssyncadd.s32 $0xFFFFD800  }
0xbb: {  	[spmem:s3] =	stream.indirect.scatter.add.f32 [tilespmem:s24], [sflag:$0x4], $0x80, s11, s28, $0xb8;
	[tilespmem:$0x1F800] =	vst v63  }
0xbc: {  	_ =	swait.ge [sflag:s9], $0x2800  }
0xbd: {  	[sflag:s9] =	ssyncset.done $0x0  }
0xbe: {  	[sflag:s9] =	ssyncadd.s32 $0xFFFFD800  }
0xbf: {  	_ =	swait.ge [sflag:s10], $0x2800  }
0xc0: {  	[sflag:s10] =	ssyncset.done $0x0  }
0xc1: {  	[sflag:s10] =	ssyncadd.s32 $0xFFFFD800  }
0xc2: {  	_ =	swait.ge [sflag:s6], $0x2800  }
0xc3: {  	[sflag:s6] =	ssyncset.done $0x0  }
0xc4: {  	s12 =	sadd.s32 $0x400, s20;
	s11 =	simm.s32 $0x0;
	[sflag:s6] =	ssyncadd.s32 $0xFFFFD800  }
0xc5: {  	[tilespmem:s26], [sflag:$0x7] =	stream.linear.gather [hbm4b:s12+s11], $0x1E80, $0x38;
	[tilespmem:$0x1F800] =	vst v63  }
0xc6: {  	_ =	swait.ge [sflag:s25], $0x1E80  }
0xc7: {  	[sflag:s25] =	ssyncset.done $0x0  }
0xc8: {  	s14 =	simm.s32 $0x1400;
	[sflag:s25] =	ssyncadd.s32 $0xFFFFE180  }
0xc9: {  	[tilespmem:s24], [sflag:$0x1] =	stream.indirect.gather [hbm4b:s2+s28], $0x80, s14, s28, $0xb8;
	[tilespmem:$0x1F800] =	vst v63  }
0xca: {  	s13 =	simm.s32 $0x1450  }
0xcb: {  	[tilespmem:s29], [sflag:$0x2] =	stream.indirect.gather [hbm4b:s2+s28], $0x80, s13, s28, $0xb8;
	[tilespmem:$0x1F800] =	vst v63  }
0xcc: {  	_ =	swait.ge [sflag:s30], $0x2800  }
0xcd: {  	[sflag:s30] =	ssyncset.done $0x0  }
0xce: {  	[sflag:s30] =	ssyncadd.s32 $0xFFFFD800  }
0xcf: {  	[spmem:s3] =	stream.indirect.scatter.add.f32 [tilespmem:s24], [sflag:$0x4], $0x80, s26, s28, $0xb8;
	[tilespmem:$0x1F800] =	vst v63  }
0xd0: {  	s14 =	simm.s32 $0x14A0  }
0xd1: {  	[tilespmem:s1], [sflag:$0x3] =	stream.indirect.gather [hbm4b:s2+s28], $0x80, s14, s28, $0xb8;
	[tilespmem:$0x1F800] =	vst v63  }
0xd2: {  	_ =	swait.ge [sflag:s0], $0x2800  }
0xd3: {  	[sflag:s0] =	ssyncset.done $0x0  }
0xd4: {  	[sflag:s0] =	ssyncadd.s32 $0xFFFFD800  }
0xd5: {  	[spmem:s3] =	stream.indirect.scatter.add.f32 [tilespmem:s29], [sflag:$0x5], $0x80, s31, s28, $0xb8;
	[tilespmem:$0x1F800] =	vst v63  }
0xd6: {  	_ =	swait.ge [sflag:s6], $0x2800  }
0xd7: {  	[sflag:s6] =	ssyncset.done $0x0  }
0xd8: {  	s13 =	simm.s32 $0x14F0;
	[sflag:s6] =	ssyncadd.s32 $0xFFFFD800  }
0xd9: {  	[tilespmem:s24], [sflag:$0x1] =	stream.indirect.gather [hbm4b:s2+s28], $0x80, s13, s28, $0xb8;
	[tilespmem:$0x1F800] =	vst v63  }
0xda: {  	_ =	swait.ge [sflag:s7], $0x2800  }
0xdb: {  	[sflag:s7] =	ssyncset.done $0x0  }
0xdc: {  	[sflag:s7] =	ssyncadd.s32 $0xFFFFD800  }
0xdd: {  	[spmem:s3] =	stream.indirect.scatter.add.f32 [tilespmem:s1], [sflag:$0x6], $0x80, s8, s28, $0xb8;
	[tilespmem:$0x1F800] =	vst v63  }
0xde: {  	_ =	swait.ge [sflag:s9], $0x2800  }
0xdf: {  	[sflag:s9] =	ssyncset.done $0x0  }
0xe0: {  	s12 =	simm.s32 $0x2A00;
	s14 =	simm.s32 $0x1540;
	[sflag:s9] =	ssyncadd.s32 $0xFFFFD800  }
0xe1: {  	[tilespmem:s29], [sflag:$0x2] =	stream.indirect.gather [hbm4b:s2+s28], $0x80, s14, s28, $0xb8;
	[tilespmem:$0x1F800] =	vst v63  }
.LBB2_7:
0xe2: {  	_ =	swait.ge [sflag:s30], $0x2800  }
0xe3: {  	[sflag:s30] =	ssyncset.done $0x0  }
0xe4: {  	s13 =	sadd.s32 $0xFFFFFF00, s12;
	[sflag:s30] =	ssyncadd.s32 $0xFFFFD800  }
0xe5: {  	[spmem:s3] =	stream.indirect.scatter.add.f32 [tilespmem:s24], [sflag:$0x4], $0x80, s13, s28, $0xb8;
	[tilespmem:$0x1F800] =	vst v63  }
0xe6: {  	_ =	swait.ge [sflag:s10], $0x2800  }
0xe7: {  	s13 =	sshra.s32 s11, $0x2;
	[sflag:s10] =	ssyncset.done $0x0  }
0xe8: {  	s14 =	sadd.s32 $0x1590, s13;
	[sflag:s10] =	ssyncadd.s32 $0xFFFFD800  }
0xe9: {  	[tilespmem:s1], [sflag:$0x3] =	stream.indirect.gather [hbm4b:s2+s28], $0x80, s14, s28, $0xb8;
	[tilespmem:$0x1F800] =	vst v63  }
0xea: {  	_ =	swait.ge [sflag:s0], $0x2800  }
0xeb: {  	[sflag:s0] =	ssyncset.done $0x0  }
0xec: {  	s14 =	sadd.s32 $0xFFFFFF80, s12;
	[sflag:s0] =	ssyncadd.s32 $0xFFFFD800  }
0xed: {  	[spmem:s3] =	stream.indirect.scatter.add.f32 [tilespmem:s29], [sflag:$0x5], $0x80, s14, s28, $0xb8;
	[tilespmem:$0x1F800] =	vst v63  }
0xee: {  	_ =	swait.ge [sflag:s6], $0x2800  }
0xef: {  	[sflag:s6] =	ssyncset.done $0x0  }
0xf0: {  	p1 =	seq.s32 s11, $0x4380;
	s14 =	sadd.s32 $0x15E0, s13;
	[sflag:s6] =	ssyncadd.s32 $0xFFFFD800  }
0xf1: {  	[tilespmem:s24], [sflag:$0x1] =	stream.indirect.gather [hbm4b:s2+s28], $0x80, s14, s28, $0xb8;
	[tilespmem:$0x1F800] =	vst v63  }
.Ltmp5:
0xf2: {  	_ = 	snop;
	(pc) =	sbr.rel @p1 .LBB2_9-.Ltmp5, $4  }
0xf3: {  	_ =	swait.ge [sflag:s7], $0x2800  }
0xf4: {  	[sflag:s7] =	ssyncset.done $0x0  }
0xf5: {  	[sflag:s7] =	ssyncadd.s32 $0xFFFFD800  }
0xf6: {  	[spmem:s3] =	stream.indirect.scatter.add.f32 [tilespmem:s1], [sflag:$0x6], $0x80, s12, s28, $0xb8;
	[tilespmem:$0x1F800] =	vst v63  }
.Ltmp6:
0xf7: {  	(pc) =	sbr.rel .LBB2_7-.Ltmp6, $4  }
0xf8: {  	_ =	swait.ge [sflag:s9], $0x2800  }
0xf9: {  	s13 =	sadd.s32 $0x1630, s13;
	[sflag:s9] =	ssyncset.done $0x0  }
0xfa: {  	s11 =	sadd.s32 $0x3C0, s11;
	s12 =	sadd.s32 $0x180, s12;
	[sflag:s9] =	ssyncadd.s32 $0xFFFFD800  }
0xfb: {  	[tilespmem:s29], [sflag:$0x2] =	stream.indirect.gather [hbm4b:s2+s28], $0x80, s13, s28, $0xb8;
	[tilespmem:$0x1F800] =	vst v63  }
.LBB2_10:
0xfc: {  	_ =	sfence.sel $0x180000  }
0xfd: {  	[bflag:$0x0] =	sbarrier.arrive $0xFFFF  }
0xfe: {  	_ =	strace $0x9000004A  }
0xff: {  	[bflag:$0x2] =	sbarrier.arrive $0xFFFF  }
0x100: {  	s0 =	rddreg [dreg:$0x3]  }
0x101: {  	s0 =	sadd.s32 @!p0 $0x100000, s0  }
0x102: {  	[sflag:s0] =	ssyncadd.tile.s32 @!p0 $0x1;
	_ =	shalt  }
.Lfunc_end2:
_tile_overlayer_lowered:
.L_overlay_start_2:
0x103: {  	(tag) =	ssettag $0x2  }
0x104: {  	s0 =	rddreg [dreg:$0x0];
	s2 =	stileid.u32  }
0x105: {  	s1 =	rddreg [dreg:$0x1];
	p0 =	sne.s32 s2, $0x0  }
0x106: {  	s3 =	rddreg [dreg:$0x2];
	[bflag:$0x3] =	sbarrier.arrive $0xFFFF;
	s2 =	simm.s32 @!p0 $0x1C07  }
0x107: {  	[timem:s3], [sflag:s2] =	dma.local @!p0 [hbm:s0], s1  }
0x108: {  	s0 =	simm.s32 @!p0 $0x7  }
0x109: {  	_ =	swait.ge @!p0 [sflag:s0], s1  }
0x10a: {  	s1 =	ssub.s32 @!p0 $0x0, s1;
	[sflag:s0] =	ssyncset.done @!p0 $0x0  }
0x10b: {  	[sflag:s0] =	ssyncadd.s32 @!p0 s1  }
0x10c: {  	[bflag:$0x3] =	sbarrier.arrive $0xFFFF  }
0x10d: {  	_ =	shalt  }

</sc_bundles>
